<compile_context>
chip_gen: v7x
topology: tpu7x:2x2x1
jax: 0.10.2.dev20260603
libtpu: 0.0.44.dev20260713+nightly
codegen_flags: <defaults>
</compile_context>

<pallas_src>
import functools

import jax
import jax.numpy as jnp
from jax import lax
from jax.experimental import pallas as pl
from jax.experimental.pallas import tpu as pltpu
from jax.experimental.pallas import tpu_sc as plsc

N = 10000
E = 640000
D = 128
G = 64
NC = 2
NS = 16
NPAD = 10240
ROWS_PER_TILE = NPAD // NS
CH = 128
K = 157
K0 = 198
K1 = 2 * K - K0
CHTOT = NS * (K0 + K1)
EPAD = CHTOT * CH
DEGW = 128
BLK = 2000
NBLK = N // BLK

def _fill(ref, nrows, width, val):
    v = jnp.full((16,), val, jnp.float32)

    def st(i, carry):
        r = i // (width // 16)
        l = i - r * (width // 16)
        ref[r, pl.ds(l * 16, 16)] = v
        return carry

    lax.fori_loop(0, nrows * (width // 16), st, 0)


def _zero_acc_from(buf_ref, acc_sh, s):
    for q in range(ROWS_PER_TILE // CH):
        pltpu.sync_copy(
            buf_ref, acc_sh.at[pl.ds(s * ROWS_PER_TILE + q * CH, CH)]
        )


def _sc_degree_body(dst_hbm, out_hbm, dst_v, ones_v, zero_v, acc_sh, isem):
    c = lax.axis_index("c")
    s = lax.axis_index("s")
    _fill(ones_v, CH, DEGW, 1.0)
    _fill(zero_v, CH, DEGW, 0.0)
    _zero_acc_from(zero_v, acc_sh, s)
    plsc.subcore_barrier()

    pltpu.sync_copy(dst_hbm.at[c, s, 0], dst_v.at[0])

    def step(j, carry):
        slot = lax.rem(j, 2)
        nxt = 1 - slot

        @pl.when(j + 1 < K)
        def _():
            pltpu.async_copy(dst_hbm.at[c, s, j + 1], dst_v.at[nxt], isem.at[nxt])

        pltpu.sync_copy(ones_v, acc_sh.at[dst_v.at[slot]], add=True)

        @pl.when(j + 1 < K)
        def _():
            pltpu.make_async_copy(
                dst_hbm.at[c, s, j + 1], dst_v.at[nxt], isem.at[nxt]
            ).wait()

        return carry

    lax.fori_loop(0, K, step, 0)
    plsc.subcore_barrier()
    pltpu.sync_copy(
        acc_sh.at[pl.ds(s * ROWS_PER_TILE, ROWS_PER_TILE)],
        out_hbm.at[c, pl.ds(s * ROWS_PER_TILE, ROWS_PER_TILE)],
    )


def _sc_gather_scatter_body(
    table_hbm, sd_hbm, out_hbm, sd_v, rows_v, acc_sh, gsem, ssem, isem
):
    c = lax.axis_index("c")
    s = lax.axis_index("s")
    kc = jnp.where(c == 0, K0, K1)
    start = jnp.where(c == 0, s * K0, NS * K0 + s * K1)
    _fill(rows_v.at[0], CH, D, 0.0)
    _zero_acc_from(rows_v.at[0], acc_sh, s)
    plsc.subcore_barrier()

    pltpu.sync_copy(sd_hbm.at[start], sd_v.at[0])
    pltpu.async_copy(table_hbm.at[sd_v.at[0, 0]], rows_v.at[0], gsem.at[0])

    @pl.when(1 < kc)
    def _():
        pltpu.async_copy(sd_hbm.at[start + 1], sd_v.at[1], isem.at[1])

    def step(j, carry):
        slot = lax.rem(j, 2)
        nxt = 1 - slot
        i3 = lax.rem(j, 3)

        pltpu.make_async_copy(
            table_hbm.at[sd_v.at[i3, 0]], rows_v.at[slot], gsem.at[slot]
        ).wait()

        @pl.when(j + 1 < kc)
        def _():
            n3 = lax.rem(j + 1, 3)
            pltpu.make_async_copy(
                sd_hbm.at[start + j + 1], sd_v.at[n3], isem.at[n3]
            ).wait()

            @pl.when(j >= 1)
            def _():
                pltpu.make_async_copy(
                    rows_v.at[nxt], acc_sh.at[sd_v.at[n3, 1]], ssem.at[nxt]
                ).wait()

            pltpu.async_copy(table_hbm.at[sd_v.at[n3, 0]], rows_v.at[nxt], gsem.at[nxt])

        @pl.when(j + 2 < kc)
        def _():
            m3 = lax.rem(j + 2, 3)
            pltpu.async_copy(sd_hbm.at[start + j + 2], sd_v.at[m3], isem.at[m3])

        pltpu.async_copy(
            rows_v.at[slot], acc_sh.at[sd_v.at[i3, 1]], ssem.at[slot], add=True
        )
        return carry

    lax.fori_loop(0, kc, step, 0)
    pltpu.make_async_copy(
        rows_v.at[0], acc_sh.at[sd_v.at[0, 1]], ssem.at[0]
    ).wait()
    pltpu.make_async_copy(
        rows_v.at[1], acc_sh.at[sd_v.at[0, 1]], ssem.at[1]
    ).wait()
    plsc.subcore_barrier()
    pltpu.sync_copy(
        acc_sh.at[pl.ds(s * ROWS_PER_TILE, ROWS_PER_TILE)],
        out_hbm.at[c, pl.ds(s * ROWS_PER_TILE, ROWS_PER_TILE)],
    )


@functools.lru_cache(maxsize=None)
def _sc_kernels():
    mesh = plsc.VectorSubcoreMesh(
        core_axis_name="c", subcore_axis_name="s", num_cores=NC, num_subcores=NS
    )
    sc_degree = pl.kernel(
        _sc_degree_body,
        out_type=jax.ShapeDtypeStruct((NC, NPAD, DEGW), jnp.float32),
        mesh=mesh,
        scratch_types=[
            pltpu.VMEM((2, CH), jnp.int32),
            pltpu.VMEM((CH, DEGW), jnp.float32),
            pltpu.VMEM((CH, DEGW), jnp.float32),
            pltpu.VMEM_SHARED((NPAD, DEGW), jnp.float32),
            pltpu.SemaphoreType.DMA((2,)),
        ],
    )
    sc_gather_scatter = pl.kernel(
        _sc_gather_scatter_body,
        out_type=jax.ShapeDtypeStruct((NC, NPAD, D), jnp.float32),
        mesh=mesh,
        scratch_types=[
            pltpu.VMEM((3, 2, CH), jnp.int32),
            pltpu.VMEM((2, CH, D), jnp.float32),
            pltpu.VMEM_SHARED((NPAD, D), jnp.float32),
            pltpu.SemaphoreType.DMA((2,)),
            pltpu.SemaphoreType.DMA((2,)),
            pltpu.SemaphoreType.DMA((3,)),
        ],
    )
    return sc_degree, sc_gather_scatter


def _dinv_from(degp_ref):
    d = degp_ref[0] + degp_ref[1]
    return lax.rsqrt(d[:, 0:1] + 1.0)


def _tc_pre_body(x_ref, w1_ref, degp_ref, out_ref):
    dinv = _dinv_from(degp_ref)
    m = lax.dot_general(
        x_ref[...], w1_ref[...], (((1,), (1,)), ((), ())),
        preferred_element_type=jnp.float32,
    )
    out_ref[...] = m * dinv


_tc_pre = pl.pallas_call(
    _tc_pre_body,
    grid=(NBLK,),
    in_specs=[
        pl.BlockSpec((BLK, D), lambda i: (i, 0)),
        pl.BlockSpec((D, D), lambda i: (0, 0)),
        pl.BlockSpec((NC, BLK, DEGW), lambda i: (0, i, 0)),
    ],
    out_specs=pl.BlockSpec((BLK, D), lambda i: (i, 0)),
    out_shape=jax.ShapeDtypeStruct((N, D), jnp.float32),
)


def _tc_mid_body(degp_ref, accp_ref, h1s_ref, w2_ref, b1_ref, h1_ref, h2s_ref):
    dinv = _dinv_from(degp_ref)
    a = accp_ref[0] + accp_ref[1] + h1s_ref[...]
    h1 = jnp.maximum(a * dinv + b1_ref[...], 0.0)
    h1_ref[...] = h1
    m = lax.dot_general(
        h1, w2_ref[...], (((1,), (1,)), ((), ())), preferred_element_type=jnp.float32
    )
    h2s_ref[...] = m * dinv


_tc_mid = pl.pallas_call(
    _tc_mid_body,
    grid=(NBLK,),
    in_specs=[
        pl.BlockSpec((NC, BLK, DEGW), lambda i: (0, i, 0)),
        pl.BlockSpec((NC, BLK, D), lambda i: (0, i, 0)),
        pl.BlockSpec((BLK, D), lambda i: (i, 0)),
        pl.BlockSpec((D, D), lambda i: (0, 0)),
        pl.BlockSpec((1, D), lambda i: (0, 0)),
    ],
    out_specs=[
        pl.BlockSpec((BLK, D), lambda i: (i, 0)),
        pl.BlockSpec((BLK, D), lambda i: (i, 0)),
    ],
    out_shape=[
        jax.ShapeDtypeStruct((N, D), jnp.float32),
        jax.ShapeDtypeStruct((N, D), jnp.float32),
    ],
)


def _tc_final_body(
    degp_ref, accp_ref, h2s_ref, h1_ref, b2_ref, batch_ref,
    linw_ref, linb_ref,
    t_idx_ref, k_idx_ref, v_idx_ref,
    t_emb_ref, k_emb_ref, v_emb_ref,
    projw_ref, projb_ref,
    kid_ref, kemb_ref,
    cond_ref, condw_ref, condb_ref,
    loc_ref, locw_ref, locb_ref,
    m1w_ref, m1b_ref, m2w_ref, m2b_ref,
    y_ref, gsum, cnt,
):
    i = pl.program_id(0)

    @pl.when(i == 0)
    def _():
        gsum[...] = jnp.zeros_like(gsum)
        cnt[...] = jnp.zeros_like(cnt)

    dinv = _dinv_from(degp_ref)
    h2 = (
        (accp_ref[0] + accp_ref[1] + h2s_ref[...]) * dinv
        + b2_ref[...]
        + h1_ref[...]
    )
    ids = batch_ref[0, 0, :]
    onehot = (
        ids[None, :] == lax.broadcasted_iota(jnp.int32, (G, BLK), 0)
    ).astype(jnp.float32)
    gsum[...] += lax.dot_general(
        onehot, h2, (((1,), (0,)), ((), ())), preferred_element_type=jnp.float32
    )
    cnt[...] += jnp.sum(onehot, axis=1, keepdims=True)

    @pl.when(i == NBLK - 1)
    def _():
        g = gsum[...] / jnp.maximum(cnt[...], 1.0)
        g = (
            lax.dot_general(
                g, linw_ref[...], (((1,), (1,)), ((), ())),
                preferred_element_type=jnp.float32,
            )
            + linb_ref[...]
        )

        def emb_mean(idx_ref, emb_ref, v):
            idx = idx_ref[...]
            oh = (
                idx[:, :, None] == lax.broadcasted_iota(jnp.int32, (G, 16, v), 2)
            ).astype(jnp.float32)
            cnts = jnp.sum(oh, axis=1)
            keep = (lax.broadcasted_iota(jnp.int32, (1, v), 1) > 0).astype(jnp.float32)
            cnts = cnts * keep
            return (
                lax.dot_general(
                    cnts, emb_ref[...], (((1,), (0,)), ((), ())),
                    preferred_element_type=jnp.float32,
                )
                / 16.0
            )

        te = emb_mean(t_idx_ref, t_emb_ref, 5)
        ke = emb_mean(k_idx_ref, k_emb_ref, 6)
        ve = emb_mean(v_idx_ref, v_emb_ref, 10)
        pin = jnp.concatenate([te, ke, ve], axis=1)
        p = jnp.maximum(
            lax.dot_general(
                pin, projw_ref[...], (((1,), (1,)), ((), ())),
                preferred_element_type=jnp.float32,
            )
            + projb_ref[...],
            0.0,
        )

        kid = kid_ref[...][:, 0]
        koh = (
            kid[:, None] == lax.broadcasted_iota(jnp.int32, (G, 2), 1)
        ).astype(jnp.float32)
        kvec = lax.dot_general(
            koh, kemb_ref[...], (((1,), (0,)), ((), ())),
            preferred_element_type=jnp.float32,
        )

        cvec = jnp.maximum(
            lax.dot_general(
                cond_ref[...], condw_ref[...], (((1,), (1,)), ((), ())),
                preferred_element_type=jnp.float32,
            )
            + condb_ref[...],
            0.0,
        )
        lvec = jnp.maximum(
            lax.dot_general(
                loc_ref[...], locw_ref[...], (((1,), (1,)), ((), ())),
                preferred_element_type=jnp.float32,
            )
            + locb_ref[...],
            0.0,
        )

        z = jnp.concatenate([g, p, kvec, cvec, lvec], axis=1)
        hmid = jnp.maximum(
            lax.dot_general(
                z, m1w_ref[...], (((1,), (1,)), ((), ())),
                preferred_element_type=jnp.float32,
            )
            + m1b_ref[...],
            0.0,
        )
        y_ref[...] = (
            lax.dot_general(
                hmid, m2w_ref[...], (((1,), (1,)), ((), ())),
                preferred_element_type=jnp.float32,
            )
            + m2b_ref[...]
        )


_whole = lambda shape: pl.BlockSpec(shape, lambda i: tuple(0 for _ in shape))

_tc_final = pl.pallas_call(
    _tc_final_body,
    grid=(NBLK,),
    in_specs=[
        pl.BlockSpec((NC, BLK, DEGW), lambda i: (0, i, 0)),
        pl.BlockSpec((NC, BLK, D), lambda i: (0, i, 0)),
        pl.BlockSpec((BLK, D), lambda i: (i, 0)),
        pl.BlockSpec((BLK, D), lambda i: (i, 0)),
        _whole((1, D)),
        pl.BlockSpec((1, 1, BLK), lambda i: (i, 0, 0)),
        _whole((D, D)),
        _whole((1, D)),
        _whole((G, 16)),
        _whole((G, 16)),
        _whole((G, 16)),
        _whole((5, 64)),
        _whole((6, 64)),
        _whole((10, 64)),
        _whole((D, 192)),
        _whole((1, D)),
        _whole((G, 1)),
        _whole((2, 16)),
        _whole((G, 8)),
        _whole((16, 8)),
        _whole((1, 16)),
        _whole((G, 6)),
        _whole((16, 6)),
        _whole((1, 16)),
        _whole((D, 304)),
        _whole((1, D)),
        _whole((3, D)),
        _whole((1, 3)),
    ],
    out_specs=pl.BlockSpec((G, 3), lambda i: (0, 0)),
    out_shape=jax.ShapeDtypeStruct((G, 3), jnp.float32),
    scratch_shapes=[
        pltpu.VMEM((G, D), jnp.float32),
        pltpu.VMEM((G, D), jnp.float32),
    ],
)


def kernel(
    x, edge_index, batch_idx, sol_type_idx, sol_key_idx, sol_val_idx, kernel_id,
    cond_vec, local_feats, conv1_W, conv1_b, conv2_W, conv2_b, lin_out_W,
    lin_out_b, type_emb, key_emb, val_emb, proj_W, proj_b, kernel_emb, cond_W,
    cond_b, local_W, local_b, mlp1_W, mlp1_b, mlp2_W, mlp2_b,
):
    f32 = jnp.float32
    pad = EPAD - E
    src_p = jnp.concatenate(
        [edge_index[0], jnp.zeros((pad,), jnp.int32)]
    ).reshape(NC, NS, K, CH)
    dst_p = jnp.concatenate(
        [edge_index[1], jnp.full((pad,), N, jnp.int32)]
    ).reshape(NC, NS, K, CH)
    sd_p = jnp.stack(
        [src_p.reshape(CHTOT, CH), dst_p.reshape(CHTOT, CH)], axis=1
    )
    sc_degree, sc_gather_scatter = _sc_kernels()
    degp = sc_degree(dst_p)
    h1s = _tc_pre(x, conv1_W, degp)
    acc1p = sc_gather_scatter(h1s, sd_p)
    h1, h2s = _tc_mid(degp, acc1p, h1s, conv2_W, conv1_b.reshape(1, D))
    acc2p = sc_gather_scatter(h2s, sd_p)

    batch3 = batch_idx.reshape(NBLK, 1, BLK)
    y = _tc_final(
        degp, acc2p, h2s, h1, conv2_b.reshape(1, D), batch3,
        lin_out_W, lin_out_b.reshape(1, D),
        sol_type_idx, sol_key_idx, sol_val_idx,
        type_emb, key_emb, val_emb,
        proj_W, proj_b.reshape(1, D),
        kernel_id.reshape(G, 1), kernel_emb,
        cond_vec, cond_W, cond_b.reshape(1, 16),
        local_feats, local_W, local_b.reshape(1, 16),
        mlp1_W, mlp1_b.reshape(1, D), mlp2_W, mlp2_b.reshape(1, 3),
    )
    return y

# --- scband reference (transcript-rebuilt; emitter-appended) ---
"""Pipeline reference for scband-crypto-gnn-46136538693914 (READ-ONLY COPY).

The authoritative reference and input builder live on the scoring server;
editing this copy changes nothing except your own understanding.
"""

import jax, jax.numpy as jnp
import numpy as np

N_NODES = 10000
N_EDGES = 640000
N_GRAPHS = 64
IN_DIM = 128
HIDDEN = 128
EMB_DIM = 64
KDIM = 16
COND_DIM = 8
LOCAL_DIM = 6
OUT_DIM = 3
PRAGMA_LEN = 16


def gcn_conv(x, edge_index, W, b):
    n = x.shape[0]
    loop = jnp.arange(n, dtype=edge_index.dtype)
    src = jnp.concatenate([edge_index[0], loop])
    dst = jnp.concatenate([edge_index[1], loop])
    h = x @ W.T
    deg = jnp.zeros((n,), dtype=h.dtype).at[dst].add(1.0)
    dinv = jnp.where(deg > 0, jax.lax.rsqrt(jnp.maximum(deg, 1e-12)), 0.0)
    norm = dinv[src] * dinv[dst]
    msg = h[src] * norm[:, None]
    out = jnp.zeros((n, h.shape[1]), dtype=h.dtype).at[dst].add(msg)
    return out + b


def global_mean_pool(h, seg, num_segments):
    s = jax.ops.segment_sum(h, seg, num_segments=num_segments)
    cnt = jax.ops.segment_sum(jnp.ones((h.shape[0],), h.dtype), seg, num_segments=num_segments)
    return s / jnp.maximum(cnt, 1.0)[:, None]


def setup_inputs(seed: int = 0) -> dict:
    key = jax.random.key(seed)
    ks = jax.random.split(key, 32)
    s = 0.05
    inp = {}
    inp["x"] = jax.random.normal(ks[0], (N_NODES, IN_DIM), dtype=jnp.float32)
    inp["edge_index"] = jax.random.randint(ks[1], (2, N_EDGES), 0, N_NODES, dtype=jnp.int32)
    inp["batch_idx"] = jnp.sort(jax.random.randint(ks[2], (N_NODES,), 0, N_GRAPHS, dtype=jnp.int32))
    inp["sol_type_idx"] = jax.random.randint(ks[3], (N_GRAPHS, PRAGMA_LEN), 0, 5, dtype=jnp.int32)
    inp["sol_key_idx"] = jax.random.randint(ks[4], (N_GRAPHS, PRAGMA_LEN), 0, 6, dtype=jnp.int32)
    inp["sol_val_idx"] = jax.random.randint(ks[5], (N_GRAPHS, PRAGMA_LEN), 0, 10, dtype=jnp.int32)
    inp["kernel_id"] = jax.random.randint(ks[6], (N_GRAPHS,), 0, 2, dtype=jnp.int32)
    inp["cond_vec"] = jax.random.normal(ks[7], (N_GRAPHS, COND_DIM), dtype=jnp.float32)
    inp["local_feats"] = jax.random.normal(ks[8], (N_GRAPHS, LOCAL_DIM), dtype=jnp.float32)
    inp["conv1_W"] = jax.random.normal(ks[9], (HIDDEN, IN_DIM), dtype=jnp.float32) * s
    inp["conv1_b"] = jnp.zeros((HIDDEN,), jnp.float32)
    inp["conv2_W"] = jax.random.normal(ks[10], (HIDDEN, HIDDEN), dtype=jnp.float32) * s
    inp["conv2_b"] = jnp.zeros((HIDDEN,), jnp.float32)
    inp["lin_out_W"] = jax.random.normal(ks[11], (HIDDEN, HIDDEN), dtype=jnp.float32) * s
    inp["lin_out_b"] = jnp.zeros((HIDDEN,), jnp.float32)
    inp["type_emb"] = (jax.random.normal(ks[12], (5, EMB_DIM), dtype=jnp.float32) * s).at[0].set(0.0)
    inp["key_emb"] = (jax.random.normal(ks[13], (6, EMB_DIM), dtype=jnp.float32) * s).at[0].set(0.0)
    inp["val_emb"] = (jax.random.normal(ks[14], (10, EMB_DIM), dtype=jnp.float32) * s).at[0].set(0.0)
    inp["proj_W"] = jax.random.normal(ks[15], (HIDDEN, EMB_DIM * 3), dtype=jnp.float32) * s
    inp["proj_b"] = jnp.zeros((HIDDEN,), jnp.float32)
    inp["kernel_emb"] = jax.random.normal(ks[16], (2, KDIM), dtype=jnp.float32) * s
    inp["cond_W"] = jax.random.normal(ks[17], (KDIM, COND_DIM), dtype=jnp.float32) * s
    inp["cond_b"] = jnp.zeros((KDIM,), jnp.float32)
    inp["local_W"] = jax.random.normal(ks[18], (KDIM, LOCAL_DIM), dtype=jnp.float32) * s
    inp["local_b"] = jnp.zeros((KDIM,), jnp.float32)
    fuse_in = HIDDEN + HIDDEN + 3 * KDIM
    inp["mlp1_W"] = jax.random.normal(ks[19], (HIDDEN, fuse_in), dtype=jnp.float32) * s
    inp["mlp1_b"] = jnp.zeros((HIDDEN,), jnp.float32)
    inp["mlp2_W"] = jax.random.normal(ks[20], (OUT_DIM, HIDDEN), dtype=jnp.float32) * s
    inp["mlp2_b"] = jnp.zeros((OUT_DIM,), jnp.float32)
    return inp


def reference(x, edge_index, batch_idx, sol_type_idx, sol_key_idx, sol_val_idx, kernel_id, cond_vec, local_feats, conv1_W, conv1_b, conv2_W, conv2_b, lin_out_W, lin_out_b, type_emb, key_emb, val_emb, proj_W, proj_b, kernel_emb, cond_W, cond_b, local_W, local_b, mlp1_W, mlp1_b, mlp2_W, mlp2_b):
    # GraphEncoder
    h = jax.nn.relu(gcn_conv(x, edge_index, conv1_W, conv1_b))
    h = gcn_conv(h, edge_index, conv2_W, conv2_b) + h
    g = global_mean_pool(h, batch_idx, N_GRAPHS)
    g = g @ lin_out_W.T + lin_out_b
    # PragmaEncoder (padding_idx=0 rows are zero in tables; mask preserves that semantics)
    te = type_emb[sol_type_idx] * (sol_type_idx != 0).astype(jnp.float32)[..., None]
    ke = key_emb[sol_key_idx] * (sol_key_idx != 0).astype(jnp.float32)[..., None]
    ve = val_emb[sol_val_idx] * (sol_val_idx != 0).astype(jnp.float32)[..., None]
    seq = jnp.concatenate([te, ke, ve], axis=-1).mean(axis=1)
    p = jax.nn.relu(seq @ proj_W.T + proj_b)
    # kernel / cond / local branches
    k = kernel_emb[kernel_id.reshape(-1)]
    c = jax.nn.relu(cond_vec @ cond_W.T + cond_b)
    l = jax.nn.relu(local_feats @ local_W.T + local_b)
    z = jnp.concatenate([g, p, k, c, l], axis=1)
    y = jax.nn.relu(z @ mlp1_W.T + mlp1_b) @ mlp2_W.T + mlp2_b
    return y

if __name__ == "__main__":
    import jax
    _d = setup_inputs()
    print(jax.jit(kernel)(*tuple(_d.values())))

</pallas_src>

<mosaic_0001>
#map = affine_map<(d0, d1) -> (0, 0)>
#map1 = affine_map<(d0, d1) -> (0, 0, 0)>
module attributes {stable_mosaic.version = 14 : i64} {
  func.func @_sc_gather_scatter_body(%arg0: i32, %arg1: i32, %arg2: memref<10000x128xf32, #tpu.memory_space<hbm>>, %arg3: memref<5024x2x128xi32, #tpu.memory_space<hbm>>, %arg4: memref<2x10240x128xf32, #tpu.memory_space<hbm>>, %arg5: memref<3x2x128xi32, #tpu.memory_space<vmem>>, %arg6: memref<2x128x128xf32, #tpu.memory_space<vmem>>, %arg7: memref<10240x128xf32, #tpu.memory_space<vmem_shared>>, %arg8: memref<2x!tpu.dma_semaphore, #tpu.memory_space<semaphore_mem>>, %arg9: memref<2x!tpu.dma_semaphore, #tpu.memory_space<semaphore_mem>>, %arg10: memref<3x!tpu.dma_semaphore, #tpu.memory_space<semaphore_mem>>) attributes {dimension_semantics = [#tpu.dimension_semantics<core_parallel>, #tpu.dimension_semantics<subcore_parallel>], iteration_bounds = array<i64: 2, 16>, scalar_prefetch = 0 : i64, scratch_operands = 6 : i64, tpu.core_type = #tpu.core_type<sc_vector_subcore>, window_params = [{transform_indices = #map}, {transform_indices = #map1}, {transform_indices = #map1}]} {
    %eq3A = arith.constant 0 : i32
    %eq3A_0 = arith.cmpi eq, %arg0, %eq3A : i32
    %jit3A = arith.constant 198 : i32
    %jit3A_1 = arith.constant 116 : i32
    %select_n3A = arith.select %eq3A_0, %jit3A, %jit3A_1 : i32
    %eq3A_2 = arith.constant 0 : i32
    %eq3A_3 = arith.cmpi eq, %arg0, %eq3A_2 : i32
    %mul3A = arith.constant 198 : i32
    %mul3A_4 = arith.muli %arg1, %mul3A : i32
    %mul3A_5 = arith.constant 116 : i32
    %mul3A_6 = arith.muli %arg1, %mul3A_5 : i32
    %add3A = arith.constant 3168 : i32
    %add3A_7 = arith.addi %add3A, %mul3A_6 : i32
    %select_n3A_8 = arith.select %eq3A_3, %mul3A_4, %add3A_7 : i32
    %broadcast_in_dim3A = arith.constant 0.000000e+00 : f32
    %broadcast_in_dim3A_9 = vector.broadcast %broadcast_in_dim3A : f32 to vector<16xf32>
    %scan3A = arith.constant 0 : i32
    %scan3A_10 = arith.constant 0 : i32
    %scan3A_11 = arith.constant 0 : i32
    %scan3A_12 = arith.constant 1024 : i32
    %scan3A_13 = arith.addi %scan3A_11, %scan3A_12 : i32
    %scan3A_14 = arith.constant 1 : i32
    scf.for %scan3A_103 = %scan3A_11 to %scan3A_13 step %scan3A_14  : i32 {
      %jit3A_104 = arith.constant 8 : i32
      %div3A = arith.divsi %scan3A_103, %jit3A_104 : i32
      %sign3A = arith.constant 0 : i32
      %sign3A_105 = arith.cmpi sgt, %scan3A_103, %sign3A : i32
      %sign3A_106 = arith.extui %sign3A_105 : i1 to i32
      %sign3A_107 = arith.constant 0 : i32
      %sign3A_108 = arith.cmpi slt, %scan3A_103, %sign3A_107 : i32
      %sign3A_109 = arith.extui %sign3A_108 : i1 to i32
      %sign3A_110 = arith.subi %sign3A_106, %sign3A_109 : i32
      %sign3A_111 = arith.constant 0 : i32
      %sign3A_112 = arith.cmpi sgt, %jit3A_104, %sign3A_111 : i32
      %sign3A_113 = arith.extui %sign3A_112 : i1 to i32
      %sign3A_114 = arith.constant 0 : i32
      %sign3A_115 = arith.cmpi slt, %jit3A_104, %sign3A_114 : i32
      %sign3A_116 = arith.extui %sign3A_115 : i1 to i32
      %sign3A_117 = arith.subi %sign3A_113, %sign3A_116 : i32
      %ne3A = arith.cmpi ne, %sign3A_110, %sign3A_117 : i32
      %rem3A = arith.remsi %scan3A_103, %jit3A_104 : i32
      %ne3A_118 = arith.constant 0 : i32
      %ne3A_119 = arith.cmpi ne, %rem3A, %ne3A_118 : i32
      %and3A = arith.andi %ne3A, %ne3A_119 : i1
      %sub3A = arith.constant 1 : i32
      %sub3A_120 = arith.subi %div3A, %sub3A : i32
      %select_n3A_121 = arith.select %and3A, %sub3A_120, %div3A : i32
      %mul3A_122 = arith.constant 8 : i32
      %mul3A_123 = arith.muli %select_n3A_121, %mul3A_122 : i32
      %sub3A_124 = arith.subi %scan3A_103, %mul3A_123 : i32
      %mul3A_125 = arith.constant 16 : i32
      %mul3A_126 = arith.muli %sub3A_124, %mul3A_125 : i32
      %swap3A = arith.constant 0 : i32
      %swap3A_127 = arith.constant 0 : i32
      %swap3A_128 = tpu.memref_slice %arg6[%scan3A_10, %swap3A, %swap3A_127] : memref<2x128x128xf32, #tpu.memory_space<vmem>> -> memref<1x128x128xf32, #tpu.memory_space<vmem>>
      %swap3A_129 = tpu.memref_squeeze %swap3A_128 : memref<1x128x128xf32, #tpu.memory_space<vmem>> -> memref<128x128xf32, #tpu.memory_space<vmem>>
      %swap3A_130 = arith.index_cast %select_n3A_121 : i32 to index
      %swap3A_131 = arith.index_cast %mul3A_126 : i32 to index
      %swap3A_132 = tpu.vector_load %swap3A_129[%swap3A_130, %swap3A_131] {strides = array<i32>} : memref<128x128xf32, #tpu.memory_space<vmem>>, vector<1x16xf32>,
      %swap3A_133 = vector.shape_cast %swap3A_132 : vector<1x16xf32> to vector<16xf32>
      %swap3A_134 = vector.shape_cast %broadcast_in_dim3A_9 : vector<16xf32> to vector<1x16xf32>
      tpu.vector_store %swap3A_129[%swap3A_130, %swap3A_131], %swap3A_134 {strides = array<i32>} : memref<128x128xf32, #tpu.memory_space<vmem>>, vector<1x16xf32>,
    }
    %scan3A_15 = arith.constant 1024 : i32
    %mul3A_16 = arith.constant 640 : i32
    %mul3A_17 = arith.muli %arg1, %mul3A_16 : i32
    %add3A_18 = arith.constant 0 : i32
    %add3A_19 = arith.addi %mul3A_17, %add3A_18 : i32
    %run_scoped3A = arith.constant 0 : i32
    "tpu.region"() ({
      %run_scoped3A_103 = tpu.sem_alloc : memref<!tpu.dma_semaphore, #tpu.memory_space<semaphore_mem>>
      %dma_start3A_104 = arith.constant 0 : i32
      %dma_start3A_105 = arith.constant 0 : i32
      %dma_start3A_106 = tpu.memref_slice %arg6[%run_scoped3A, %dma_start3A_104, %dma_start3A_105] : memref<2x128x128xf32, #tpu.memory_space<vmem>> -> memref<1x128x128xf32, #tpu.memory_space<vmem>>
      %dma_start3A_107 = tpu.memref_squeeze %dma_start3A_106 : memref<1x128x128xf32, #tpu.memory_space<vmem>> -> memref<128x128xf32, #tpu.memory_space<vmem>>
      %dma_start3A_108 = arith.constant 0 : i32
      %dma_start3A_109 = tpu.memref_slice %arg7[%add3A_19, %dma_start3A_108] : memref<10240x128xf32, #tpu.memory_space<vmem_shared>> -> memref<128x128xf32, #tpu.memory_space<vmem_shared>>
      %dma_start3A_110 = arith.constant 0 : i32
      %dma_start3A_111 = tpu.memref_slice %arg7[%add3A_19, %dma_start3A_110] : memref<10240x128xf32, #tpu.memory_space<vmem_shared>> -> memref<128x128xf32, #tpu.memory_space<vmem_shared>>
      %dma_start3A_112 = arith.constant 0 : i32
      %dma_start3A_113 = arith.constant 0 : i32
      %dma_start3A_114 = tpu.memref_slice %arg6[%run_scoped3A, %dma_start3A_112, %dma_start3A_113] : memref<2x128x128xf32, #tpu.memory_space<vmem>> -> memref<1x128x128xf32, #tpu.memory_space<vmem>>
      %dma_start3A_115 = tpu.memref_squeeze %dma_start3A_114 : memref<1x128x128xf32, #tpu.memory_space<vmem>> -> memref<128x128xf32, #tpu.memory_space<vmem>>
      tpu.enqueue_dma source(%dma_start3A_115 : memref<128x128xf32, #tpu.memory_space<vmem>>) target(%dma_start3A_111 : memref<128x128xf32, #tpu.memory_space<vmem_shared>>) target_semaphore(%run_scoped3A_103 : memref<!tpu.dma_semaphore, #tpu.memory_space<semaphore_mem>>)
      %dma_wait3A_116 = arith.constant 0 : i32
      %dma_wait3A_117 = arith.constant 0 : i32
      %dma_wait3A_118 = tpu.memref_slice %arg6[%run_scoped3A, %dma_wait3A_116, %dma_wait3A_117] : memref<2x128x128xf32, #tpu.memory_space<vmem>> -> memref<1x128x128xf32, #tpu.memory_space<vmem>>
      %dma_wait3A_119 = tpu.memref_squeeze %dma_wait3A_118 : memref<1x128x128xf32, #tpu.memory_space<vmem>> -> memref<128x128xf32, #tpu.memory_space<vmem>>
      %dma_wait3A_120 = arith.constant 0 : i32
      %dma_wait3A_121 = tpu.memref_slice %arg7[%add3A_19, %dma_wait3A_120] : memref<10240x128xf32, #tpu.memory_space<vmem_shared>> -> memref<128x128xf32, #tpu.memory_space<vmem_shared>>
      %dma_wait3A_122 = arith.constant 0 : i32
      %dma_wait3A_123 = tpu.memref_slice %arg7[%add3A_19, %dma_wait3A_122] : memref<10240x128xf32, #tpu.memory_space<vmem_shared>> -> memref<128x128xf32, #tpu.memory_space<vmem_shared>>
      %dma_wait3A_124 = arith.constant 0 : i32
      %dma_wait3A_125 = arith.constant 0 : i32
      %dma_wait3A_126 = tpu.memref_slice %arg6[%run_scoped3A, %dma_wait3A_124, %dma_wait3A_125] : memref<2x128x128xf32, #tpu.memory_space<vmem>> -> memref<1x128x128xf32, #tpu.memory_space<vmem>>
      %dma_wait3A_127 = tpu.memref_squeeze %dma_wait3A_126 : memref<1x128x128xf32, #tpu.memory_space<vmem>> -> memref<128x128xf32, #tpu.memory_space<vmem>>
      tpu.wait_dma2 semaphore(%run_scoped3A_103 : memref<!tpu.dma_semaphore, #tpu.memory_space<semaphore_mem>>) src(%dma_wait3A_127 : memref<128x128xf32, #tpu.memory_space<vmem>>) dst(%dma_wait3A_123 : memref<128x128xf32, #tpu.memory_space<vmem_shared>>)
      tpu.yield
    }) : () -> ()
    %mul3A_20 = arith.constant 640 : i32
    %mul3A_21 = arith.muli %arg1, %mul3A_20 : i32
    %add3A_22 = arith.constant 128 : i32
    %add3A_23 = arith.addi %mul3A_21, %add3A_22 : i32
    %run_scoped3A_24 = arith.constant 0 : i32
    "tpu.region"() ({
      %run_scoped3A_103 = tpu.sem_alloc : memref<!tpu.dma_semaphore, #tpu.memory_space<semaphore_mem>>
      %dma_start3A_104 = arith.constant 0 : i32
      %dma_start3A_105 = arith.constant 0 : i32
      %dma_start3A_106 = tpu.memref_slice %arg6[%run_scoped3A_24, %dma_start3A_104, %dma_start3A_105] : memref<2x128x128xf32, #tpu.memory_space<vmem>> -> memref<1x128x128xf32, #tpu.memory_space<vmem>>
      %dma_start3A_107 = tpu.memref_squeeze %dma_start3A_106 : memref<1x128x128xf32, #tpu.memory_space<vmem>> -> memref<128x128xf32, #tpu.memory_space<vmem>>
      %dma_start3A_108 = arith.constant 0 : i32
      %dma_start3A_109 = tpu.memref_slice %arg7[%add3A_23, %dma_start3A_108] : memref<10240x128xf32, #tpu.memory_space<vmem_shared>> -> memref<128x128xf32, #tpu.memory_space<vmem_shared>>
      %dma_start3A_110 = arith.constant 0 : i32
      %dma_start3A_111 = tpu.memref_slice %arg7[%add3A_23, %dma_start3A_110] : memref<10240x128xf32, #tpu.memory_space<vmem_shared>> -> memref<128x128xf32, #tpu.memory_space<vmem_shared>>
      %dma_start3A_112 = arith.constant 0 : i32
      %dma_start3A_113 = arith.constant 0 : i32
      %dma_start3A_114 = tpu.memref_slice %arg6[%run_scoped3A_24, %dma_start3A_112, %dma_start3A_113] : memref<2x128x128xf32, #tpu.memory_space<vmem>> -> memref<1x128x128xf32, #tpu.memory_space<vmem>>
      %dma_start3A_115 = tpu.memref_squeeze %dma_start3A_114 : memref<1x128x128xf32, #tpu.memory_space<vmem>> -> memref<128x128xf32, #tpu.memory_space<vmem>>
      tpu.enqueue_dma source(%dma_start3A_115 : memref<128x128xf32, #tpu.memory_space<vmem>>) target(%dma_start3A_111 : memref<128x128xf32, #tpu.memory_space<vmem_shared>>) target_semaphore(%run_scoped3A_103 : memref<!tpu.dma_semaphore, #tpu.memory_space<semaphore_mem>>)
      %dma_wait3A_116 = arith.constant 0 : i32
      %dma_wait3A_117 = arith.constant 0 : i32
      %dma_wait3A_118 = tpu.memref_slice %arg6[%run_scoped3A_24, %dma_wait3A_116, %dma_wait3A_117] : memref<2x128x128xf32, #tpu.memory_space<vmem>> -> memref<1x128x128xf32, #tpu.memory_space<vmem>>
      %dma_wait3A_119 = tpu.memref_squeeze %dma_wait3A_118 : memref<1x128x128xf32, #tpu.memory_space<vmem>> -> memref<128x128xf32, #tpu.memory_space<vmem>>
      %dma_wait3A_120 = arith.constant 0 : i32
      %dma_wait3A_121 = tpu.memref_slice %arg7[%add3A_23, %dma_wait3A_120] : memref<10240x128xf32, #tpu.memory_space<vmem_shared>> -> memref<128x128xf32, #tpu.memory_space<vmem_shared>>
      %dma_wait3A_122 = arith.constant 0 : i32
      %dma_wait3A_123 = tpu.memref_slice %arg7[%add3A_23, %dma_wait3A_122] : memref<10240x128xf32, #tpu.memory_space<vmem_shared>> -> memref<128x128xf32, #tpu.memory_space<vmem_shared>>
      %dma_wait3A_124 = arith.constant 0 : i32
      %dma_wait3A_125 = arith.constant 0 : i32
      %dma_wait3A_126 = tpu.memref_slice %arg6[%run_scoped3A_24, %dma_wait3A_124, %dma_wait3A_125] : memref<2x128x128xf32, #tpu.memory_space<vmem>> -> memref<1x128x128xf32, #tpu.memory_space<vmem>>
      %dma_wait3A_127 = tpu.memref_squeeze %dma_wait3A_126 : memref<1x128x128xf32, #tpu.memory_space<vmem>> -> memref<128x128xf32, #tpu.memory_space<vmem>>
      tpu.wait_dma2 semaphore(%run_scoped3A_103 : memref<!tpu.dma_semaphore, #tpu.memory_space<semaphore_mem>>) src(%dma_wait3A_127 : memref<128x128xf32, #tpu.memory_space<vmem>>) dst(%dma_wait3A_123 : memref<128x128xf32, #tpu.memory_space<vmem_shared>>)
      tpu.yield
    }) : () -> ()
    %mul3A_25 = arith.constant 640 : i32
    %mul3A_26 = arith.muli %arg1, %mul3A_25 : i32
    %add3A_27 = arith.constant 256 : i32
    %add3A_28 = arith.addi %mul3A_26, %add3A_27 : i32
    %run_scoped3A_29 = arith.constant 0 : i32
    "tpu.region"() ({
      %run_scoped3A_103 = tpu.sem_alloc : memref<!tpu.dma_semaphore, #tpu.memory_space<semaphore_mem>>
      %dma_start3A_104 = arith.constant 0 : i32
      %dma_start3A_105 = arith.constant 0 : i32
      %dma_start3A_106 = tpu.memref_slice %arg6[%run_scoped3A_29, %dma_start3A_104, %dma_start3A_105] : memref<2x128x128xf32, #tpu.memory_space<vmem>> -> memref<1x128x128xf32, #tpu.memory_space<vmem>>
      %dma_start3A_107 = tpu.memref_squeeze %dma_start3A_106 : memref<1x128x128xf32, #tpu.memory_space<vmem>> -> memref<128x128xf32, #tpu.memory_space<vmem>>
      %dma_start3A_108 = arith.constant 0 : i32
      %dma_start3A_109 = tpu.memref_slice %arg7[%add3A_28, %dma_start3A_108] : memref<10240x128xf32, #tpu.memory_space<vmem_shared>> -> memref<128x128xf32, #tpu.memory_space<vmem_shared>>
      %dma_start3A_110 = arith.constant 0 : i32
      %dma_start3A_111 = tpu.memref_slice %arg7[%add3A_28, %dma_start3A_110] : memref<10240x128xf32, #tpu.memory_space<vmem_shared>> -> memref<128x128xf32, #tpu.memory_space<vmem_shared>>
      %dma_start3A_112 = arith.constant 0 : i32
      %dma_start3A_113 = arith.constant 0 : i32
      %dma_start3A_114 = tpu.memref_slice %arg6[%run_scoped3A_29, %dma_start3A_112, %dma_start3A_113] : memref<2x128x128xf32, #tpu.memory_space<vmem>> -> memref<1x128x128xf32, #tpu.memory_space<vmem>>
      %dma_start3A_115 = tpu.memref_squeeze %dma_start3A_114 : memref<1x128x128xf32, #tpu.memory_space<vmem>> -> memref<128x128xf32, #tpu.memory_space<vmem>>
      tpu.enqueue_dma source(%dma_start3A_115 : memref<128x128xf32, #tpu.memory_space<vmem>>) target(%dma_start3A_111 : memref<128x128xf32, #tpu.memory_space<vmem_shared>>) target_semaphore(%run_scoped3A_103 : memref<!tpu.dma_semaphore, #tpu.memory_space<semaphore_mem>>)
      %dma_wait3A_116 = arith.constant 0 : i32
      %dma_wait3A_117 = arith.constant 0 : i32
      %dma_wait3A_118 = tpu.memref_slice %arg6[%run_scoped3A_29, %dma_wait3A_116, %dma_wait3A_117] : memref<2x128x128xf32, #tpu.memory_space<vmem>> -> memref<1x128x128xf32, #tpu.memory_space<vmem>>
      %dma_wait3A_119 = tpu.memref_squeeze %dma_wait3A_118 : memref<1x128x128xf32, #tpu.memory_space<vmem>> -> memref<128x128xf32, #tpu.memory_space<vmem>>
      %dma_wait3A_120 = arith.constant 0 : i32
      %dma_wait3A_121 = tpu.memref_slice %arg7[%add3A_28, %dma_wait3A_120] : memref<10240x128xf32, #tpu.memory_space<vmem_shared>> -> memref<128x128xf32, #tpu.memory_space<vmem_shared>>
      %dma_wait3A_122 = arith.constant 0 : i32
      %dma_wait3A_123 = tpu.memref_slice %arg7[%add3A_28, %dma_wait3A_122] : memref<10240x128xf32, #tpu.memory_space<vmem_shared>> -> memref<128x128xf32, #tpu.memory_space<vmem_shared>>
      %dma_wait3A_124 = arith.constant 0 : i32
      %dma_wait3A_125 = arith.constant 0 : i32
      %dma_wait3A_126 = tpu.memref_slice %arg6[%run_scoped3A_29, %dma_wait3A_124, %dma_wait3A_125] : memref<2x128x128xf32, #tpu.memory_space<vmem>> -> memref<1x128x128xf32, #tpu.memory_space<vmem>>
      %dma_wait3A_127 = tpu.memref_squeeze %dma_wait3A_126 : memref<1x128x128xf32, #tpu.memory_space<vmem>> -> memref<128x128xf32, #tpu.memory_space<vmem>>
      tpu.wait_dma2 semaphore(%run_scoped3A_103 : memref<!tpu.dma_semaphore, #tpu.memory_space<semaphore_mem>>) src(%dma_wait3A_127 : memref<128x128xf32, #tpu.memory_space<vmem>>) dst(%dma_wait3A_123 : memref<128x128xf32, #tpu.memory_space<vmem_shared>>)
      tpu.yield
    }) : () -> ()
    %mul3A_30 = arith.constant 640 : i32
    %mul3A_31 = arith.muli %arg1, %mul3A_30 : i32
    %add3A_32 = arith.constant 384 : i32
    %add3A_33 = arith.addi %mul3A_31, %add3A_32 : i32
    %run_scoped3A_34 = arith.constant 0 : i32
    "tpu.region"() ({
      %run_scoped3A_103 = tpu.sem_alloc : memref<!tpu.dma_semaphore, #tpu.memory_space<semaphore_mem>>
      %dma_start3A_104 = arith.constant 0 : i32
      %dma_start3A_105 = arith.constant 0 : i32
      %dma_start3A_106 = tpu.memref_slice %arg6[%run_scoped3A_34, %dma_start3A_104, %dma_start3A_105] : memref<2x128x128xf32, #tpu.memory_space<vmem>> -> memref<1x128x128xf32, #tpu.memory_space<vmem>>
      %dma_start3A_107 = tpu.memref_squeeze %dma_start3A_106 : memref<1x128x128xf32, #tpu.memory_space<vmem>> -> memref<128x128xf32, #tpu.memory_space<vmem>>
      %dma_start3A_108 = arith.constant 0 : i32
      %dma_start3A_109 = tpu.memref_slice %arg7[%add3A_33, %dma_start3A_108] : memref<10240x128xf32, #tpu.memory_space<vmem_shared>> -> memref<128x128xf32, #tpu.memory_space<vmem_shared>>
      %dma_start3A_110 = arith.constant 0 : i32
      %dma_start3A_111 = tpu.memref_slice %arg7[%add3A_33, %dma_start3A_110] : memref<10240x128xf32, #tpu.memory_space<vmem_shared>> -> memref<128x128xf32, #tpu.memory_space<vmem_shared>>
      %dma_start3A_112 = arith.constant 0 : i32
      %dma_start3A_113 = arith.constant 0 : i32
      %dma_start3A_114 = tpu.memref_slice %arg6[%run_scoped3A_34, %dma_start3A_112, %dma_start3A_113] : memref<2x128x128xf32, #tpu.memory_space<vmem>> -> memref<1x128x128xf32, #tpu.memory_space<vmem>>
      %dma_start3A_115 = tpu.memref_squeeze %dma_start3A_114 : memref<1x128x128xf32, #tpu.memory_space<vmem>> -> memref<128x128xf32, #tpu.memory_space<vmem>>
      tpu.enqueue_dma source(%dma_start3A_115 : memref<128x128xf32, #tpu.memory_space<vmem>>) target(%dma_start3A_111 : memref<128x128xf32, #tpu.memory_space<vmem_shared>>) target_semaphore(%run_scoped3A_103 : memref<!tpu.dma_semaphore, #tpu.memory_space<semaphore_mem>>)
      %dma_wait3A_116 = arith.constant 0 : i32
      %dma_wait3A_117 = arith.constant 0 : i32
      %dma_wait3A_118 = tpu.memref_slice %arg6[%run_scoped3A_34, %dma_wait3A_116, %dma_wait3A_117] : memref<2x128x128xf32, #tpu.memory_space<vmem>> -> memref<1x128x128xf32, #tpu.memory_space<vmem>>
      %dma_wait3A_119 = tpu.memref_squeeze %dma_wait3A_118 : memref<1x128x128xf32, #tpu.memory_space<vmem>> -> memref<128x128xf32, #tpu.memory_space<vmem>>
      %dma_wait3A_120 = arith.constant 0 : i32
      %dma_wait3A_121 = tpu.memref_slice %arg7[%add3A_33, %dma_wait3A_120] : memref<10240x128xf32, #tpu.memory_space<vmem_shared>> -> memref<128x128xf32, #tpu.memory_space<vmem_shared>>
      %dma_wait3A_122 = arith.constant 0 : i32
      %dma_wait3A_123 = tpu.memref_slice %arg7[%add3A_33, %dma_wait3A_122] : memref<10240x128xf32, #tpu.memory_space<vmem_shared>> -> memref<128x128xf32, #tpu.memory_space<vmem_shared>>
      %dma_wait3A_124 = arith.constant 0 : i32
      %dma_wait3A_125 = arith.constant 0 : i32
      %dma_wait3A_126 = tpu.memref_slice %arg6[%run_scoped3A_34, %dma_wait3A_124, %dma_wait3A_125] : memref<2x128x128xf32, #tpu.memory_space<vmem>> -> memref<1x128x128xf32, #tpu.memory_space<vmem>>
      %dma_wait3A_127 = tpu.memref_squeeze %dma_wait3A_126 : memref<1x128x128xf32, #tpu.memory_space<vmem>> -> memref<128x128xf32, #tpu.memory_space<vmem>>
      tpu.wait_dma2 semaphore(%run_scoped3A_103 : memref<!tpu.dma_semaphore, #tpu.memory_space<semaphore_mem>>) src(%dma_wait3A_127 : memref<128x128xf32, #tpu.memory_space<vmem>>) dst(%dma_wait3A_123 : memref<128x128xf32, #tpu.memory_space<vmem_shared>>)
      tpu.yield
    }) : () -> ()
    %mul3A_35 = arith.constant 640 : i32
    %mul3A_36 = arith.muli %arg1, %mul3A_35 : i32
    %add3A_37 = arith.constant 512 : i32
    %add3A_38 = arith.addi %mul3A_36, %add3A_37 : i32
    %run_scoped3A_39 = arith.constant 0 : i32
    "tpu.region"() ({
      %run_scoped3A_103 = tpu.sem_alloc : memref<!tpu.dma_semaphore, #tpu.memory_space<semaphore_mem>>
      %dma_start3A_104 = arith.constant 0 : i32
      %dma_start3A_105 = arith.constant 0 : i32
      %dma_start3A_106 = tpu.memref_slice %arg6[%run_scoped3A_39, %dma_start3A_104, %dma_start3A_105] : memref<2x128x128xf32, #tpu.memory_space<vmem>> -> memref<1x128x128xf32, #tpu.memory_space<vmem>>
      %dma_start3A_107 = tpu.memref_squeeze %dma_start3A_106 : memref<1x128x128xf32, #tpu.memory_space<vmem>> -> memref<128x128xf32, #tpu.memory_space<vmem>>
      %dma_start3A_108 = arith.constant 0 : i32
      %dma_start3A_109 = tpu.memref_slice %arg7[%add3A_38, %dma_start3A_108] : memref<10240x128xf32, #tpu.memory_space<vmem_shared>> -> memref<128x128xf32, #tpu.memory_space<vmem_shared>>
      %dma_start3A_110 = arith.constant 0 : i32
      %dma_start3A_111 = tpu.memref_slice %arg7[%add3A_38, %dma_start3A_110] : memref<10240x128xf32, #tpu.memory_space<vmem_shared>> -> memref<128x128xf32, #tpu.memory_space<vmem_shared>>
      %dma_start3A_112 = arith.constant 0 : i32
      %dma_start3A_113 = arith.constant 0 : i32
      %dma_start3A_114 = tpu.memref_slice %arg6[%run_scoped3A_39, %dma_start3A_112, %dma_start3A_113] : memref<2x128x128xf32, #tpu.memory_space<vmem>> -> memref<1x128x128xf32, #tpu.memory_space<vmem>>
      %dma_start3A_115 = tpu.memref_squeeze %dma_start3A_114 : memref<1x128x128xf32, #tpu.memory_space<vmem>> -> memref<128x128xf32, #tpu.memory_space<vmem>>
      tpu.enqueue_dma source(%dma_start3A_115 : memref<128x128xf32, #tpu.memory_space<vmem>>) target(%dma_start3A_111 : memref<128x128xf32, #tpu.memory_space<vmem_shared>>) target_semaphore(%run_scoped3A_103 : memref<!tpu.dma_semaphore, #tpu.memory_space<semaphore_mem>>)
      %dma_wait3A_116 = arith.constant 0 : i32
      %dma_wait3A_117 = arith.constant 0 : i32
      %dma_wait3A_118 = tpu.memref_slice %arg6[%run_scoped3A_39, %dma_wait3A_116, %dma_wait3A_117] : memref<2x128x128xf32, #tpu.memory_space<vmem>> -> memref<1x128x128xf32, #tpu.memory_space<vmem>>
      %dma_wait3A_119 = tpu.memref_squeeze %dma_wait3A_118 : memref<1x128x128xf32, #tpu.memory_space<vmem>> -> memref<128x128xf32, #tpu.memory_space<vmem>>
      %dma_wait3A_120 = arith.constant 0 : i32
      %dma_wait3A_121 = tpu.memref_slice %arg7[%add3A_38, %dma_wait3A_120] : memref<10240x128xf32, #tpu.memory_space<vmem_shared>> -> memref<128x128xf32, #tpu.memory_space<vmem_shared>>
      %dma_wait3A_122 = arith.constant 0 : i32
      %dma_wait3A_123 = tpu.memref_slice %arg7[%add3A_38, %dma_wait3A_122] : memref<10240x128xf32, #tpu.memory_space<vmem_shared>> -> memref<128x128xf32, #tpu.memory_space<vmem_shared>>
      %dma_wait3A_124 = arith.constant 0 : i32
      %dma_wait3A_125 = arith.constant 0 : i32
      %dma_wait3A_126 = tpu.memref_slice %arg6[%run_scoped3A_39, %dma_wait3A_124, %dma_wait3A_125] : memref<2x128x128xf32, #tpu.memory_space<vmem>> -> memref<1x128x128xf32, #tpu.memory_space<vmem>>
      %dma_wait3A_127 = tpu.memref_squeeze %dma_wait3A_126 : memref<1x128x128xf32, #tpu.memory_space<vmem>> -> memref<128x128xf32, #tpu.memory_space<vmem>>
      tpu.wait_dma2 semaphore(%run_scoped3A_103 : memref<!tpu.dma_semaphore, #tpu.memory_space<semaphore_mem>>) src(%dma_wait3A_127 : memref<128x128xf32, #tpu.memory_space<vmem>>) dst(%dma_wait3A_123 : memref<128x128xf32, #tpu.memory_space<vmem_shared>>)
      tpu.yield
    }) : () -> ()
    %barrier3A = arith.constant 0 : index
    tpu.barrier barrier_id(%barrier3A)
    %run_scoped3A_40 = arith.constant 0 : i32
    "tpu.region"() ({
      %run_scoped3A_103 = tpu.sem_alloc : memref<!tpu.dma_semaphore, #tpu.memory_space<semaphore_mem>>
      %dma_start3A_104 = arith.constant 0 : i32
      %dma_start3A_105 = arith.constant 0 : i32
      %dma_start3A_106 = tpu.memref_slice %arg5[%run_scoped3A_40, %dma_start3A_104, %dma_start3A_105] : memref<3x2x128xi32, #tpu.memory_space<vmem>> -> memref<1x2x128xi32, #tpu.memory_space<vmem>>
      %dma_start3A_107 = tpu.memref_squeeze %dma_start3A_106 : memref<1x2x128xi32, #tpu.memory_space<vmem>> -> memref<2x128xi32, #tpu.memory_space<vmem>>
      %dma_start3A_108 = arith.constant 0 : i32
      %dma_start3A_109 = arith.constant 0 : i32
      %dma_start3A_110 = tpu.memref_slice %arg3[%select_n3A_8, %dma_start3A_108, %dma_start3A_109] : memref<5024x2x128xi32, #tpu.memory_space<hbm>> -> memref<1x2x128xi32, #tpu.memory_space<hbm>>
      %dma_start3A_111 = tpu.memref_squeeze %dma_start3A_110 : memref<1x2x128xi32, #tpu.memory_space<hbm>> -> memref<2x128xi32, #tpu.memory_space<hbm>>
      %dma_start3A_112 = arith.constant 0 : i32
      %dma_start3A_113 = arith.constant 0 : i32
      %dma_start3A_114 = tpu.memref_slice %arg5[%run_scoped3A_40, %dma_start3A_112, %dma_start3A_113] : memref<3x2x128xi32, #tpu.memory_space<vmem>> -> memref<1x2x128xi32, #tpu.memory_space<vmem>>
      %dma_start3A_115 = tpu.memref_squeeze %dma_start3A_114 : memref<1x2x128xi32, #tpu.memory_space<vmem>> -> memref<2x128xi32, #tpu.memory_space<vmem>>
      %dma_start3A_116 = arith.constant 0 : i32
      %dma_start3A_117 = arith.constant 0 : i32
      %dma_start3A_118 = tpu.memref_slice %arg3[%select_n3A_8, %dma_start3A_116, %dma_start3A_117] : memref<5024x2x128xi32, #tpu.memory_space<hbm>> -> memref<1x2x128xi32, #tpu.memory_space<hbm>>
      %dma_start3A_119 = tpu.memref_squeeze %dma_start3A_118 : memref<1x2x128xi32, #tpu.memory_space<hbm>> -> memref<2x128xi32, #tpu.memory_space<hbm>>
      tpu.enqueue_dma source(%dma_start3A_119 : memref<2x128xi32, #tpu.memory_space<hbm>>) target(%dma_start3A_115 : memref<2x128xi32, #tpu.memory_space<vmem>>) target_semaphore(%run_scoped3A_103 : memref<!tpu.dma_semaphore, #tpu.memory_space<semaphore_mem>>)
      %dma_wait3A_120 = arith.constant 0 : i32
      %dma_wait3A_121 = arith.constant 0 : i32
      %dma_wait3A_122 = tpu.memref_slice %arg5[%run_scoped3A_40, %dma_wait3A_120, %dma_wait3A_121] : memref<3x2x128xi32, #tpu.memory_space<vmem>> -> memref<1x2x128xi32, #tpu.memory_space<vmem>>
      %dma_wait3A_123 = tpu.memref_squeeze %dma_wait3A_122 : memref<1x2x128xi32, #tpu.memory_space<vmem>> -> memref<2x128xi32, #tpu.memory_space<vmem>>
      %dma_wait3A_124 = arith.constant 0 : i32
      %dma_wait3A_125 = arith.constant 0 : i32
      %dma_wait3A_126 = tpu.memref_slice %arg3[%select_n3A_8, %dma_wait3A_124, %dma_wait3A_125] : memref<5024x2x128xi32, #tpu.memory_space<hbm>> -> memref<1x2x128xi32, #tpu.memory_space<hbm>>
      %dma_wait3A_127 = tpu.memref_squeeze %dma_wait3A_126 : memref<1x2x128xi32, #tpu.memory_space<hbm>> -> memref<2x128xi32, #tpu.memory_space<hbm>>
      %dma_wait3A_128 = arith.constant 0 : i32
      %dma_wait3A_129 = arith.constant 0 : i32
      %dma_wait3A_130 = tpu.memref_slice %arg5[%run_scoped3A_40, %dma_wait3A_128, %dma_wait3A_129] : memref<3x2x128xi32, #tpu.memory_space<vmem>> -> memref<1x2x128xi32, #tpu.memory_space<vmem>>
      %dma_wait3A_131 = tpu.memref_squeeze %dma_wait3A_130 : memref<1x2x128xi32, #tpu.memory_space<vmem>> -> memref<2x128xi32, #tpu.memory_space<vmem>>
      %dma_wait3A_132 = arith.constant 0 : i32
      %dma_wait3A_133 = arith.constant 0 : i32
      %dma_wait3A_134 = tpu.memref_slice %arg3[%select_n3A_8, %dma_wait3A_132, %dma_wait3A_133] : memref<5024x2x128xi32, #tpu.memory_space<hbm>> -> memref<1x2x128xi32, #tpu.memory_space<hbm>>
      %dma_wait3A_135 = tpu.memref_squeeze %dma_wait3A_134 : memref<1x2x128xi32, #tpu.memory_space<hbm>> -> memref<2x128xi32, #tpu.memory_space<hbm>>
      tpu.wait_dma2 semaphore(%run_scoped3A_103 : memref<!tpu.dma_semaphore, #tpu.memory_space<semaphore_mem>>) src(%dma_wait3A_135 : memref<2x128xi32, #tpu.memory_space<hbm>>) dst(%dma_wait3A_131 : memref<2x128xi32, #tpu.memory_space<vmem>>)
      tpu.yield
    }) : () -> ()
    %dma_start3A = arith.constant 0 : i32
    %dma_start3A_41 = arith.constant 0 : i32
    %dma_start3A_42 = arith.constant 0 : i32
    %dma_start3A_43 = arith.constant 0 : i32
    %dma_start3A_44 = arith.constant 0 : i32
    %dma_start3A_45 = arith.constant 0 : i32
    %dma_start3A_46 = tpu.memref_slice %arg6[%dma_start3A_42, %dma_start3A_44, %dma_start3A_45] : memref<2x128x128xf32, #tpu.memory_space<vmem>> -> memref<1x128x128xf32, #tpu.memory_space<vmem>>
    %dma_start3A_47 = tpu.memref_squeeze %dma_start3A_46 : memref<1x128x128xf32, #tpu.memory_space<vmem>> -> memref<128x128xf32, #tpu.memory_space<vmem>>
    %dma_start3A_48 = arith.constant 0 : i32
    %dma_start3A_49 = tpu.memref_slice %arg5[%dma_start3A, %dma_start3A_41, %dma_start3A_48] : memref<3x2x128xi32, #tpu.memory_space<vmem>> -> memref<1x1x128xi32, #tpu.memory_space<vmem>>
    %dma_start3A_50 = tpu.memref_squeeze %dma_start3A_49 : memref<1x1x128xi32, #tpu.memory_space<vmem>> -> memref<128xi32, #tpu.memory_space<vmem>>
    %dma_start3A_51 = arith.constant 0 : i32
    %dma_start3A_52 = arith.constant 0 : i32
    %dma_start3A_53 = tpu.memref_slice %arg2[%dma_start3A_51, %dma_start3A_52] : memref<10000x128xf32, #tpu.memory_space<hbm>> -> memref<10000x128xf32, #tpu.memory_space<hbm>>
    %dma_start3A_54 = tpu.memref_slice %arg8[%dma_start3A_43] : memref<2x!tpu.dma_semaphore, #tpu.memory_space<semaphore_mem>> -> memref<1x!tpu.dma_semaphore, #tpu.memory_space<semaphore_mem>>
    %dma_start3A_55 = tpu.memref_squeeze %dma_start3A_54 : memref<1x!tpu.dma_semaphore, #tpu.memory_space<semaphore_mem>> -> memref<!tpu.dma_semaphore, #tpu.memory_space<semaphore_mem>>
    tpu.enqueue_indirect_dma source(%dma_start3A_53 : memref<10000x128xf32, #tpu.memory_space<hbm>>) target(%dma_start3A_47 : memref<128x128xf32, #tpu.memory_space<vmem>>) offsets(%dma_start3A_50 : memref<128xi32, #tpu.memory_space<vmem>>) semaphore(%dma_start3A_55 : memref<!tpu.dma_semaphore, #tpu.memory_space<semaphore_mem>>)
    %gt3A = arith.constant 1 : i32
    %gt3A_56 = arith.cmpi sgt, %select_n3A, %gt3A : i32
    %convert_element_type3A = arith.extui %gt3A_56 : i1 to i32
    %cond3A = arith.constant 0 : i32
    %cond3A_57 = arith.cmpi ne, %convert_element_type3A, %cond3A : i32
    scf.if %cond3A_57 {
      %add3A_103 = arith.constant 1 : i32
      %add3A_104 = arith.addi %select_n3A_8, %add3A_103 : i32
      %dma_start3A_105 = arith.constant 1 : i32
      %dma_start3A_106 = arith.constant 1 : i32
      %dma_start3A_107 = arith.constant 0 : i32
      %dma_start3A_108 = arith.constant 0 : i32
      %dma_start3A_109 = tpu.memref_slice %arg5[%dma_start3A_105, %dma_start3A_107, %dma_start3A_108] : memref<3x2x128xi32, #tpu.memory_space<vmem>> -> memref<1x2x128xi32, #tpu.memory_space<vmem>>
      %dma_start3A_110 = tpu.memref_squeeze %dma_start3A_109 : memref<1x2x128xi32, #tpu.memory_space<vmem>> -> memref<2x128xi32, #tpu.memory_space<vmem>>
      %dma_start3A_111 = arith.constant 0 : i32
      %dma_start3A_112 = arith.constant 0 : i32
      %dma_start3A_113 = tpu.memref_slice %arg3[%add3A_104, %dma_start3A_111, %dma_start3A_112] : memref<5024x2x128xi32, #tpu.memory_space<hbm>> -> memref<1x2x128xi32, #tpu.memory_space<hbm>>
      %dma_start3A_114 = tpu.memref_squeeze %dma_start3A_113 : memref<1x2x128xi32, #tpu.memory_space<hbm>> -> memref<2x128xi32, #tpu.memory_space<hbm>>
      %dma_start3A_115 = tpu.memref_slice %arg10[%dma_start3A_106] : memref<3x!tpu.dma_semaphore, #tpu.memory_space<semaphore_mem>> -> memref<1x!tpu.dma_semaphore, #tpu.memory_space<semaphore_mem>>
      %dma_start3A_116 = tpu.memref_squeeze %dma_start3A_115 : memref<1x!tpu.dma_semaphore, #tpu.memory_space<semaphore_mem>> -> memref<!tpu.dma_semaphore, #tpu.memory_space<semaphore_mem>>
      %dma_start3A_117 = arith.constant 0 : i32
      %dma_start3A_118 = arith.constant 0 : i32
      %dma_start3A_119 = tpu.memref_slice %arg5[%dma_start3A_105, %dma_start3A_117, %dma_start3A_118] : memref<3x2x128xi32, #tpu.memory_space<vmem>> -> memref<1x2x128xi32, #tpu.memory_space<vmem>>
      %dma_start3A_120 = tpu.memref_squeeze %dma_start3A_119 : memref<1x2x128xi32, #tpu.memory_space<vmem>> -> memref<2x128xi32, #tpu.memory_space<vmem>>
      %dma_start3A_121 = arith.constant 0 : i32
      %dma_start3A_122 = arith.constant 0 : i32
      %dma_start3A_123 = tpu.memref_slice %arg3[%add3A_104, %dma_start3A_121, %dma_start3A_122] : memref<5024x2x128xi32, #tpu.memory_space<hbm>> -> memref<1x2x128xi32, #tpu.memory_space<hbm>>
      %dma_start3A_124 = tpu.memref_squeeze %dma_start3A_123 : memref<1x2x128xi32, #tpu.memory_space<hbm>> -> memref<2x128xi32, #tpu.memory_space<hbm>>
      tpu.enqueue_dma source(%dma_start3A_124 : memref<2x128xi32, #tpu.memory_space<hbm>>) target(%dma_start3A_120 : memref<2x128xi32, #tpu.memory_space<vmem>>) target_semaphore(%dma_start3A_116 : memref<!tpu.dma_semaphore, #tpu.memory_space<semaphore_mem>>)
    } else {
    }
    %while3A = arith.constant 0 : i32
    %while3A_58 = arith.constant 0 : i32
    %while3A_59 = arith.subi %select_n3A, %while3A_58 : i32
    %while3A_60 = arith.addi %while3A_58, %while3A_59 : i32
    %while3A_61 = arith.constant 1 : i32
    %while3A_62 = arith.divsi %while3A_59, %while3A_61 : i32
    %while3A_63 = arith.muli %while3A_62, %while3A_61 : i32
    %while3A_64 = arith.addi %while3A_58, %while3A_63 : i32
    %while3A_65 = arith.constant 1 : i32
    scf.for %while3A_103 = %while3A_58 to %while3A_64 step %while3A_65  : i32 {
      %rem3A = arith.constant 2 : i32
      %rem3A_104 = arith.remsi %while3A_103, %rem3A : i32
      %sub3A = arith.constant 1 : i32
      %sub3A_105 = arith.subi %sub3A, %rem3A_104 : i32
      %rem3A_106 = arith.constant 3 : i32
      %rem3A_107 = arith.remsi %while3A_103, %rem3A_106 : i32
      %dma_wait3A_108 = arith.constant 0 : i32
      %dma_wait3A_109 = arith.constant 0 : i32
      %dma_wait3A_110 = arith.constant 0 : i32
      %dma_wait3A_111 = tpu.memref_slice %arg6[%rem3A_104, %dma_wait3A_109, %dma_wait3A_110] : memref<2x128x128xf32, #tpu.memory_space<vmem>> -> memref<1x128x128xf32, #tpu.memory_space<vmem>>
      %dma_wait3A_112 = tpu.memref_squeeze %dma_wait3A_111 : memref<1x128x128xf32, #tpu.memory_space<vmem>> -> memref<128x128xf32, #tpu.memory_space<vmem>>
      %dma_wait3A_113 = arith.constant 0 : i32
      %dma_wait3A_114 = tpu.memref_slice %arg5[%rem3A_107, %dma_wait3A_108, %dma_wait3A_113] : memref<3x2x128xi32, #tpu.memory_space<vmem>> -> memref<1x1x128xi32, #tpu.memory_space<vmem>>
      %dma_wait3A_115 = tpu.memref_squeeze %dma_wait3A_114 : memref<1x1x128xi32, #tpu.memory_space<vmem>> -> memref<128xi32, #tpu.memory_space<vmem>>
      %dma_wait3A_116 = arith.constant 0 : i32
      %dma_wait3A_117 = arith.constant 0 : i32
      %dma_wait3A_118 = tpu.memref_slice %arg2[%dma_wait3A_116, %dma_wait3A_117] : memref<10000x128xf32, #tpu.memory_space<hbm>> -> memref<10000x128xf32, #tpu.memory_space<hbm>>
      %dma_wait3A_119 = tpu.memref_slice %arg8[%rem3A_104] : memref<2x!tpu.dma_semaphore, #tpu.memory_space<semaphore_mem>> -> memref<1x!tpu.dma_semaphore, #tpu.memory_space<semaphore_mem>>
      %dma_wait3A_120 = tpu.memref_squeeze %dma_wait3A_119 : memref<1x!tpu.dma_semaphore, #tpu.memory_space<semaphore_mem>> -> memref<!tpu.dma_semaphore, #tpu.memory_space<semaphore_mem>>
      tpu.wait_indirect_dma semaphore(%dma_wait3A_120 : memref<!tpu.dma_semaphore, #tpu.memory_space<semaphore_mem>>) src(%dma_wait3A_118 : memref<10000x128xf32, #tpu.memory_space<hbm>>) dst(%dma_wait3A_112 : memref<128x128xf32, #tpu.memory_space<vmem>>)
      %add3A_121 = arith.constant 1 : i32
      %add3A_122 = arith.addi %while3A_103, %add3A_121 : i32
      %lt3A = arith.cmpi slt, %add3A_122, %select_n3A : i32
      %convert_element_type3A_123 = arith.extui %lt3A : i1 to i32
      %cond3A_124 = arith.constant 0 : i32
      %cond3A_125 = arith.cmpi ne, %convert_element_type3A_123, %cond3A_124 : i32
      scf.if %cond3A_125 {
        %add3A_145 = arith.constant 1 : i32
        %add3A_146 = arith.addi %while3A_103, %add3A_145 : i32
        %rem3A_147 = arith.constant 3 : i32
        %rem3A_148 = arith.remsi %add3A_146, %rem3A_147 : i32
        %add3A_149 = arith.addi %select_n3A_8, %while3A_103 : i32
        %add3A_150 = arith.constant 1 : i32
        %add3A_151 = arith.addi %add3A_149, %add3A_150 : i32
        %dma_wait3A_152 = arith.constant 0 : i32
        %dma_wait3A_153 = arith.constant 0 : i32
        %dma_wait3A_154 = tpu.memref_slice %arg5[%rem3A_148, %dma_wait3A_152, %dma_wait3A_153] : memref<3x2x128xi32, #tpu.memory_space<vmem>> -> memref<1x2x128xi32, #tpu.memory_space<vmem>>
        %dma_wait3A_155 = tpu.memref_squeeze %dma_wait3A_154 : memref<1x2x128xi32, #tpu.memory_space<vmem>> -> memref<2x128xi32, #tpu.memory_space<vmem>>
        %dma_wait3A_156 = arith.constant 0 : i32
        %dma_wait3A_157 = arith.constant 0 : i32
        %dma_wait3A_158 = tpu.memref_slice %arg3[%add3A_151, %dma_wait3A_156, %dma_wait3A_157] : memref<5024x2x128xi32, #tpu.memory_space<hbm>> -> memref<1x2x128xi32, #tpu.memory_space<hbm>>
        %dma_wait3A_159 = tpu.memref_squeeze %dma_wait3A_158 : memref<1x2x128xi32, #tpu.memory_space<hbm>> -> memref<2x128xi32, #tpu.memory_space<hbm>>
        %dma_wait3A_160 = tpu.memref_slice %arg10[%rem3A_148] : memref<3x!tpu.dma_semaphore, #tpu.memory_space<semaphore_mem>> -> memref<1x!tpu.dma_semaphore, #tpu.memory_space<semaphore_mem>>
        %dma_wait3A_161 = tpu.memref_squeeze %dma_wait3A_160 : memref<1x!tpu.dma_semaphore, #tpu.memory_space<semaphore_mem>> -> memref<!tpu.dma_semaphore, #tpu.memory_space<semaphore_mem>>
        %dma_wait3A_162 = arith.constant 0 : i32
        %dma_wait3A_163 = arith.constant 0 : i32
        %dma_wait3A_164 = tpu.memref_slice %arg5[%rem3A_148, %dma_wait3A_162, %dma_wait3A_163] : memref<3x2x128xi32, #tpu.memory_space<vmem>> -> memref<1x2x128xi32, #tpu.memory_space<vmem>>
        %dma_wait3A_165 = tpu.memref_squeeze %dma_wait3A_164 : memref<1x2x128xi32, #tpu.memory_space<vmem>> -> memref<2x128xi32, #tpu.memory_space<vmem>>
        %dma_wait3A_166 = arith.constant 0 : i32
        %dma_wait3A_167 = arith.constant 0 : i32
        %dma_wait3A_168 = tpu.memref_slice %arg3[%add3A_151, %dma_wait3A_166, %dma_wait3A_167] : memref<5024x2x128xi32, #tpu.memory_space<hbm>> -> memref<1x2x128xi32, #tpu.memory_space<hbm>>
        %dma_wait3A_169 = tpu.memref_squeeze %dma_wait3A_168 : memref<1x2x128xi32, #tpu.memory_space<hbm>> -> memref<2x128xi32, #tpu.memory_space<hbm>>
        tpu.wait_dma2 semaphore(%dma_wait3A_161 : memref<!tpu.dma_semaphore, #tpu.memory_space<semaphore_mem>>) src(%dma_wait3A_169 : memref<2x128xi32, #tpu.memory_space<hbm>>) dst(%dma_wait3A_165 : memref<2x128xi32, #tpu.memory_space<vmem>>)
        %ge3A = arith.constant 1 : i32
        %ge3A_170 = arith.cmpi sge, %while3A_103, %ge3A : i32
        %convert_element_type3A_171 = arith.extui %ge3A_170 : i1 to i32
        %cond3A_172 = arith.constant 0 : i32
        %cond3A_173 = arith.cmpi ne, %convert_element_type3A_171, %cond3A_172 : i32
        scf.if %cond3A_173 {
          %dma_wait3A_187 = arith.constant 1 : i32
          %dma_wait3A_188 = arith.constant 0 : i32
          %dma_wait3A_189 = arith.constant 0 : i32
          %dma_wait3A_190 = tpu.memref_slice %arg6[%sub3A_105, %dma_wait3A_188, %dma_wait3A_189] : memref<2x128x128xf32, #tpu.memory_space<vmem>> -> memref<1x128x128xf32, #tpu.memory_space<vmem>>
          %dma_wait3A_191 = tpu.memref_squeeze %dma_wait3A_190 : memref<1x128x128xf32, #tpu.memory_space<vmem>> -> memref<128x128xf32, #tpu.memory_space<vmem>>
          %dma_wait3A_192 = arith.constant 0 : i32
          %dma_wait3A_193 = tpu.memref_slice %arg5[%rem3A_148, %dma_wait3A_187, %dma_wait3A_192] : memref<3x2x128xi32, #tpu.memory_space<vmem>> -> memref<1x1x128xi32, #tpu.memory_space<vmem>>
          %dma_wait3A_194 = tpu.memref_squeeze %dma_wait3A_193 : memref<1x1x128xi32, #tpu.memory_space<vmem>> -> memref<128xi32, #tpu.memory_space<vmem>>
          %dma_wait3A_195 = arith.constant 0 : i32
          %dma_wait3A_196 = arith.constant 0 : i32
          %dma_wait3A_197 = tpu.memref_slice %arg7[%dma_wait3A_195, %dma_wait3A_196] : memref<10240x128xf32, #tpu.memory_space<vmem_shared>> -> memref<10240x128xf32, #tpu.memory_space<vmem_shared>>
          %dma_wait3A_198 = tpu.memref_slice %arg9[%sub3A_105] : memref<2x!tpu.dma_semaphore, #tpu.memory_space<semaphore_mem>> -> memref<1x!tpu.dma_semaphore, #tpu.memory_space<semaphore_mem>>
          %dma_wait3A_199 = tpu.memref_squeeze %dma_wait3A_198 : memref<1x!tpu.dma_semaphore, #tpu.memory_space<semaphore_mem>> -> memref<!tpu.dma_semaphore, #tpu.memory_space<semaphore_mem>>
          tpu.wait_indirect_dma semaphore(%dma_wait3A_199 : memref<!tpu.dma_semaphore, #tpu.memory_space<semaphore_mem>>) src(%dma_wait3A_191 : memref<128x128xf32, #tpu.memory_space<vmem>>) dst(%dma_wait3A_197 : memref<10240x128xf32, #tpu.memory_space<vmem_shared>>)
        } else {
        }
        %dma_start3A_174 = arith.constant 0 : i32
        %dma_start3A_175 = arith.constant 0 : i32
        %dma_start3A_176 = arith.constant 0 : i32
        %dma_start3A_177 = tpu.memref_slice %arg6[%sub3A_105, %dma_start3A_175, %dma_start3A_176] : memref<2x128x128xf32, #tpu.memory_space<vmem>> -> memref<1x128x128xf32, #tpu.memory_space<vmem>>
        %dma_start3A_178 = tpu.memref_squeeze %dma_start3A_177 : memref<1x128x128xf32, #tpu.memory_space<vmem>> -> memref<128x128xf32, #tpu.memory_space<vmem>>
        %dma_start3A_179 = arith.constant 0 : i32
        %dma_start3A_180 = tpu.memref_slice %arg5[%rem3A_148, %dma_start3A_174, %dma_start3A_179] : memref<3x2x128xi32, #tpu.memory_space<vmem>> -> memref<1x1x128xi32, #tpu.memory_space<vmem>>
        %dma_start3A_181 = tpu.memref_squeeze %dma_start3A_180 : memref<1x1x128xi32, #tpu.memory_space<vmem>> -> memref<128xi32, #tpu.memory_space<vmem>>
        %dma_start3A_182 = arith.constant 0 : i32
        %dma_start3A_183 = arith.constant 0 : i32
        %dma_start3A_184 = tpu.memref_slice %arg2[%dma_start3A_182, %dma_start3A_183] : memref<10000x128xf32, #tpu.memory_space<hbm>> -> memref<10000x128xf32, #tpu.memory_space<hbm>>
        %dma_start3A_185 = tpu.memref_slice %arg8[%sub3A_105] : memref<2x!tpu.dma_semaphore, #tpu.memory_space<semaphore_mem>> -> memref<1x!tpu.dma_semaphore, #tpu.memory_space<semaphore_mem>>
        %dma_start3A_186 = tpu.memref_squeeze %dma_start3A_185 : memref<1x!tpu.dma_semaphore, #tpu.memory_space<semaphore_mem>> -> memref<!tpu.dma_semaphore, #tpu.memory_space<semaphore_mem>>
        tpu.enqueue_indirect_dma source(%dma_start3A_184 : memref<10000x128xf32, #tpu.memory_space<hbm>>) target(%dma_start3A_178 : memref<128x128xf32, #tpu.memory_space<vmem>>) offsets(%dma_start3A_181 : memref<128xi32, #tpu.memory_space<vmem>>) semaphore(%dma_start3A_186 : memref<!tpu.dma_semaphore, #tpu.memory_space<semaphore_mem>>)
      } else {
      }
      %add3A_126 = arith.constant 2 : i32
      %add3A_127 = arith.addi %while3A_103, %add3A_126 : i32
      %lt3A_128 = arith.cmpi slt, %add3A_127, %select_n3A : i32
      %convert_element_type3A_129 = arith.extui %lt3A_128 : i1 to i32
      %cond3A_130 = arith.constant 0 : i32
      %cond3A_131 = arith.cmpi ne, %convert_element_type3A_129, %cond3A_130 : i32
      scf.if %cond3A_131 {
        %add3A_145 = arith.constant 2 : i32
        %add3A_146 = arith.addi %while3A_103, %add3A_145 : i32
        %rem3A_147 = arith.constant 3 : i32
        %rem3A_148 = arith.remsi %add3A_146, %rem3A_147 : i32
        %add3A_149 = arith.addi %select_n3A_8, %while3A_103 : i32
        %add3A_150 = arith.constant 2 : i32
        %add3A_151 = arith.addi %add3A_149, %add3A_150 : i32
        %dma_start3A_152 = arith.constant 0 : i32
        %dma_start3A_153 = arith.constant 0 : i32
        %dma_start3A_154 = tpu.memref_slice %arg5[%rem3A_148, %dma_start3A_152, %dma_start3A_153] : memref<3x2x128xi32, #tpu.memory_space<vmem>> -> memref<1x2x128xi32, #tpu.memory_space<vmem>>
        %dma_start3A_155 = tpu.memref_squeeze %dma_start3A_154 : memref<1x2x128xi32, #tpu.memory_space<vmem>> -> memref<2x128xi32, #tpu.memory_space<vmem>>
        %dma_start3A_156 = arith.constant 0 : i32
        %dma_start3A_157 = arith.constant 0 : i32
        %dma_start3A_158 = tpu.memref_slice %arg3[%add3A_151, %dma_start3A_156, %dma_start3A_157] : memref<5024x2x128xi32, #tpu.memory_space<hbm>> -> memref<1x2x128xi32, #tpu.memory_space<hbm>>
        %dma_start3A_159 = tpu.memref_squeeze %dma_start3A_158 : memref<1x2x128xi32, #tpu.memory_space<hbm>> -> memref<2x128xi32, #tpu.memory_space<hbm>>
        %dma_start3A_160 = tpu.memref_slice %arg10[%rem3A_148] : memref<3x!tpu.dma_semaphore, #tpu.memory_space<semaphore_mem>> -> memref<1x!tpu.dma_semaphore, #tpu.memory_space<semaphore_mem>>
        %dma_start3A_161 = tpu.memref_squeeze %dma_start3A_160 : memref<1x!tpu.dma_semaphore, #tpu.memory_space<semaphore_mem>> -> memref<!tpu.dma_semaphore, #tpu.memory_space<semaphore_mem>>
        %dma_start3A_162 = arith.constant 0 : i32
        %dma_start3A_163 = arith.constant 0 : i32
        %dma_start3A_164 = tpu.memref_slice %arg5[%rem3A_148, %dma_start3A_162, %dma_start3A_163] : memref<3x2x128xi32, #tpu.memory_space<vmem>> -> memref<1x2x128xi32, #tpu.memory_space<vmem>>
        %dma_start3A_165 = tpu.memref_squeeze %dma_start3A_164 : memref<1x2x128xi32, #tpu.memory_space<vmem>> -> memref<2x128xi32, #tpu.memory_space<vmem>>
        %dma_start3A_166 = arith.constant 0 : i32
        %dma_start3A_167 = arith.constant 0 : i32
        %dma_start3A_168 = tpu.memref_slice %arg3[%add3A_151, %dma_start3A_166, %dma_start3A_167] : memref<5024x2x128xi32, #tpu.memory_space<hbm>> -> memref<1x2x128xi32, #tpu.memory_space<hbm>>
        %dma_start3A_169 = tpu.memref_squeeze %dma_start3A_168 : memref<1x2x128xi32, #tpu.memory_space<hbm>> -> memref<2x128xi32, #tpu.memory_space<hbm>>
        tpu.enqueue_dma source(%dma_start3A_169 : memref<2x128xi32, #tpu.memory_space<hbm>>) target(%dma_start3A_165 : memref<2x128xi32, #tpu.memory_space<vmem>>) target_semaphore(%dma_start3A_161 : memref<!tpu.dma_semaphore, #tpu.memory_space<semaphore_mem>>)
      } else {
      }
      %dma_start3A_132 = arith.constant 1 : i32
      %dma_start3A_133 = arith.constant 0 : i32
      %dma_start3A_134 = arith.constant 0 : i32
      %dma_start3A_135 = tpu.memref_slice %arg6[%rem3A_104, %dma_start3A_133, %dma_start3A_134] : memref<2x128x128xf32, #tpu.memory_space<vmem>> -> memref<1x128x128xf32, #tpu.memory_space<vmem>>
      %dma_start3A_136 = tpu.memref_squeeze %dma_start3A_135 : memref<1x128x128xf32, #tpu.memory_space<vmem>> -> memref<128x128xf32, #tpu.memory_space<vmem>>
      %dma_start3A_137 = arith.constant 0 : i32
      %dma_start3A_138 = tpu.memref_slice %arg5[%rem3A_107, %dma_start3A_132, %dma_start3A_137] : memref<3x2x128xi32, #tpu.memory_space<vmem>> -> memref<1x1x128xi32, #tpu.memory_space<vmem>>
      %dma_start3A_139 = tpu.memref_squeeze %dma_start3A_138 : memref<1x1x128xi32, #tpu.memory_space<vmem>> -> memref<128xi32, #tpu.memory_space<vmem>>
      %dma_start3A_140 = arith.constant 0 : i32
      %dma_start3A_141 = arith.constant 0 : i32
      %dma_start3A_142 = tpu.memref_slice %arg7[%dma_start3A_140, %dma_start3A_141] : memref<10240x128xf32, #tpu.memory_space<vmem_shared>> -> memref<10240x128xf32, #tpu.memory_space<vmem_shared>>
      %dma_start3A_143 = tpu.memref_slice %arg9[%rem3A_104] : memref<2x!tpu.dma_semaphore, #tpu.memory_space<semaphore_mem>> -> memref<1x!tpu.dma_semaphore, #tpu.memory_space<semaphore_mem>>
      %dma_start3A_144 = tpu.memref_squeeze %dma_start3A_143 : memref<1x!tpu.dma_semaphore, #tpu.memory_space<semaphore_mem>> -> memref<!tpu.dma_semaphore, #tpu.memory_space<semaphore_mem>>
      tpu.enqueue_indirect_dma source(%dma_start3A_136 : memref<128x128xf32, #tpu.memory_space<vmem>>) target(%dma_start3A_142 : memref<10240x128xf32, #tpu.memory_space<vmem_shared>>) offsets(%dma_start3A_139 : memref<128xi32, #tpu.memory_space<vmem>>) semaphore(%dma_start3A_144 : memref<!tpu.dma_semaphore, #tpu.memory_space<semaphore_mem>>) {add = true}
    }
    %while3A_66 = arith.constant 1 : i32
    scf.for %while3A_103 = %while3A_64 to %while3A_60 step %while3A_66  : i32 {
      %rem3A = arith.constant 2 : i32
      %rem3A_104 = arith.remsi %while3A_103, %rem3A : i32
      %sub3A = arith.constant 1 : i32
      %sub3A_105 = arith.subi %sub3A, %rem3A_104 : i32
      %rem3A_106 = arith.constant 3 : i32
      %rem3A_107 = arith.remsi %while3A_103, %rem3A_106 : i32
      %dma_wait3A_108 = arith.constant 0 : i32
      %dma_wait3A_109 = arith.constant 0 : i32
      %dma_wait3A_110 = arith.constant 0 : i32
      %dma_wait3A_111 = tpu.memref_slice %arg6[%rem3A_104, %dma_wait3A_109, %dma_wait3A_110] : memref<2x128x128xf32, #tpu.memory_space<vmem>> -> memref<1x128x128xf32, #tpu.memory_space<vmem>>
      %dma_wait3A_112 = tpu.memref_squeeze %dma_wait3A_111 : memref<1x128x128xf32, #tpu.memory_space<vmem>> -> memref<128x128xf32, #tpu.memory_space<vmem>>
      %dma_wait3A_113 = arith.constant 0 : i32
      %dma_wait3A_114 = tpu.memref_slice %arg5[%rem3A_107, %dma_wait3A_108, %dma_wait3A_113] : memref<3x2x128xi32, #tpu.memory_space<vmem>> -> memref<1x1x128xi32, #tpu.memory_space<vmem>>
      %dma_wait3A_115 = tpu.memref_squeeze %dma_wait3A_114 : memref<1x1x128xi32, #tpu.memory_space<vmem>> -> memref<128xi32, #tpu.memory_space<vmem>>
      %dma_wait3A_116 = arith.constant 0 : i32
      %dma_wait3A_117 = arith.constant 0 : i32
      %dma_wait3A_118 = tpu.memref_slice %arg2[%dma_wait3A_116, %dma_wait3A_117] : memref<10000x128xf32, #tpu.memory_space<hbm>> -> memref<10000x128xf32, #tpu.memory_space<hbm>>
      %dma_wait3A_119 = tpu.memref_slice %arg8[%rem3A_104] : memref<2x!tpu.dma_semaphore, #tpu.memory_space<semaphore_mem>> -> memref<1x!tpu.dma_semaphore, #tpu.memory_space<semaphore_mem>>
      %dma_wait3A_120 = tpu.memref_squeeze %dma_wait3A_119 : memref<1x!tpu.dma_semaphore, #tpu.memory_space<semaphore_mem>> -> memref<!tpu.dma_semaphore, #tpu.memory_space<semaphore_mem>>
      tpu.wait_indirect_dma semaphore(%dma_wait3A_120 : memref<!tpu.dma_semaphore, #tpu.memory_space<semaphore_mem>>) src(%dma_wait3A_118 : memref<10000x128xf32, #tpu.memory_space<hbm>>) dst(%dma_wait3A_112 : memref<128x128xf32, #tpu.memory_space<vmem>>)
      %add3A_121 = arith.constant 1 : i32
      %add3A_122 = arith.addi %while3A_103, %add3A_121 : i32
      %lt3A = arith.cmpi slt, %add3A_122, %select_n3A : i32
      %convert_element_type3A_123 = arith.extui %lt3A : i1 to i32
      %cond3A_124 = arith.constant 0 : i32
      %cond3A_125 = arith.cmpi ne, %convert_element_type3A_123, %cond3A_124 : i32
      scf.if %cond3A_125 {
        %add3A_145 = arith.constant 1 : i32
        %add3A_146 = arith.addi %while3A_103, %add3A_145 : i32
        %rem3A_147 = arith.constant 3 : i32
        %rem3A_148 = arith.remsi %add3A_146, %rem3A_147 : i32
        %add3A_149 = arith.addi %select_n3A_8, %while3A_103 : i32
        %add3A_150 = arith.constant 1 : i32
        %add3A_151 = arith.addi %add3A_149, %add3A_150 : i32
        %dma_wait3A_152 = arith.constant 0 : i32
        %dma_wait3A_153 = arith.constant 0 : i32
        %dma_wait3A_154 = tpu.memref_slice %arg5[%rem3A_148, %dma_wait3A_152, %dma_wait3A_153] : memref<3x2x128xi32, #tpu.memory_space<vmem>> -> memref<1x2x128xi32, #tpu.memory_space<vmem>>
        %dma_wait3A_155 = tpu.memref_squeeze %dma_wait3A_154 : memref<1x2x128xi32, #tpu.memory_space<vmem>> -> memref<2x128xi32, #tpu.memory_space<vmem>>
        %dma_wait3A_156 = arith.constant 0 : i32
        %dma_wait3A_157 = arith.constant 0 : i32
        %dma_wait3A_158 = tpu.memref_slice %arg3[%add3A_151, %dma_wait3A_156, %dma_wait3A_157] : memref<5024x2x128xi32, #tpu.memory_space<hbm>> -> memref<1x2x128xi32, #tpu.memory_space<hbm>>
        %dma_wait3A_159 = tpu.memref_squeeze %dma_wait3A_158 : memref<1x2x128xi32, #tpu.memory_space<hbm>> -> memref<2x128xi32, #tpu.memory_space<hbm>>
        %dma_wait3A_160 = tpu.memref_slice %arg10[%rem3A_148] : memref<3x!tpu.dma_semaphore, #tpu.memory_space<semaphore_mem>> -> memref<1x!tpu.dma_semaphore, #tpu.memory_space<semaphore_mem>>
        %dma_wait3A_161 = tpu.memref_squeeze %dma_wait3A_160 : memref<1x!tpu.dma_semaphore, #tpu.memory_space<semaphore_mem>> -> memref<!tpu.dma_semaphore, #tpu.memory_space<semaphore_mem>>
        %dma_wait3A_162 = arith.constant 0 : i32
        %dma_wait3A_163 = arith.constant 0 : i32
        %dma_wait3A_164 = tpu.memref_slice %arg5[%rem3A_148, %dma_wait3A_162, %dma_wait3A_163] : memref<3x2x128xi32, #tpu.memory_space<vmem>> -> memref<1x2x128xi32, #tpu.memory_space<vmem>>
        %dma_wait3A_165 = tpu.memref_squeeze %dma_wait3A_164 : memref<1x2x128xi32, #tpu.memory_space<vmem>> -> memref<2x128xi32, #tpu.memory_space<vmem>>
        %dma_wait3A_166 = arith.constant 0 : i32
        %dma_wait3A_167 = arith.constant 0 : i32
        %dma_wait3A_168 = tpu.memref_slice %arg3[%add3A_151, %dma_wait3A_166, %dma_wait3A_167] : memref<5024x2x128xi32, #tpu.memory_space<hbm>> -> memref<1x2x128xi32, #tpu.memory_space<hbm>>
        %dma_wait3A_169 = tpu.memref_squeeze %dma_wait3A_168 : memref<1x2x128xi32, #tpu.memory_space<hbm>> -> memref<2x128xi32, #tpu.memory_space<hbm>>
        tpu.wait_dma2 semaphore(%dma_wait3A_161 : memref<!tpu.dma_semaphore, #tpu.memory_space<semaphore_mem>>) src(%dma_wait3A_169 : memref<2x128xi32, #tpu.memory_space<hbm>>) dst(%dma_wait3A_165 : memref<2x128xi32, #tpu.memory_space<vmem>>)
        %ge3A = arith.constant 1 : i32
        %ge3A_170 = arith.cmpi sge, %while3A_103, %ge3A : i32
        %convert_element_type3A_171 = arith.extui %ge3A_170 : i1 to i32
        %cond3A_172 = arith.constant 0 : i32
        %cond3A_173 = arith.cmpi ne, %convert_element_type3A_171, %cond3A_172 : i32
        scf.if %cond3A_173 {
          %dma_wait3A_187 = arith.constant 1 : i32
          %dma_wait3A_188 = arith.constant 0 : i32
          %dma_wait3A_189 = arith.constant 0 : i32
          %dma_wait3A_190 = tpu.memref_slice %arg6[%sub3A_105, %dma_wait3A_188, %dma_wait3A_189] : memref<2x128x128xf32, #tpu.memory_space<vmem>> -> memref<1x128x128xf32, #tpu.memory_space<vmem>>
          %dma_wait3A_191 = tpu.memref_squeeze %dma_wait3A_190 : memref<1x128x128xf32, #tpu.memory_space<vmem>> -> memref<128x128xf32, #tpu.memory_space<vmem>>
          %dma_wait3A_192 = arith.constant 0 : i32
          %dma_wait3A_193 = tpu.memref_slice %arg5[%rem3A_148, %dma_wait3A_187, %dma_wait3A_192] : memref<3x2x128xi32, #tpu.memory_space<vmem>> -> memref<1x1x128xi32, #tpu.memory_space<vmem>>
          %dma_wait3A_194 = tpu.memref_squeeze %dma_wait3A_193 : memref<1x1x128xi32, #tpu.memory_space<vmem>> -> memref<128xi32, #tpu.memory_space<vmem>>
          %dma_wait3A_195 = arith.constant 0 : i32
          %dma_wait3A_196 = arith.constant 0 : i32
          %dma_wait3A_197 = tpu.memref_slice %arg7[%dma_wait3A_195, %dma_wait3A_196] : memref<10240x128xf32, #tpu.memory_space<vmem_shared>> -> memref<10240x128xf32, #tpu.memory_space<vmem_shared>>
          %dma_wait3A_198 = tpu.memref_slice %arg9[%sub3A_105] : memref<2x!tpu.dma_semaphore, #tpu.memory_space<semaphore_mem>> -> memref<1x!tpu.dma_semaphore, #tpu.memory_space<semaphore_mem>>
          %dma_wait3A_199 = tpu.memref_squeeze %dma_wait3A_198 : memref<1x!tpu.dma_semaphore, #tpu.memory_space<semaphore_mem>> -> memref<!tpu.dma_semaphore, #tpu.memory_space<semaphore_mem>>
          tpu.wait_indirect_dma semaphore(%dma_wait3A_199 : memref<!tpu.dma_semaphore, #tpu.memory_space<semaphore_mem>>) src(%dma_wait3A_191 : memref<128x128xf32, #tpu.memory_space<vmem>>) dst(%dma_wait3A_197 : memref<10240x128xf32, #tpu.memory_space<vmem_shared>>)
        } else {
        }
        %dma_start3A_174 = arith.constant 0 : i32
        %dma_start3A_175 = arith.constant 0 : i32
        %dma_start3A_176 = arith.constant 0 : i32
        %dma_start3A_177 = tpu.memref_slice %arg6[%sub3A_105, %dma_start3A_175, %dma_start3A_176] : memref<2x128x128xf32, #tpu.memory_space<vmem>> -> memref<1x128x128xf32, #tpu.memory_space<vmem>>
        %dma_start3A_178 = tpu.memref_squeeze %dma_start3A_177 : memref<1x128x128xf32, #tpu.memory_space<vmem>> -> memref<128x128xf32, #tpu.memory_space<vmem>>
        %dma_start3A_179 = arith.constant 0 : i32
        %dma_start3A_180 = tpu.memref_slice %arg5[%rem3A_148, %dma_start3A_174, %dma_start3A_179] : memref<3x2x128xi32, #tpu.memory_space<vmem>> -> memref<1x1x128xi32, #tpu.memory_space<vmem>>
        %dma_start3A_181 = tpu.memref_squeeze %dma_start3A_180 : memref<1x1x128xi32, #tpu.memory_space<vmem>> -> memref<128xi32, #tpu.memory_space<vmem>>
        %dma_start3A_182 = arith.constant 0 : i32
        %dma_start3A_183 = arith.constant 0 : i32
        %dma_start3A_184 = tpu.memref_slice %arg2[%dma_start3A_182, %dma_start3A_183] : memref<10000x128xf32, #tpu.memory_space<hbm>> -> memref<10000x128xf32, #tpu.memory_space<hbm>>
        %dma_start3A_185 = tpu.memref_slice %arg8[%sub3A_105] : memref<2x!tpu.dma_semaphore, #tpu.memory_space<semaphore_mem>> -> memref<1x!tpu.dma_semaphore, #tpu.memory_space<semaphore_mem>>
        %dma_start3A_186 = tpu.memref_squeeze %dma_start3A_185 : memref<1x!tpu.dma_semaphore, #tpu.memory_space<semaphore_mem>> -> memref<!tpu.dma_semaphore, #tpu.memory_space<semaphore_mem>>
        tpu.enqueue_indirect_dma source(%dma_start3A_184 : memref<10000x128xf32, #tpu.memory_space<hbm>>) target(%dma_start3A_178 : memref<128x128xf32, #tpu.memory_space<vmem>>) offsets(%dma_start3A_181 : memref<128xi32, #tpu.memory_space<vmem>>) semaphore(%dma_start3A_186 : memref<!tpu.dma_semaphore, #tpu.memory_space<semaphore_mem>>)
      } else {
      }
      %add3A_126 = arith.constant 2 : i32
      %add3A_127 = arith.addi %while3A_103, %add3A_126 : i32
      %lt3A_128 = arith.cmpi slt, %add3A_127, %select_n3A : i32
      %convert_element_type3A_129 = arith.extui %lt3A_128 : i1 to i32
      %cond3A_130 = arith.constant 0 : i32
      %cond3A_131 = arith.cmpi ne, %convert_element_type3A_129, %cond3A_130 : i32
      scf.if %cond3A_131 {
        %add3A_145 = arith.constant 2 : i32
        %add3A_146 = arith.addi %while3A_103, %add3A_145 : i32
        %rem3A_147 = arith.constant 3 : i32
        %rem3A_148 = arith.remsi %add3A_146, %rem3A_147 : i32
        %add3A_149 = arith.addi %select_n3A_8, %while3A_103 : i32
        %add3A_150 = arith.constant 2 : i32
        %add3A_151 = arith.addi %add3A_149, %add3A_150 : i32
        %dma_start3A_152 = arith.constant 0 : i32
        %dma_start3A_153 = arith.constant 0 : i32
        %dma_start3A_154 = tpu.memref_slice %arg5[%rem3A_148, %dma_start3A_152, %dma_start3A_153] : memref<3x2x128xi32, #tpu.memory_space<vmem>> -> memref<1x2x128xi32, #tpu.memory_space<vmem>>
        %dma_start3A_155 = tpu.memref_squeeze %dma_start3A_154 : memref<1x2x128xi32, #tpu.memory_space<vmem>> -> memref<2x128xi32, #tpu.memory_space<vmem>>
        %dma_start3A_156 = arith.constant 0 : i32
        %dma_start3A_157 = arith.constant 0 : i32
        %dma_start3A_158 = tpu.memref_slice %arg3[%add3A_151, %dma_start3A_156, %dma_start3A_157] : memref<5024x2x128xi32, #tpu.memory_space<hbm>> -> memref<1x2x128xi32, #tpu.memory_space<hbm>>
        %dma_start3A_159 = tpu.memref_squeeze %dma_start3A_158 : memref<1x2x128xi32, #tpu.memory_space<hbm>> -> memref<2x128xi32, #tpu.memory_space<hbm>>
        %dma_start3A_160 = tpu.memref_slice %arg10[%rem3A_148] : memref<3x!tpu.dma_semaphore, #tpu.memory_space<semaphore_mem>> -> memref<1x!tpu.dma_semaphore, #tpu.memory_space<semaphore_mem>>
        %dma_start3A_161 = tpu.memref_squeeze %dma_start3A_160 : memref<1x!tpu.dma_semaphore, #tpu.memory_space<semaphore_mem>> -> memref<!tpu.dma_semaphore, #tpu.memory_space<semaphore_mem>>
        %dma_start3A_162 = arith.constant 0 : i32
        %dma_start3A_163 = arith.constant 0 : i32
        %dma_start3A_164 = tpu.memref_slice %arg5[%rem3A_148, %dma_start3A_162, %dma_start3A_163] : memref<3x2x128xi32, #tpu.memory_space<vmem>> -> memref<1x2x128xi32, #tpu.memory_space<vmem>>
        %dma_start3A_165 = tpu.memref_squeeze %dma_start3A_164 : memref<1x2x128xi32, #tpu.memory_space<vmem>> -> memref<2x128xi32, #tpu.memory_space<vmem>>
        %dma_start3A_166 = arith.constant 0 : i32
        %dma_start3A_167 = arith.constant 0 : i32
        %dma_start3A_168 = tpu.memref_slice %arg3[%add3A_151, %dma_start3A_166, %dma_start3A_167] : memref<5024x2x128xi32, #tpu.memory_space<hbm>> -> memref<1x2x128xi32, #tpu.memory_space<hbm>>
        %dma_start3A_169 = tpu.memref_squeeze %dma_start3A_168 : memref<1x2x128xi32, #tpu.memory_space<hbm>> -> memref<2x128xi32, #tpu.memory_space<hbm>>
        tpu.enqueue_dma source(%dma_start3A_169 : memref<2x128xi32, #tpu.memory_space<hbm>>) target(%dma_start3A_165 : memref<2x128xi32, #tpu.memory_space<vmem>>) target_semaphore(%dma_start3A_161 : memref<!tpu.dma_semaphore, #tpu.memory_space<semaphore_mem>>)
      } else {
      }
      %dma_start3A_132 = arith.constant 1 : i32
      %dma_start3A_133 = arith.constant 0 : i32
      %dma_start3A_134 = arith.constant 0 : i32
      %dma_start3A_135 = tpu.memref_slice %arg6[%rem3A_104, %dma_start3A_133, %dma_start3A_134] : memref<2x128x128xf32, #tpu.memory_space<vmem>> -> memref<1x128x128xf32, #tpu.memory_space<vmem>>
      %dma_start3A_136 = tpu.memref_squeeze %dma_start3A_135 : memref<1x128x128xf32, #tpu.memory_space<vmem>> -> memref<128x128xf32, #tpu.memory_space<vmem>>
      %dma_start3A_137 = arith.constant 0 : i32
      %dma_start3A_138 = tpu.memref_slice %arg5[%rem3A_107, %dma_start3A_132, %dma_start3A_137] : memref<3x2x128xi32, #tpu.memory_space<vmem>> -> memref<1x1x128xi32, #tpu.memory_space<vmem>>
      %dma_start3A_139 = tpu.memref_squeeze %dma_start3A_138 : memref<1x1x128xi32, #tpu.memory_space<vmem>> -> memref<128xi32, #tpu.memory_space<vmem>>
      %dma_start3A_140 = arith.constant 0 : i32
      %dma_start3A_141 = arith.constant 0 : i32
      %dma_start3A_142 = tpu.memref_slice %arg7[%dma_start3A_140, %dma_start3A_141] : memref<10240x128xf32, #tpu.memory_space<vmem_shared>> -> memref<10240x128xf32, #tpu.memory_space<vmem_shared>>
      %dma_start3A_143 = tpu.memref_slice %arg9[%rem3A_104] : memref<2x!tpu.dma_semaphore, #tpu.memory_space<semaphore_mem>> -> memref<1x!tpu.dma_semaphore, #tpu.memory_space<semaphore_mem>>
      %dma_start3A_144 = tpu.memref_squeeze %dma_start3A_143 : memref<1x!tpu.dma_semaphore, #tpu.memory_space<semaphore_mem>> -> memref<!tpu.dma_semaphore, #tpu.memory_space<semaphore_mem>>
      tpu.enqueue_indirect_dma source(%dma_start3A_136 : memref<128x128xf32, #tpu.memory_space<vmem>>) target(%dma_start3A_142 : memref<10240x128xf32, #tpu.memory_space<vmem_shared>>) offsets(%dma_start3A_139 : memref<128xi32, #tpu.memory_space<vmem>>) semaphore(%dma_start3A_144 : memref<!tpu.dma_semaphore, #tpu.memory_space<semaphore_mem>>) {add = true}
    }
    %dma_wait3A = arith.constant 0 : i32
    %dma_wait3A_67 = arith.constant 0 : i32
    %dma_wait3A_68 = arith.constant 1 : i32
    %dma_wait3A_69 = arith.constant 0 : i32
    %dma_wait3A_70 = arith.constant 0 : i32
    %dma_wait3A_71 = arith.constant 0 : i32
    %dma_wait3A_72 = tpu.memref_slice %arg6[%dma_wait3A, %dma_wait3A_70, %dma_wait3A_71] : memref<2x128x128xf32, #tpu.memory_space<vmem>> -> memref<1x128x128xf32, #tpu.memory_space<vmem>>
    %dma_wait3A_73 = tpu.memref_squeeze %dma_wait3A_72 : memref<1x128x128xf32, #tpu.memory_space<vmem>> -> memref<128x128xf32, #tpu.memory_space<vmem>>
    %dma_wait3A_74 = arith.constant 0 : i32
    %dma_wait3A_75 = tpu.memref_slice %arg5[%dma_wait3A_67, %dma_wait3A_68, %dma_wait3A_74] : memref<3x2x128xi32, #tpu.memory_space<vmem>> -> memref<1x1x128xi32, #tpu.memory_space<vmem>>
    %dma_wait3A_76 = tpu.memref_squeeze %dma_wait3A_75 : memref<1x1x128xi32, #tpu.memory_space<vmem>> -> memref<128xi32, #tpu.memory_space<vmem>>
    %dma_wait3A_77 = arith.constant 0 : i32
    %dma_wait3A_78 = arith.constant 0 : i32
    %dma_wait3A_79 = tpu.memref_slice %arg7[%dma_wait3A_77, %dma_wait3A_78] : memref<10240x128xf32, #tpu.memory_space<vmem_shared>> -> memref<10240x128xf32, #tpu.memory_space<vmem_shared>>
    %dma_wait3A_80 = tpu.memref_slice %arg9[%dma_wait3A_69] : memref<2x!tpu.dma_semaphore, #tpu.memory_space<semaphore_mem>> -> memref<1x!tpu.dma_semaphore, #tpu.memory_space<semaphore_mem>>
    %dma_wait3A_81 = tpu.memref_squeeze %dma_wait3A_80 : memref<1x!tpu.dma_semaphore, #tpu.memory_space<semaphore_mem>> -> memref<!tpu.dma_semaphore, #tpu.memory_space<semaphore_mem>>
    tpu.wait_indirect_dma semaphore(%dma_wait3A_81 : memref<!tpu.dma_semaphore, #tpu.memory_space<semaphore_mem>>) src(%dma_wait3A_73 : memref<128x128xf32, #tpu.memory_space<vmem>>) dst(%dma_wait3A_79 : memref<10240x128xf32, #tpu.memory_space<vmem_shared>>)
    %dma_wait3A_82 = arith.constant 1 : i32
    %dma_wait3A_83 = arith.constant 0 : i32
    %dma_wait3A_84 = arith.constant 1 : i32
    %dma_wait3A_85 = arith.constant 1 : i32
    %dma_wait3A_86 = arith.constant 0 : i32
    %dma_wait3A_87 = arith.constant 0 : i32
    %dma_wait3A_88 = tpu.memref_slice %arg6[%dma_wait3A_82, %dma_wait3A_86, %dma_wait3A_87] : memref<2x128x128xf32, #tpu.memory_space<vmem>> -> memref<1x128x128xf32, #tpu.memory_space<vmem>>
    %dma_wait3A_89 = tpu.memref_squeeze %dma_wait3A_88 : memref<1x128x128xf32, #tpu.memory_space<vmem>> -> memref<128x128xf32, #tpu.memory_space<vmem>>
    %dma_wait3A_90 = arith.constant 0 : i32
    %dma_wait3A_91 = tpu.memref_slice %arg5[%dma_wait3A_83, %dma_wait3A_84, %dma_wait3A_90] : memref<3x2x128xi32, #tpu.memory_space<vmem>> -> memref<1x1x128xi32, #tpu.memory_space<vmem>>
    %dma_wait3A_92 = tpu.memref_squeeze %dma_wait3A_91 : memref<1x1x128xi32, #tpu.memory_space<vmem>> -> memref<128xi32, #tpu.memory_space<vmem>>
    %dma_wait3A_93 = arith.constant 0 : i32
    %dma_wait3A_94 = arith.constant 0 : i32
    %dma_wait3A_95 = tpu.memref_slice %arg7[%dma_wait3A_93, %dma_wait3A_94] : memref<10240x128xf32, #tpu.memory_space<vmem_shared>> -> memref<10240x128xf32, #tpu.memory_space<vmem_shared>>
    %dma_wait3A_96 = tpu.memref_slice %arg9[%dma_wait3A_85] : memref<2x!tpu.dma_semaphore, #tpu.memory_space<semaphore_mem>> -> memref<1x!tpu.dma_semaphore, #tpu.memory_space<semaphore_mem>>
    %dma_wait3A_97 = tpu.memref_squeeze %dma_wait3A_96 : memref<1x!tpu.dma_semaphore, #tpu.memory_space<semaphore_mem>> -> memref<!tpu.dma_semaphore, #tpu.memory_space<semaphore_mem>>
    tpu.wait_indirect_dma semaphore(%dma_wait3A_97 : memref<!tpu.dma_semaphore, #tpu.memory_space<semaphore_mem>>) src(%dma_wait3A_89 : memref<128x128xf32, #tpu.memory_space<vmem>>) dst(%dma_wait3A_95 : memref<10240x128xf32, #tpu.memory_space<vmem_shared>>)
    %barrier3A_98 = arith.constant 0 : index
    tpu.barrier barrier_id(%barrier3A_98)
    %mul3A_99 = arith.constant 640 : i32
    %mul3A_100 = arith.muli %arg1, %mul3A_99 : i32
    %mul3A_101 = arith.constant 640 : i32
    %mul3A_102 = arith.muli %arg1, %mul3A_101 : i32
    "tpu.region"() ({
      %run_scoped3A_103 = tpu.sem_alloc : memref<!tpu.dma_semaphore, #tpu.memory_space<semaphore_mem>>
      %dma_start3A_104 = arith.constant 0 : i32
      %dma_start3A_105 = tpu.memref_slice %arg4[%arg0, %mul3A_102, %dma_start3A_104] : memref<2x10240x128xf32, #tpu.memory_space<hbm>> -> memref<1x640x128xf32, #tpu.memory_space<hbm>>
      %dma_start3A_106 = tpu.memref_squeeze %dma_start3A_105 : memref<1x640x128xf32, #tpu.memory_space<hbm>> -> memref<640x128xf32, #tpu.memory_space<hbm>>
      %dma_start3A_107 = arith.constant 0 : i32
      %dma_start3A_108 = tpu.memref_slice %arg7[%mul3A_100, %dma_start3A_107] : memref<10240x128xf32, #tpu.memory_space<vmem_shared>> -> memref<640x128xf32, #tpu.memory_space<vmem_shared>>
      tpu.enqueue_dma source(%dma_start3A_108 : memref<640x128xf32, #tpu.memory_space<vmem_shared>>) target(%dma_start3A_106 : memref<640x128xf32, #tpu.memory_space<hbm>>) target_semaphore(%run_scoped3A_103 : memref<!tpu.dma_semaphore, #tpu.memory_space<semaphore_mem>>)
      %dma_wait3A_109 = arith.constant 0 : i32
      %dma_wait3A_110 = tpu.memref_slice %arg4[%arg0, %mul3A_102, %dma_wait3A_109] : memref<2x10240x128xf32, #tpu.memory_space<hbm>> -> memref<1x640x128xf32, #tpu.memory_space<hbm>>
      %dma_wait3A_111 = tpu.memref_squeeze %dma_wait3A_110 : memref<1x640x128xf32, #tpu.memory_space<hbm>> -> memref<640x128xf32, #tpu.memory_space<hbm>>
      %dma_wait3A_112 = arith.constant 0 : i32
      %dma_wait3A_113 = tpu.memref_slice %arg7[%mul3A_100, %dma_wait3A_112] : memref<10240x128xf32, #tpu.memory_space<vmem_shared>> -> memref<640x128xf32, #tpu.memory_space<vmem_shared>>
      tpu.wait_dma2 semaphore(%run_scoped3A_103 : memref<!tpu.dma_semaphore, #tpu.memory_space<semaphore_mem>>) src(%dma_wait3A_113 : memref<640x128xf32, #tpu.memory_space<vmem_shared>>) dst(%dma_wait3A_111 : memref<640x128xf32, #tpu.memory_space<hbm>>)
      tpu.yield
    }) : () -> ()
    return
  }
}

#map = affine_map<(d0, d1) -> (0, 0, 0, 0)>
#map1 = affine_map<(d0, d1) -> (0, 0, 0)>
module attributes {stable_mosaic.version = 14 : i64} {
  func.func @_sc_degree_body(%arg0: i32, %arg1: i32, %arg2: memref<2x16x157x128xi32, #tpu.memory_space<hbm>>, %arg3: memref<2x10240x128xf32, #tpu.memory_space<hbm>>, %arg4: memref<2x128xi32, #tpu.memory_space<vmem>>, %arg5: memref<128x128xf32, #tpu.memory_space<vmem>>, %arg6: memref<128x128xf32, #tpu.memory_space<vmem>>, %arg7: memref<10240x128xf32, #tpu.memory_space<vmem_shared>>, %arg8: memref<2x!tpu.dma_semaphore, #tpu.memory_space<semaphore_mem>>) attributes {dimension_semantics = [#tpu.dimension_semantics<core_parallel>, #tpu.dimension_semantics<subcore_parallel>], iteration_bounds = array<i64: 2, 16>, scalar_prefetch = 0 : i64, scratch_operands = 5 : i64, tpu.core_type = #tpu.core_type<sc_vector_subcore>, window_params = [{transform_indices = #map}, {transform_indices = #map1}]} {
    %broadcast_in_dim3A = arith.constant 1.000000e+00 : f32
    %broadcast_in_dim3A_0 = vector.broadcast %broadcast_in_dim3A : f32 to vector<16xf32>
    %scan3A = arith.constant 0 : i32
    %scan3A_1 = arith.constant 0 : i32
    %scan3A_2 = arith.constant 1024 : i32
    %scan3A_3 = arith.addi %scan3A_1, %scan3A_2 : i32
    %scan3A_4 = arith.constant 1 : i32
    scf.for %scan3A_44 = %scan3A_1 to %scan3A_3 step %scan3A_4  : i32 {
      %jit3A = arith.constant 8 : i32
      %div3A = arith.divsi %scan3A_44, %jit3A : i32
      %sign3A = arith.constant 0 : i32
      %sign3A_45 = arith.cmpi sgt, %scan3A_44, %sign3A : i32
      %sign3A_46 = arith.extui %sign3A_45 : i1 to i32
      %sign3A_47 = arith.constant 0 : i32
      %sign3A_48 = arith.cmpi slt, %scan3A_44, %sign3A_47 : i32
      %sign3A_49 = arith.extui %sign3A_48 : i1 to i32
      %sign3A_50 = arith.subi %sign3A_46, %sign3A_49 : i32
      %sign3A_51 = arith.constant 0 : i32
      %sign3A_52 = arith.cmpi sgt, %jit3A, %sign3A_51 : i32
      %sign3A_53 = arith.extui %sign3A_52 : i1 to i32
      %sign3A_54 = arith.constant 0 : i32
      %sign3A_55 = arith.cmpi slt, %jit3A, %sign3A_54 : i32
      %sign3A_56 = arith.extui %sign3A_55 : i1 to i32
      %sign3A_57 = arith.subi %sign3A_53, %sign3A_56 : i32
      %ne3A = arith.cmpi ne, %sign3A_50, %sign3A_57 : i32
      %rem3A = arith.remsi %scan3A_44, %jit3A : i32
      %ne3A_58 = arith.constant 0 : i32
      %ne3A_59 = arith.cmpi ne, %rem3A, %ne3A_58 : i32
      %and3A = arith.andi %ne3A, %ne3A_59 : i1
      %sub3A = arith.constant 1 : i32
      %sub3A_60 = arith.subi %div3A, %sub3A : i32
      %select_n3A = arith.select %and3A, %sub3A_60, %div3A : i32
      %mul3A_61 = arith.constant 8 : i32
      %mul3A_62 = arith.muli %select_n3A, %mul3A_61 : i32
      %sub3A_63 = arith.subi %scan3A_44, %mul3A_62 : i32
      %mul3A_64 = arith.constant 16 : i32
      %mul3A_65 = arith.muli %sub3A_63, %mul3A_64 : i32
      %swap3A = arith.index_cast %select_n3A : i32 to index
      %swap3A_66 = arith.index_cast %mul3A_65 : i32 to index
      %swap3A_67 = tpu.vector_load %arg5[%swap3A, %swap3A_66] {strides = array<i32>} : memref<128x128xf32, #tpu.memory_space<vmem>>, vector<1x16xf32>,
      %swap3A_68 = vector.shape_cast %swap3A_67 : vector<1x16xf32> to vector<16xf32>
      %swap3A_69 = vector.shape_cast %broadcast_in_dim3A_0 : vector<16xf32> to vector<1x16xf32>
      tpu.vector_store %arg5[%swap3A, %swap3A_66], %swap3A_69 {strides = array<i32>} : memref<128x128xf32, #tpu.memory_space<vmem>>, vector<1x16xf32>,
    }
    %scan3A_5 = arith.constant 1024 : i32
    %broadcast_in_dim3A_6 = arith.constant 0.000000e+00 : f32
    %broadcast_in_dim3A_7 = vector.broadcast %broadcast_in_dim3A_6 : f32 to vector<16xf32>
    %scan3A_8 = arith.constant 0 : i32
    %scan3A_9 = arith.constant 0 : i32
    %scan3A_10 = arith.constant 1024 : i32
    %scan3A_11 = arith.addi %scan3A_9, %scan3A_10 : i32
    %scan3A_12 = arith.constant 1 : i32
    scf.for %scan3A_44 = %scan3A_9 to %scan3A_11 step %scan3A_12  : i32 {
      %jit3A = arith.constant 8 : i32
      %div3A = arith.divsi %scan3A_44, %jit3A : i32
      %sign3A = arith.constant 0 : i32
      %sign3A_45 = arith.cmpi sgt, %scan3A_44, %sign3A : i32
      %sign3A_46 = arith.extui %sign3A_45 : i1 to i32
      %sign3A_47 = arith.constant 0 : i32
      %sign3A_48 = arith.cmpi slt, %scan3A_44, %sign3A_47 : i32
      %sign3A_49 = arith.extui %sign3A_48 : i1 to i32
      %sign3A_50 = arith.subi %sign3A_46, %sign3A_49 : i32
      %sign3A_51 = arith.constant 0 : i32
      %sign3A_52 = arith.cmpi sgt, %jit3A, %sign3A_51 : i32
      %sign3A_53 = arith.extui %sign3A_52 : i1 to i32
      %sign3A_54 = arith.constant 0 : i32
      %sign3A_55 = arith.cmpi slt, %jit3A, %sign3A_54 : i32
      %sign3A_56 = arith.extui %sign3A_55 : i1 to i32
      %sign3A_57 = arith.subi %sign3A_53, %sign3A_56 : i32
      %ne3A = arith.cmpi ne, %sign3A_50, %sign3A_57 : i32
      %rem3A = arith.remsi %scan3A_44, %jit3A : i32
      %ne3A_58 = arith.constant 0 : i32
      %ne3A_59 = arith.cmpi ne, %rem3A, %ne3A_58 : i32
      %and3A = arith.andi %ne3A, %ne3A_59 : i1
      %sub3A = arith.constant 1 : i32
      %sub3A_60 = arith.subi %div3A, %sub3A : i32
      %select_n3A = arith.select %and3A, %sub3A_60, %div3A : i32
      %mul3A_61 = arith.constant 8 : i32
      %mul3A_62 = arith.muli %select_n3A, %mul3A_61 : i32
      %sub3A_63 = arith.subi %scan3A_44, %mul3A_62 : i32
      %mul3A_64 = arith.constant 16 : i32
      %mul3A_65 = arith.muli %sub3A_63, %mul3A_64 : i32
      %swap3A = arith.index_cast %select_n3A : i32 to index
      %swap3A_66 = arith.index_cast %mul3A_65 : i32 to index
      %swap3A_67 = tpu.vector_load %arg6[%swap3A, %swap3A_66] {strides = array<i32>} : memref<128x128xf32, #tpu.memory_space<vmem>>, vector<1x16xf32>,
      %swap3A_68 = vector.shape_cast %swap3A_67 : vector<1x16xf32> to vector<16xf32>
      %swap3A_69 = vector.shape_cast %broadcast_in_dim3A_7 : vector<16xf32> to vector<1x16xf32>
      tpu.vector_store %arg6[%swap3A, %swap3A_66], %swap3A_69 {strides = array<i32>} : memref<128x128xf32, #tpu.memory_space<vmem>>, vector<1x16xf32>,
    }
    %scan3A_13 = arith.constant 1024 : i32
    %mul3A = arith.constant 640 : i32
    %mul3A_14 = arith.muli %arg1, %mul3A : i32
    %add3A = arith.constant 0 : i32
    %add3A_15 = arith.addi %mul3A_14, %add3A : i32
    "tpu.region"() ({
      %run_scoped3A_44 = tpu.sem_alloc : memref<!tpu.dma_semaphore, #tpu.memory_space<semaphore_mem>>
      %dma_start3A = arith.constant 0 : i32
      %dma_start3A_45 = tpu.memref_slice %arg7[%add3A_15, %dma_start3A] : memref<10240x128xf32, #tpu.memory_space<vmem_shared>> -> memref<128x128xf32, #tpu.memory_space<vmem_shared>>
      %dma_start3A_46 = arith.constant 0 : i32
      %dma_start3A_47 = tpu.memref_slice %arg7[%add3A_15, %dma_start3A_46] : memref<10240x128xf32, #tpu.memory_space<vmem_shared>> -> memref<128x128xf32, #tpu.memory_space<vmem_shared>>
      tpu.enqueue_dma source(%arg6 : memref<128x128xf32, #tpu.memory_space<vmem>>) target(%dma_start3A_47 : memref<128x128xf32, #tpu.memory_space<vmem_shared>>) target_semaphore(%run_scoped3A_44 : memref<!tpu.dma_semaphore, #tpu.memory_space<semaphore_mem>>)
      %dma_wait3A = arith.constant 0 : i32
      %dma_wait3A_48 = tpu.memref_slice %arg7[%add3A_15, %dma_wait3A] : memref<10240x128xf32, #tpu.memory_space<vmem_shared>> -> memref<128x128xf32, #tpu.memory_space<vmem_shared>>
      %dma_wait3A_49 = arith.constant 0 : i32
      %dma_wait3A_50 = tpu.memref_slice %arg7[%add3A_15, %dma_wait3A_49] : memref<10240x128xf32, #tpu.memory_space<vmem_shared>> -> memref<128x128xf32, #tpu.memory_space<vmem_shared>>
      tpu.wait_dma2 semaphore(%run_scoped3A_44 : memref<!tpu.dma_semaphore, #tpu.memory_space<semaphore_mem>>) src(%arg6 : memref<128x128xf32, #tpu.memory_space<vmem>>) dst(%dma_wait3A_50 : memref<128x128xf32, #tpu.memory_space<vmem_shared>>)
      tpu.yield
    }) : () -> ()
    %mul3A_16 = arith.constant 640 : i32
    %mul3A_17 = arith.muli %arg1, %mul3A_16 : i32
    %add3A_18 = arith.constant 128 : i32
    %add3A_19 = arith.addi %mul3A_17, %add3A_18 : i32
    "tpu.region"() ({
      %run_scoped3A_44 = tpu.sem_alloc : memref<!tpu.dma_semaphore, #tpu.memory_space<semaphore_mem>>
      %dma_start3A = arith.constant 0 : i32
      %dma_start3A_45 = tpu.memref_slice %arg7[%add3A_19, %dma_start3A] : memref<10240x128xf32, #tpu.memory_space<vmem_shared>> -> memref<128x128xf32, #tpu.memory_space<vmem_shared>>
      %dma_start3A_46 = arith.constant 0 : i32
      %dma_start3A_47 = tpu.memref_slice %arg7[%add3A_19, %dma_start3A_46] : memref<10240x128xf32, #tpu.memory_space<vmem_shared>> -> memref<128x128xf32, #tpu.memory_space<vmem_shared>>
      tpu.enqueue_dma source(%arg6 : memref<128x128xf32, #tpu.memory_space<vmem>>) target(%dma_start3A_47 : memref<128x128xf32, #tpu.memory_space<vmem_shared>>) target_semaphore(%run_scoped3A_44 : memref<!tpu.dma_semaphore, #tpu.memory_space<semaphore_mem>>)
      %dma_wait3A = arith.constant 0 : i32
      %dma_wait3A_48 = tpu.memref_slice %arg7[%add3A_19, %dma_wait3A] : memref<10240x128xf32, #tpu.memory_space<vmem_shared>> -> memref<128x128xf32, #tpu.memory_space<vmem_shared>>
      %dma_wait3A_49 = arith.constant 0 : i32
      %dma_wait3A_50 = tpu.memref_slice %arg7[%add3A_19, %dma_wait3A_49] : memref<10240x128xf32, #tpu.memory_space<vmem_shared>> -> memref<128x128xf32, #tpu.memory_space<vmem_shared>>
      tpu.wait_dma2 semaphore(%run_scoped3A_44 : memref<!tpu.dma_semaphore, #tpu.memory_space<semaphore_mem>>) src(%arg6 : memref<128x128xf32, #tpu.memory_space<vmem>>) dst(%dma_wait3A_50 : memref<128x128xf32, #tpu.memory_space<vmem_shared>>)
      tpu.yield
    }) : () -> ()
    %mul3A_20 = arith.constant 640 : i32
    %mul3A_21 = arith.muli %arg1, %mul3A_20 : i32
    %add3A_22 = arith.constant 256 : i32
    %add3A_23 = arith.addi %mul3A_21, %add3A_22 : i32
    "tpu.region"() ({
      %run_scoped3A_44 = tpu.sem_alloc : memref<!tpu.dma_semaphore, #tpu.memory_space<semaphore_mem>>
      %dma_start3A = arith.constant 0 : i32
      %dma_start3A_45 = tpu.memref_slice %arg7[%add3A_23, %dma_start3A] : memref<10240x128xf32, #tpu.memory_space<vmem_shared>> -> memref<128x128xf32, #tpu.memory_space<vmem_shared>>
      %dma_start3A_46 = arith.constant 0 : i32
      %dma_start3A_47 = tpu.memref_slice %arg7[%add3A_23, %dma_start3A_46] : memref<10240x128xf32, #tpu.memory_space<vmem_shared>> -> memref<128x128xf32, #tpu.memory_space<vmem_shared>>
      tpu.enqueue_dma source(%arg6 : memref<128x128xf32, #tpu.memory_space<vmem>>) target(%dma_start3A_47 : memref<128x128xf32, #tpu.memory_space<vmem_shared>>) target_semaphore(%run_scoped3A_44 : memref<!tpu.dma_semaphore, #tpu.memory_space<semaphore_mem>>)
      %dma_wait3A = arith.constant 0 : i32
      %dma_wait3A_48 = tpu.memref_slice %arg7[%add3A_23, %dma_wait3A] : memref<10240x128xf32, #tpu.memory_space<vmem_shared>> -> memref<128x128xf32, #tpu.memory_space<vmem_shared>>
      %dma_wait3A_49 = arith.constant 0 : i32
      %dma_wait3A_50 = tpu.memref_slice %arg7[%add3A_23, %dma_wait3A_49] : memref<10240x128xf32, #tpu.memory_space<vmem_shared>> -> memref<128x128xf32, #tpu.memory_space<vmem_shared>>
      tpu.wait_dma2 semaphore(%run_scoped3A_44 : memref<!tpu.dma_semaphore, #tpu.memory_space<semaphore_mem>>) src(%arg6 : memref<128x128xf32, #tpu.memory_space<vmem>>) dst(%dma_wait3A_50 : memref<128x128xf32, #tpu.memory_space<vmem_shared>>)
      tpu.yield
    }) : () -> ()
    %mul3A_24 = arith.constant 640 : i32
    %mul3A_25 = arith.muli %arg1, %mul3A_24 : i32
    %add3A_26 = arith.constant 384 : i32
    %add3A_27 = arith.addi %mul3A_25, %add3A_26 : i32
    "tpu.region"() ({
      %run_scoped3A_44 = tpu.sem_alloc : memref<!tpu.dma_semaphore, #tpu.memory_space<semaphore_mem>>
      %dma_start3A = arith.constant 0 : i32
      %dma_start3A_45 = tpu.memref_slice %arg7[%add3A_27, %dma_start3A] : memref<10240x128xf32, #tpu.memory_space<vmem_shared>> -> memref<128x128xf32, #tpu.memory_space<vmem_shared>>
      %dma_start3A_46 = arith.constant 0 : i32
      %dma_start3A_47 = tpu.memref_slice %arg7[%add3A_27, %dma_start3A_46] : memref<10240x128xf32, #tpu.memory_space<vmem_shared>> -> memref<128x128xf32, #tpu.memory_space<vmem_shared>>
      tpu.enqueue_dma source(%arg6 : memref<128x128xf32, #tpu.memory_space<vmem>>) target(%dma_start3A_47 : memref<128x128xf32, #tpu.memory_space<vmem_shared>>) target_semaphore(%run_scoped3A_44 : memref<!tpu.dma_semaphore, #tpu.memory_space<semaphore_mem>>)
      %dma_wait3A = arith.constant 0 : i32
      %dma_wait3A_48 = tpu.memref_slice %arg7[%add3A_27, %dma_wait3A] : memref<10240x128xf32, #tpu.memory_space<vmem_shared>> -> memref<128x128xf32, #tpu.memory_space<vmem_shared>>
      %dma_wait3A_49 = arith.constant 0 : i32
      %dma_wait3A_50 = tpu.memref_slice %arg7[%add3A_27, %dma_wait3A_49] : memref<10240x128xf32, #tpu.memory_space<vmem_shared>> -> memref<128x128xf32, #tpu.memory_space<vmem_shared>>
      tpu.wait_dma2 semaphore(%run_scoped3A_44 : memref<!tpu.dma_semaphore, #tpu.memory_space<semaphore_mem>>) src(%arg6 : memref<128x128xf32, #tpu.memory_space<vmem>>) dst(%dma_wait3A_50 : memref<128x128xf32, #tpu.memory_space<vmem_shared>>)
      tpu.yield
    }) : () -> ()
    %mul3A_28 = arith.constant 640 : i32
    %mul3A_29 = arith.muli %arg1, %mul3A_28 : i32
    %add3A_30 = arith.constant 512 : i32
    %add3A_31 = arith.addi %mul3A_29, %add3A_30 : i32
    "tpu.region"() ({
      %run_scoped3A_44 = tpu.sem_alloc : memref<!tpu.dma_semaphore, #tpu.memory_space<semaphore_mem>>
      %dma_start3A = arith.constant 0 : i32
      %dma_start3A_45 = tpu.memref_slice %arg7[%add3A_31, %dma_start3A] : memref<10240x128xf32, #tpu.memory_space<vmem_shared>> -> memref<128x128xf32, #tpu.memory_space<vmem_shared>>
      %dma_start3A_46 = arith.constant 0 : i32
      %dma_start3A_47 = tpu.memref_slice %arg7[%add3A_31, %dma_start3A_46] : memref<10240x128xf32, #tpu.memory_space<vmem_shared>> -> memref<128x128xf32, #tpu.memory_space<vmem_shared>>
      tpu.enqueue_dma source(%arg6 : memref<128x128xf32, #tpu.memory_space<vmem>>) target(%dma_start3A_47 : memref<128x128xf32, #tpu.memory_space<vmem_shared>>) target_semaphore(%run_scoped3A_44 : memref<!tpu.dma_semaphore, #tpu.memory_space<semaphore_mem>>)
      %dma_wait3A = arith.constant 0 : i32
      %dma_wait3A_48 = tpu.memref_slice %arg7[%add3A_31, %dma_wait3A] : memref<10240x128xf32, #tpu.memory_space<vmem_shared>> -> memref<128x128xf32, #tpu.memory_space<vmem_shared>>
      %dma_wait3A_49 = arith.constant 0 : i32
      %dma_wait3A_50 = tpu.memref_slice %arg7[%add3A_31, %dma_wait3A_49] : memref<10240x128xf32, #tpu.memory_space<vmem_shared>> -> memref<128x128xf32, #tpu.memory_space<vmem_shared>>
      tpu.wait_dma2 semaphore(%run_scoped3A_44 : memref<!tpu.dma_semaphore, #tpu.memory_space<semaphore_mem>>) src(%arg6 : memref<128x128xf32, #tpu.memory_space<vmem>>) dst(%dma_wait3A_50 : memref<128x128xf32, #tpu.memory_space<vmem_shared>>)
      tpu.yield
    }) : () -> ()
    %barrier3A = arith.constant 0 : index
    tpu.barrier barrier_id(%barrier3A)
    %run_scoped3A = arith.constant 0 : i32
    %run_scoped3A_32 = arith.constant 0 : i32
    "tpu.region"() ({
      %run_scoped3A_44 = tpu.sem_alloc : memref<!tpu.dma_semaphore, #tpu.memory_space<semaphore_mem>>
      %dma_start3A = arith.constant 0 : i32
      %dma_start3A_45 = tpu.memref_slice %arg4[%run_scoped3A_32, %dma_start3A] : memref<2x128xi32, #tpu.memory_space<vmem>> -> memref<1x128xi32, #tpu.memory_space<vmem>>
      %dma_start3A_46 = tpu.memref_squeeze %dma_start3A_45 : memref<1x128xi32, #tpu.memory_space<vmem>> -> memref<128xi32, #tpu.memory_space<vmem>>
      %dma_start3A_47 = arith.constant 0 : i32
      %dma_start3A_48 = tpu.memref_slice %arg2[%arg0, %arg1, %run_scoped3A, %dma_start3A_47] : memref<2x16x157x128xi32, #tpu.memory_space<hbm>> -> memref<1x1x1x128xi32, #tpu.memory_space<hbm>>
      %dma_start3A_49 = tpu.memref_squeeze %dma_start3A_48 : memref<1x1x1x128xi32, #tpu.memory_space<hbm>> -> memref<128xi32, #tpu.memory_space<hbm>>
      %dma_start3A_50 = arith.constant 0 : i32
      %dma_start3A_51 = tpu.memref_slice %arg4[%run_scoped3A_32, %dma_start3A_50] : memref<2x128xi32, #tpu.memory_space<vmem>> -> memref<1x128xi32, #tpu.memory_space<vmem>>
      %dma_start3A_52 = tpu.memref_squeeze %dma_start3A_51 : memref<1x128xi32, #tpu.memory_space<vmem>> -> memref<128xi32, #tpu.memory_space<vmem>>
      %dma_start3A_53 = arith.constant 0 : i32
      %dma_start3A_54 = tpu.memref_slice %arg2[%arg0, %arg1, %run_scoped3A, %dma_start3A_53] : memref<2x16x157x128xi32, #tpu.memory_space<hbm>> -> memref<1x1x1x128xi32, #tpu.memory_space<hbm>>
      %dma_start3A_55 = tpu.memref_squeeze %dma_start3A_54 : memref<1x1x1x128xi32, #tpu.memory_space<hbm>> -> memref<128xi32, #tpu.memory_space<hbm>>
      tpu.enqueue_dma source(%dma_start3A_55 : memref<128xi32, #tpu.memory_space<hbm>>) target(%dma_start3A_52 : memref<128xi32, #tpu.memory_space<vmem>>) target_semaphore(%run_scoped3A_44 : memref<!tpu.dma_semaphore, #tpu.memory_space<semaphore_mem>>)
      %dma_wait3A = arith.constant 0 : i32
      %dma_wait3A_56 = tpu.memref_slice %arg4[%run_scoped3A_32, %dma_wait3A] : memref<2x128xi32, #tpu.memory_space<vmem>> -> memref<1x128xi32, #tpu.memory_space<vmem>>
      %dma_wait3A_57 = tpu.memref_squeeze %dma_wait3A_56 : memref<1x128xi32, #tpu.memory_space<vmem>> -> memref<128xi32, #tpu.memory_space<vmem>>
      %dma_wait3A_58 = arith.constant 0 : i32
      %dma_wait3A_59 = tpu.memref_slice %arg2[%arg0, %arg1, %run_scoped3A, %dma_wait3A_58] : memref<2x16x157x128xi32, #tpu.memory_space<hbm>> -> memref<1x1x1x128xi32, #tpu.memory_space<hbm>>
      %dma_wait3A_60 = tpu.memref_squeeze %dma_wait3A_59 : memref<1x1x1x128xi32, #tpu.memory_space<hbm>> -> memref<128xi32, #tpu.memory_space<hbm>>
      %dma_wait3A_61 = arith.constant 0 : i32
      %dma_wait3A_62 = tpu.memref_slice %arg4[%run_scoped3A_32, %dma_wait3A_61] : memref<2x128xi32, #tpu.memory_space<vmem>> -> memref<1x128xi32, #tpu.memory_space<vmem>>
      %dma_wait3A_63 = tpu.memref_squeeze %dma_wait3A_62 : memref<1x128xi32, #tpu.memory_space<vmem>> -> memref<128xi32, #tpu.memory_space<vmem>>
      %dma_wait3A_64 = arith.constant 0 : i32
      %dma_wait3A_65 = tpu.memref_slice %arg2[%arg0, %arg1, %run_scoped3A, %dma_wait3A_64] : memref<2x16x157x128xi32, #tpu.memory_space<hbm>> -> memref<1x1x1x128xi32, #tpu.memory_space<hbm>>
      %dma_wait3A_66 = tpu.memref_squeeze %dma_wait3A_65 : memref<1x1x1x128xi32, #tpu.memory_space<hbm>> -> memref<128xi32, #tpu.memory_space<hbm>>
      tpu.wait_dma2 semaphore(%run_scoped3A_44 : memref<!tpu.dma_semaphore, #tpu.memory_space<semaphore_mem>>) src(%dma_wait3A_66 : memref<128xi32, #tpu.memory_space<hbm>>) dst(%dma_wait3A_63 : memref<128xi32, #tpu.memory_space<vmem>>)
      tpu.yield
    }) : () -> ()
    %scan3A_33 = arith.constant 0 : i32
    %scan3A_34 = arith.constant 0 : i32
    %scan3A_35 = arith.constant 157 : i32
    %scan3A_36 = arith.addi %scan3A_34, %scan3A_35 : i32
    %scan3A_37 = arith.constant 1 : i32
    scf.for %scan3A_44 = %scan3A_34 to %scan3A_36 step %scan3A_37  : i32 {
      %rem3A = arith.constant 2 : i32
      %rem3A_45 = arith.remsi %scan3A_44, %rem3A : i32
      %sub3A = arith.constant 1 : i32
      %sub3A_46 = arith.subi %sub3A, %rem3A_45 : i32
      %add3A_47 = arith.constant 1 : i32
      %add3A_48 = arith.addi %scan3A_44, %add3A_47 : i32
      %lt3A = arith.constant 157 : i32
      %lt3A_49 = arith.cmpi slt, %add3A_48, %lt3A : i32
      %convert_element_type3A = arith.extui %lt3A_49 : i1 to i32
      %cond3A = arith.constant 0 : i32
      %cond3A_50 = arith.cmpi ne, %convert_element_type3A, %cond3A : i32
      scf.if %cond3A_50 {
        %add3A_58 = arith.constant 1 : i32
        %add3A_59 = arith.addi %scan3A_44, %add3A_58 : i32
        %dma_start3A = arith.constant 0 : i32
        %dma_start3A_60 = tpu.memref_slice %arg4[%sub3A_46, %dma_start3A] : memref<2x128xi32, #tpu.memory_space<vmem>> -> memref<1x128xi32, #tpu.memory_space<vmem>>
        %dma_start3A_61 = tpu.memref_squeeze %dma_start3A_60 : memref<1x128xi32, #tpu.memory_space<vmem>> -> memref<128xi32, #tpu.memory_space<vmem>>
        %dma_start3A_62 = arith.constant 0 : i32
        %dma_start3A_63 = tpu.memref_slice %arg2[%arg0, %arg1, %add3A_59, %dma_start3A_62] : memref<2x16x157x128xi32, #tpu.memory_space<hbm>> -> memref<1x1x1x128xi32, #tpu.memory_space<hbm>>
        %dma_start3A_64 = tpu.memref_squeeze %dma_start3A_63 : memref<1x1x1x128xi32, #tpu.memory_space<hbm>> -> memref<128xi32, #tpu.memory_space<hbm>>
        %dma_start3A_65 = tpu.memref_slice %arg8[%sub3A_46] : memref<2x!tpu.dma_semaphore, #tpu.memory_space<semaphore_mem>> -> memref<1x!tpu.dma_semaphore, #tpu.memory_space<semaphore_mem>>
        %dma_start3A_66 = tpu.memref_squeeze %dma_start3A_65 : memref<1x!tpu.dma_semaphore, #tpu.memory_space<semaphore_mem>> -> memref<!tpu.dma_semaphore, #tpu.memory_space<semaphore_mem>>
        %dma_start3A_67 = arith.constant 0 : i32
        %dma_start3A_68 = tpu.memref_slice %arg4[%sub3A_46, %dma_start3A_67] : memref<2x128xi32, #tpu.memory_space<vmem>> -> memref<1x128xi32, #tpu.memory_space<vmem>>
        %dma_start3A_69 = tpu.memref_squeeze %dma_start3A_68 : memref<1x128xi32, #tpu.memory_space<vmem>> -> memref<128xi32, #tpu.memory_space<vmem>>
        %dma_start3A_70 = arith.constant 0 : i32
        %dma_start3A_71 = tpu.memref_slice %arg2[%arg0, %arg1, %add3A_59, %dma_start3A_70] : memref<2x16x157x128xi32, #tpu.memory_space<hbm>> -> memref<1x1x1x128xi32, #tpu.memory_space<hbm>>
        %dma_start3A_72 = tpu.memref_squeeze %dma_start3A_71 : memref<1x1x1x128xi32, #tpu.memory_space<hbm>> -> memref<128xi32, #tpu.memory_space<hbm>>
        tpu.enqueue_dma source(%dma_start3A_72 : memref<128xi32, #tpu.memory_space<hbm>>) target(%dma_start3A_69 : memref<128xi32, #tpu.memory_space<vmem>>) target_semaphore(%dma_start3A_66 : memref<!tpu.dma_semaphore, #tpu.memory_space<semaphore_mem>>)
      } else {
      }
      "tpu.region"() ({
        %run_scoped3A_58 = tpu.sem_alloc : memref<!tpu.dma_semaphore, #tpu.memory_space<semaphore_mem>>
        %dma_start3A = arith.constant 0 : i32
        %dma_start3A_59 = tpu.memref_slice %arg4[%rem3A_45, %dma_start3A] : memref<2x128xi32, #tpu.memory_space<vmem>> -> memref<1x128xi32, #tpu.memory_space<vmem>>
        %dma_start3A_60 = tpu.memref_squeeze %dma_start3A_59 : memref<1x128xi32, #tpu.memory_space<vmem>> -> memref<128xi32, #tpu.memory_space<vmem>>
        %dma_start3A_61 = arith.constant 0 : i32
        %dma_start3A_62 = arith.constant 0 : i32
        %dma_start3A_63 = tpu.memref_slice %arg7[%dma_start3A_61, %dma_start3A_62] : memref<10240x128xf32, #tpu.memory_space<vmem_shared>> -> memref<10240x128xf32, #tpu.memory_space<vmem_shared>>
        tpu.enqueue_indirect_dma source(%arg5 : memref<128x128xf32, #tpu.memory_space<vmem>>) target(%dma_start3A_63 : memref<10240x128xf32, #tpu.memory_space<vmem_shared>>) offsets(%dma_start3A_60 : memref<128xi32, #tpu.memory_space<vmem>>) semaphore(%run_scoped3A_58 : memref<!tpu.dma_semaphore, #tpu.memory_space<semaphore_mem>>) {add = true}
        %dma_wait3A = arith.constant 0 : i32
        %dma_wait3A_64 = tpu.memref_slice %arg4[%rem3A_45, %dma_wait3A] : memref<2x128xi32, #tpu.memory_space<vmem>> -> memref<1x128xi32, #tpu.memory_space<vmem>>
        %dma_wait3A_65 = tpu.memref_squeeze %dma_wait3A_64 : memref<1x128xi32, #tpu.memory_space<vmem>> -> memref<128xi32, #tpu.memory_space<vmem>>
        %dma_wait3A_66 = arith.constant 0 : i32
        %dma_wait3A_67 = arith.constant 0 : i32
        %dma_wait3A_68 = tpu.memref_slice %arg7[%dma_wait3A_66, %dma_wait3A_67] : memref<10240x128xf32, #tpu.memory_space<vmem_shared>> -> memref<10240x128xf32, #tpu.memory_space<vmem_shared>>
        tpu.wait_indirect_dma semaphore(%run_scoped3A_58 : memref<!tpu.dma_semaphore, #tpu.memory_space<semaphore_mem>>) src(%arg5 : memref<128x128xf32, #tpu.memory_space<vmem>>) dst(%dma_wait3A_68 : memref<10240x128xf32, #tpu.memory_space<vmem_shared>>)
        tpu.yield
      }) : () -> ()
      %add3A_51 = arith.constant 1 : i32
      %add3A_52 = arith.addi %scan3A_44, %add3A_51 : i32
      %lt3A_53 = arith.constant 157 : i32
      %lt3A_54 = arith.cmpi slt, %add3A_52, %lt3A_53 : i32
      %convert_element_type3A_55 = arith.extui %lt3A_54 : i1 to i32
      %cond3A_56 = arith.constant 0 : i32
      %cond3A_57 = arith.cmpi ne, %convert_element_type3A_55, %cond3A_56 : i32
      scf.if %cond3A_57 {
        %add3A_58 = arith.constant 1 : i32
        %add3A_59 = arith.addi %scan3A_44, %add3A_58 : i32
        %dma_wait3A = arith.constant 0 : i32
        %dma_wait3A_60 = tpu.memref_slice %arg4[%sub3A_46, %dma_wait3A] : memref<2x128xi32, #tpu.memory_space<vmem>> -> memref<1x128xi32, #tpu.memory_space<vmem>>
        %dma_wait3A_61 = tpu.memref_squeeze %dma_wait3A_60 : memref<1x128xi32, #tpu.memory_space<vmem>> -> memref<128xi32, #tpu.memory_space<vmem>>
        %dma_wait3A_62 = arith.constant 0 : i32
        %dma_wait3A_63 = tpu.memref_slice %arg2[%arg0, %arg1, %add3A_59, %dma_wait3A_62] : memref<2x16x157x128xi32, #tpu.memory_space<hbm>> -> memref<1x1x1x128xi32, #tpu.memory_space<hbm>>
        %dma_wait3A_64 = tpu.memref_squeeze %dma_wait3A_63 : memref<1x1x1x128xi32, #tpu.memory_space<hbm>> -> memref<128xi32, #tpu.memory_space<hbm>>
        %dma_wait3A_65 = tpu.memref_slice %arg8[%sub3A_46] : memref<2x!tpu.dma_semaphore, #tpu.memory_space<semaphore_mem>> -> memref<1x!tpu.dma_semaphore, #tpu.memory_space<semaphore_mem>>
        %dma_wait3A_66 = tpu.memref_squeeze %dma_wait3A_65 : memref<1x!tpu.dma_semaphore, #tpu.memory_space<semaphore_mem>> -> memref<!tpu.dma_semaphore, #tpu.memory_space<semaphore_mem>>
        %dma_wait3A_67 = arith.constant 0 : i32
        %dma_wait3A_68 = tpu.memref_slice %arg4[%sub3A_46, %dma_wait3A_67] : memref<2x128xi32, #tpu.memory_space<vmem>> -> memref<1x128xi32, #tpu.memory_space<vmem>>
        %dma_wait3A_69 = tpu.memref_squeeze %dma_wait3A_68 : memref<1x128xi32, #tpu.memory_space<vmem>> -> memref<128xi32, #tpu.memory_space<vmem>>
        %dma_wait3A_70 = arith.constant 0 : i32
        %dma_wait3A_71 = tpu.memref_slice %arg2[%arg0, %arg1, %add3A_59, %dma_wait3A_70] : memref<2x16x157x128xi32, #tpu.memory_space<hbm>> -> memref<1x1x1x128xi32, #tpu.memory_space<hbm>>
        %dma_wait3A_72 = tpu.memref_squeeze %dma_wait3A_71 : memref<1x1x1x128xi32, #tpu.memory_space<hbm>> -> memref<128xi32, #tpu.memory_space<hbm>>
        tpu.wait_dma2 semaphore(%dma_wait3A_66 : memref<!tpu.dma_semaphore, #tpu.memory_space<semaphore_mem>>) src(%dma_wait3A_72 : memref<128xi32, #tpu.memory_space<hbm>>) dst(%dma_wait3A_69 : memref<128xi32, #tpu.memory_space<vmem>>)
      } else {
      }
    }
    %scan3A_38 = arith.constant 157 : i32
    %barrier3A_39 = arith.constant 0 : index
    tpu.barrier barrier_id(%barrier3A_39)
    %mul3A_40 = arith.constant 640 : i32
    %mul3A_41 = arith.muli %arg1, %mul3A_40 : i32
    %mul3A_42 = arith.constant 640 : i32
    %mul3A_43 = arith.muli %arg1, %mul3A_42 : i32
    "tpu.region"() ({
      %run_scoped3A_44 = tpu.sem_alloc : memref<!tpu.dma_semaphore, #tpu.memory_space<semaphore_mem>>
      %dma_start3A = arith.constant 0 : i32
      %dma_start3A_45 = tpu.memref_slice %arg3[%arg0, %mul3A_43, %dma_start3A] : memref<2x10240x128xf32, #tpu.memory_space<hbm>> -> memref<1x640x128xf32, #tpu.memory_space<hbm>>
      %dma_start3A_46 = tpu.memref_squeeze %dma_start3A_45 : memref<1x640x128xf32, #tpu.memory_space<hbm>> -> memref<640x128xf32, #tpu.memory_space<hbm>>
      %dma_start3A_47 = arith.constant 0 : i32
      %dma_start3A_48 = tpu.memref_slice %arg7[%mul3A_41, %dma_start3A_47] : memref<10240x128xf32, #tpu.memory_space<vmem_shared>> -> memref<640x128xf32, #tpu.memory_space<vmem_shared>>
      tpu.enqueue_dma source(%dma_start3A_48 : memref<640x128xf32, #tpu.memory_space<vmem_shared>>) target(%dma_start3A_46 : memref<640x128xf32, #tpu.memory_space<hbm>>) target_semaphore(%run_scoped3A_44 : memref<!tpu.dma_semaphore, #tpu.memory_space<semaphore_mem>>)
      %dma_wait3A = arith.constant 0 : i32
      %dma_wait3A_49 = tpu.memref_slice %arg3[%arg0, %mul3A_43, %dma_wait3A] : memref<2x10240x128xf32, #tpu.memory_space<hbm>> -> memref<1x640x128xf32, #tpu.memory_space<hbm>>
      %dma_wait3A_50 = tpu.memref_squeeze %dma_wait3A_49 : memref<1x640x128xf32, #tpu.memory_space<hbm>> -> memref<640x128xf32, #tpu.memory_space<hbm>>
      %dma_wait3A_51 = arith.constant 0 : i32
      %dma_wait3A_52 = tpu.memref_slice %arg7[%mul3A_41, %dma_wait3A_51] : memref<10240x128xf32, #tpu.memory_space<vmem_shared>> -> memref<640x128xf32, #tpu.memory_space<vmem_shared>>
      tpu.wait_dma2 semaphore(%run_scoped3A_44 : memref<!tpu.dma_semaphore, #tpu.memory_space<semaphore_mem>>) src(%dma_wait3A_52 : memref<640x128xf32, #tpu.memory_space<vmem_shared>>) dst(%dma_wait3A_50 : memref<640x128xf32, #tpu.memory_space<hbm>>)
      tpu.yield
    }) : () -> ()
    return
  }
}

#map = affine_map<(d0, d1) -> (0, 0)>
#map1 = affine_map<(d0, d1) -> (0, 0, 0)>
module attributes {stable_mosaic.version = 14 : i64} {
  func.func @_sc_gather_scatter_body(%arg0: i32, %arg1: i32, %arg2: memref<10000x128xf32, #tpu.memory_space<hbm>>, %arg3: memref<5024x2x128xi32, #tpu.memory_space<hbm>>, %arg4: memref<2x10240x128xf32, #tpu.memory_space<hbm>>, %arg5: memref<3x2x128xi32, #tpu.memory_space<vmem>>, %arg6: memref<2x128x128xf32, #tpu.memory_space<vmem>>, %arg7: memref<10240x128xf32, #tpu.memory_space<vmem_shared>>, %arg8: memref<2x!tpu.dma_semaphore, #tpu.memory_space<semaphore_mem>>, %arg9: memref<2x!tpu.dma_semaphore, #tpu.memory_space<semaphore_mem>>, %arg10: memref<3x!tpu.dma_semaphore, #tpu.memory_space<semaphore_mem>>) attributes {dimension_semantics = [#tpu.dimension_semantics<core_parallel>, #tpu.dimension_semantics<subcore_parallel>], iteration_bounds = array<i64: 2, 16>, scalar_prefetch = 0 : i64, scratch_operands = 6 : i64, tpu.core_type = #tpu.core_type<sc_vector_subcore>, window_params = [{transform_indices = #map}, {transform_indices = #map1}, {transform_indices = #map1}]} {
    %eq3A = arith.constant 0 : i32
    %eq3A_0 = arith.cmpi eq, %arg0, %eq3A : i32
    %jit3A = arith.constant 198 : i32
    %jit3A_1 = arith.constant 116 : i32
    %select_n3A = arith.select %eq3A_0, %jit3A, %jit3A_1 : i32
    %eq3A_2 = arith.constant 0 : i32
    %eq3A_3 = arith.cmpi eq, %arg0, %eq3A_2 : i32
    %mul3A = arith.constant 198 : i32
    %mul3A_4 = arith.muli %arg1, %mul3A : i32
    %mul3A_5 = arith.constant 116 : i32
    %mul3A_6 = arith.muli %arg1, %mul3A_5 : i32
    %add3A = arith.constant 3168 : i32
    %add3A_7 = arith.addi %add3A, %mul3A_6 : i32
    %select_n3A_8 = arith.select %eq3A_3, %mul3A_4, %add3A_7 : i32
    %broadcast_in_dim3A = arith.constant 0.000000e+00 : f32
    %broadcast_in_dim3A_9 = vector.broadcast %broadcast_in_dim3A : f32 to vector<16xf32>
    %scan3A = arith.constant 0 : i32
    %scan3A_10 = arith.constant 0 : i32
    %scan3A_11 = arith.constant 0 : i32
    %scan3A_12 = arith.constant 1024 : i32
    %scan3A_13 = arith.addi %scan3A_11, %scan3A_12 : i32
    %scan3A_14 = arith.constant 1 : i32
    scf.for %scan3A_103 = %scan3A_11 to %scan3A_13 step %scan3A_14  : i32 {
      %jit3A_104 = arith.constant 8 : i32
      %div3A = arith.divsi %scan3A_103, %jit3A_104 : i32
      %sign3A = arith.constant 0 : i32
      %sign3A_105 = arith.cmpi sgt, %scan3A_103, %sign3A : i32
      %sign3A_106 = arith.extui %sign3A_105 : i1 to i32
      %sign3A_107 = arith.constant 0 : i32
      %sign3A_108 = arith.cmpi slt, %scan3A_103, %sign3A_107 : i32
      %sign3A_109 = arith.extui %sign3A_108 : i1 to i32
      %sign3A_110 = arith.subi %sign3A_106, %sign3A_109 : i32
      %sign3A_111 = arith.constant 0 : i32
      %sign3A_112 = arith.cmpi sgt, %jit3A_104, %sign3A_111 : i32
      %sign3A_113 = arith.extui %sign3A_112 : i1 to i32
      %sign3A_114 = arith.constant 0 : i32
      %sign3A_115 = arith.cmpi slt, %jit3A_104, %sign3A_114 : i32
      %sign3A_116 = arith.extui %sign3A_115 : i1 to i32
      %sign3A_117 = arith.subi %sign3A_113, %sign3A_116 : i32
      %ne3A = arith.cmpi ne, %sign3A_110, %sign3A_117 : i32
      %rem3A = arith.remsi %scan3A_103, %jit3A_104 : i32
      %ne3A_118 = arith.constant 0 : i32
      %ne3A_119 = arith.cmpi ne, %rem3A, %ne3A_118 : i32
      %and3A = arith.andi %ne3A, %ne3A_119 : i1
      %sub3A = arith.constant 1 : i32
      %sub3A_120 = arith.subi %div3A, %sub3A : i32
      %select_n3A_121 = arith.select %and3A, %sub3A_120, %div3A : i32
      %mul3A_122 = arith.constant 8 : i32
      %mul3A_123 = arith.muli %select_n3A_121, %mul3A_122 : i32
      %sub3A_124 = arith.subi %scan3A_103, %mul3A_123 : i32
      %mul3A_125 = arith.constant 16 : i32
      %mul3A_126 = arith.muli %sub3A_124, %mul3A_125 : i32
      %swap3A = arith.constant 0 : i32
      %swap3A_127 = arith.constant 0 : i32
      %swap3A_128 = tpu.memref_slice %arg6[%scan3A_10, %swap3A, %swap3A_127] : memref<2x128x128xf32, #tpu.memory_space<vmem>> -> memref<1x128x128xf32, #tpu.memory_space<vmem>>
      %swap3A_129 = tpu.memref_squeeze %swap3A_128 : memref<1x128x128xf32, #tpu.memory_space<vmem>> -> memref<128x128xf32, #tpu.memory_space<vmem>>
      %swap3A_130 = arith.index_cast %select_n3A_121 : i32 to index
      %swap3A_131 = arith.index_cast %mul3A_126 : i32 to index
      %swap3A_132 = tpu.vector_load %swap3A_129[%swap3A_130, %swap3A_131] {strides = array<i32>} : memref<128x128xf32, #tpu.memory_space<vmem>>, vector<1x16xf32>,
      %swap3A_133 = vector.shape_cast %swap3A_132 : vector<1x16xf32> to vector<16xf32>
      %swap3A_134 = vector.shape_cast %broadcast_in_dim3A_9 : vector<16xf32> to vector<1x16xf32>
      tpu.vector_store %swap3A_129[%swap3A_130, %swap3A_131], %swap3A_134 {strides = array<i32>} : memref<128x128xf32, #tpu.memory_space<vmem>>, vector<1x16xf32>,
    }
    %scan3A_15 = arith.constant 1024 : i32
    %mul3A_16 = arith.constant 640 : i32
    %mul3A_17 = arith.muli %arg1, %mul3A_16 : i32
    %add3A_18 = arith.constant 0 : i32
    %add3A_19 = arith.addi %mul3A_17, %add3A_18 : i32
    %run_scoped3A = arith.constant 0 : i32
    "tpu.region"() ({
      %run_scoped3A_103 = tpu.sem_alloc : memref<!tpu.dma_semaphore, #tpu.memory_space<semaphore_mem>>
      %dma_start3A_104 = arith.constant 0 : i32
      %dma_start3A_105 = arith.constant 0 : i32
      %dma_start3A_106 = tpu.memref_slice %arg6[%run_scoped3A, %dma_start3A_104, %dma_start3A_105] : memref<2x128x128xf32, #tpu.memory_space<vmem>> -> memref<1x128x128xf32, #tpu.memory_space<vmem>>
      %dma_start3A_107 = tpu.memref_squeeze %dma_start3A_106 : memref<1x128x128xf32, #tpu.memory_space<vmem>> -> memref<128x128xf32, #tpu.memory_space<vmem>>
      %dma_start3A_108 = arith.constant 0 : i32
      %dma_start3A_109 = tpu.memref_slice %arg7[%add3A_19, %dma_start3A_108] : memref<10240x128xf32, #tpu.memory_space<vmem_shared>> -> memref<128x128xf32, #tpu.memory_space<vmem_shared>>
      %dma_start3A_110 = arith.constant 0 : i32
      %dma_start3A_111 = tpu.memref_slice %arg7[%add3A_19, %dma_start3A_110] : memref<10240x128xf32, #tpu.memory_space<vmem_shared>> -> memref<128x128xf32, #tpu.memory_space<vmem_shared>>
      %dma_start3A_112 = arith.constant 0 : i32
      %dma_start3A_113 = arith.constant 0 : i32
      %dma_start3A_114 = tpu.memref_slice %arg6[%run_scoped3A, %dma_start3A_112, %dma_start3A_113] : memref<2x128x128xf32, #tpu.memory_space<vmem>> -> memref<1x128x128xf32, #tpu.memory_space<vmem>>
      %dma_start3A_115 = tpu.memref_squeeze %dma_start3A_114 : memref<1x128x128xf32, #tpu.memory_space<vmem>> -> memref<128x128xf32, #tpu.memory_space<vmem>>
      tpu.enqueue_dma source(%dma_start3A_115 : memref<128x128xf32, #tpu.memory_space<vmem>>) target(%dma_start3A_111 : memref<128x128xf32, #tpu.memory_space<vmem_shared>>) target_semaphore(%run_scoped3A_103 : memref<!tpu.dma_semaphore, #tpu.memory_space<semaphore_mem>>)
      %dma_wait3A_116 = arith.constant 0 : i32
      %dma_wait3A_117 = arith.constant 0 : i32
      %dma_wait3A_118 = tpu.memref_slice %arg6[%run_scoped3A, %dma_wait3A_116, %dma_wait3A_117] : memref<2x128x128xf32, #tpu.memory_space<vmem>> -> memref<1x128x128xf32, #tpu.memory_space<vmem>>
      %dma_wait3A_119 = tpu.memref_squeeze %dma_wait3A_118 : memref<1x128x128xf32, #tpu.memory_space<vmem>> -> memref<128x128xf32, #tpu.memory_space<vmem>>
      %dma_wait3A_120 = arith.constant 0 : i32
      %dma_wait3A_121 = tpu.memref_slice %arg7[%add3A_19, %dma_wait3A_120] : memref<10240x128xf32, #tpu.memory_space<vmem_shared>> -> memref<128x128xf32, #tpu.memory_space<vmem_shared>>
      %dma_wait3A_122 = arith.constant 0 : i32
      %dma_wait3A_123 = tpu.memref_slice %arg7[%add3A_19, %dma_wait3A_122] : memref<10240x128xf32, #tpu.memory_space<vmem_shared>> -> memref<128x128xf32, #tpu.memory_space<vmem_shared>>
      %dma_wait3A_124 = arith.constant 0 : i32
      %dma_wait3A_125 = arith.constant 0 : i32
      %dma_wait3A_126 = tpu.memref_slice %arg6[%run_scoped3A, %dma_wait3A_124, %dma_wait3A_125] : memref<2x128x128xf32, #tpu.memory_space<vmem>> -> memref<1x128x128xf32, #tpu.memory_space<vmem>>
      %dma_wait3A_127 = tpu.memref_squeeze %dma_wait3A_126 : memref<1x128x128xf32, #tpu.memory_space<vmem>> -> memref<128x128xf32, #tpu.memory_space<vmem>>
      tpu.wait_dma2 semaphore(%run_scoped3A_103 : memref<!tpu.dma_semaphore, #tpu.memory_space<semaphore_mem>>) src(%dma_wait3A_127 : memref<128x128xf32, #tpu.memory_space<vmem>>) dst(%dma_wait3A_123 : memref<128x128xf32, #tpu.memory_space<vmem_shared>>)
      tpu.yield
    }) : () -> ()
    %mul3A_20 = arith.constant 640 : i32
    %mul3A_21 = arith.muli %arg1, %mul3A_20 : i32
    %add3A_22 = arith.constant 128 : i32
    %add3A_23 = arith.addi %mul3A_21, %add3A_22 : i32
    %run_scoped3A_24 = arith.constant 0 : i32
    "tpu.region"() ({
      %run_scoped3A_103 = tpu.sem_alloc : memref<!tpu.dma_semaphore, #tpu.memory_space<semaphore_mem>>
      %dma_start3A_104 = arith.constant 0 : i32
      %dma_start3A_105 = arith.constant 0 : i32
      %dma_start3A_106 = tpu.memref_slice %arg6[%run_scoped3A_24, %dma_start3A_104, %dma_start3A_105] : memref<2x128x128xf32, #tpu.memory_space<vmem>> -> memref<1x128x128xf32, #tpu.memory_space<vmem>>
      %dma_start3A_107 = tpu.memref_squeeze %dma_start3A_106 : memref<1x128x128xf32, #tpu.memory_space<vmem>> -> memref<128x128xf32, #tpu.memory_space<vmem>>
      %dma_start3A_108 = arith.constant 0 : i32
      %dma_start3A_109 = tpu.memref_slice %arg7[%add3A_23, %dma_start3A_108] : memref<10240x128xf32, #tpu.memory_space<vmem_shared>> -> memref<128x128xf32, #tpu.memory_space<vmem_shared>>
      %dma_start3A_110 = arith.constant 0 : i32
      %dma_start3A_111 = tpu.memref_slice %arg7[%add3A_23, %dma_start3A_110] : memref<10240x128xf32, #tpu.memory_space<vmem_shared>> -> memref<128x128xf32, #tpu.memory_space<vmem_shared>>
      %dma_start3A_112 = arith.constant 0 : i32
      %dma_start3A_113 = arith.constant 0 : i32
      %dma_start3A_114 = tpu.memref_slice %arg6[%run_scoped3A_24, %dma_start3A_112, %dma_start3A_113] : memref<2x128x128xf32, #tpu.memory_space<vmem>> -> memref<1x128x128xf32, #tpu.memory_space<vmem>>
      %dma_start3A_115 = tpu.memref_squeeze %dma_start3A_114 : memref<1x128x128xf32, #tpu.memory_space<vmem>> -> memref<128x128xf32, #tpu.memory_space<vmem>>
      tpu.enqueue_dma source(%dma_start3A_115 : memref<128x128xf32, #tpu.memory_space<vmem>>) target(%dma_start3A_111 : memref<128x128xf32, #tpu.memory_space<vmem_shared>>) target_semaphore(%run_scoped3A_103 : memref<!tpu.dma_semaphore, #tpu.memory_space<semaphore_mem>>)
      %dma_wait3A_116 = arith.constant 0 : i32
      %dma_wait3A_117 = arith.constant 0 : i32
      %dma_wait3A_118 = tpu.memref_slice %arg6[%run_scoped3A_24, %dma_wait3A_116, %dma_wait3A_117] : memref<2x128x128xf32, #tpu.memory_space<vmem>> -> memref<1x128x128xf32, #tpu.memory_space<vmem>>
      %dma_wait3A_119 = tpu.memref_squeeze %dma_wait3A_118 : memref<1x128x128xf32, #tpu.memory_space<vmem>> -> memref<128x128xf32, #tpu.memory_space<vmem>>
      %dma_wait3A_120 = arith.constant 0 : i32
      %dma_wait3A_121 = tpu.memref_slice %arg7[%add3A_23, %dma_wait3A_120] : memref<10240x128xf32, #tpu.memory_space<vmem_shared>> -> memref<128x128xf32, #tpu.memory_space<vmem_shared>>
      %dma_wait3A_122 = arith.constant 0 : i32
      %dma_wait3A_123 = tpu.memref_slice %arg7[%add3A_23, %dma_wait3A_122] : memref<10240x128xf32, #tpu.memory_space<vmem_shared>> -> memref<128x128xf32, #tpu.memory_space<vmem_shared>>
      %dma_wait3A_124 = arith.constant 0 : i32
      %dma_wait3A_125 = arith.constant 0 : i32
      %dma_wait3A_126 = tpu.memref_slice %arg6[%run_scoped3A_24, %dma_wait3A_124, %dma_wait3A_125] : memref<2x128x128xf32, #tpu.memory_space<vmem>> -> memref<1x128x128xf32, #tpu.memory_space<vmem>>
      %dma_wait3A_127 = tpu.memref_squeeze %dma_wait3A_126 : memref<1x128x128xf32, #tpu.memory_space<vmem>> -> memref<128x128xf32, #tpu.memory_space<vmem>>
      tpu.wait_dma2 semaphore(%run_scoped3A_103 : memref<!tpu.dma_semaphore, #tpu.memory_space<semaphore_mem>>) src(%dma_wait3A_127 : memref<128x128xf32, #tpu.memory_space<vmem>>) dst(%dma_wait3A_123 : memref<128x128xf32, #tpu.memory_space<vmem_shared>>)
      tpu.yield
    }) : () -> ()
    %mul3A_25 = arith.constant 640 : i32
    %mul3A_26 = arith.muli %arg1, %mul3A_25 : i32
    %add3A_27 = arith.constant 256 : i32
    %add3A_28 = arith.addi %mul3A_26, %add3A_27 : i32
    %run_scoped3A_29 = arith.constant 0 : i32
    "tpu.region"() ({
      %run_scoped3A_103 = tpu.sem_alloc : memref<!tpu.dma_semaphore, #tpu.memory_space<semaphore_mem>>
      %dma_start3A_104 = arith.constant 0 : i32
      %dma_start3A_105 = arith.constant 0 : i32
      %dma_start3A_106 = tpu.memref_slice %arg6[%run_scoped3A_29, %dma_start3A_104, %dma_start3A_105] : memref<2x128x128xf32, #tpu.memory_space<vmem>> -> memref<1x128x128xf32, #tpu.memory_space<vmem>>
      %dma_start3A_107 = tpu.memref_squeeze %dma_start3A_106 : memref<1x128x128xf32, #tpu.memory_space<vmem>> -> memref<128x128xf32, #tpu.memory_space<vmem>>
      %dma_start3A_108 = arith.constant 0 : i32
      %dma_start3A_109 = tpu.memref_slice %arg7[%add3A_28, %dma_start3A_108] : memref<10240x128xf32, #tpu.memory_space<vmem_shared>> -> memref<128x128xf32, #tpu.memory_space<vmem_shared>>
      %dma_start3A_110 = arith.constant 0 : i32
      %dma_start3A_111 = tpu.memref_slice %arg7[%add3A_28, %dma_start3A_110] : memref<10240x128xf32, #tpu.memory_space<vmem_shared>> -> memref<128x128xf32, #tpu.memory_space<vmem_shared>>
      %dma_start3A_112 = arith.constant 0 : i32
      %dma_start3A_113 = arith.constant 0 : i32
      %dma_start3A_114 = tpu.memref_slice %arg6[%run_scoped3A_29, %dma_start3A_112, %dma_start3A_113] : memref<2x128x128xf32, #tpu.memory_space<vmem>> -> memref<1x128x128xf32, #tpu.memory_space<vmem>>
      %dma_start3A_115 = tpu.memref_squeeze %dma_start3A_114 : memref<1x128x128xf32, #tpu.memory_space<vmem>> -> memref<128x128xf32, #tpu.memory_space<vmem>>
      tpu.enqueue_dma source(%dma_start3A_115 : memref<128x128xf32, #tpu.memory_space<vmem>>) target(%dma_start3A_111 : memref<128x128xf32, #tpu.memory_space<vmem_shared>>) target_semaphore(%run_scoped3A_103 : memref<!tpu.dma_semaphore, #tpu.memory_space<semaphore_mem>>)
      %dma_wait3A_116 = arith.constant 0 : i32
      %dma_wait3A_117 = arith.constant 0 : i32
      %dma_wait3A_118 = tpu.memref_slice %arg6[%run_scoped3A_29, %dma_wait3A_116, %dma_wait3A_117] : memref<2x128x128xf32, #tpu.memory_space<vmem>> -> memref<1x128x128xf32, #tpu.memory_space<vmem>>
      %dma_wait3A_119 = tpu.memref_squeeze %dma_wait3A_118 : memref<1x128x128xf32, #tpu.memory_space<vmem>> -> memref<128x128xf32, #tpu.memory_space<vmem>>
      %dma_wait3A_120 = arith.constant 0 : i32
      %dma_wait3A_121 = tpu.memref_slice %arg7[%add3A_28, %dma_wait3A_120] : memref<10240x128xf32, #tpu.memory_space<vmem_shared>> -> memref<128x128xf32, #tpu.memory_space<vmem_shared>>
      %dma_wait3A_122 = arith.constant 0 : i32
      %dma_wait3A_123 = tpu.memref_slice %arg7[%add3A_28, %dma_wait3A_122] : memref<10240x128xf32, #tpu.memory_space<vmem_shared>> -> memref<128x128xf32, #tpu.memory_space<vmem_shared>>
      %dma_wait3A_124 = arith.constant 0 : i32
      %dma_wait3A_125 = arith.constant 0 : i32
      %dma_wait3A_126 = tpu.memref_slice %arg6[%run_scoped3A_29, %dma_wait3A_124, %dma_wait3A_125] : memref<2x128x128xf32, #tpu.memory_space<vmem>> -> memref<1x128x128xf32, #tpu.memory_space<vmem>>
      %dma_wait3A_127 = tpu.memref_squeeze %dma_wait3A_126 : memref<1x128x128xf32, #tpu.memory_space<vmem>> -> memref<128x128xf32, #tpu.memory_space<vmem>>
      tpu.wait_dma2 semaphore(%run_scoped3A_103 : memref<!tpu.dma_semaphore, #tpu.memory_space<semaphore_mem>>) src(%dma_wait3A_127 : memref<128x128xf32, #tpu.memory_space<vmem>>) dst(%dma_wait3A_123 : memref<128x128xf32, #tpu.memory_space<vmem_shared>>)
      tpu.yield
    }) : () -> ()
    %mul3A_30 = arith.constant 640 : i32
    %mul3A_31 = arith.muli %arg1, %mul3A_30 : i32
    %add3A_32 = arith.constant 384 : i32
    %add3A_33 = arith.addi %mul3A_31, %add3A_32 : i32
    %run_scoped3A_34 = arith.constant 0 : i32
    "tpu.region"() ({
      %run_scoped3A_103 = tpu.sem_alloc : memref<!tpu.dma_semaphore, #tpu.memory_space<semaphore_mem>>
      %dma_start3A_104 = arith.constant 0 : i32
      %dma_start3A_105 = arith.constant 0 : i32
      %dma_start3A_106 = tpu.memref_slice %arg6[%run_scoped3A_34, %dma_start3A_104, %dma_start3A_105] : memref<2x128x128xf32, #tpu.memory_space<vmem>> -> memref<1x128x128xf32, #tpu.memory_space<vmem>>
      %dma_start3A_107 = tpu.memref_squeeze %dma_start3A_106 : memref<1x128x128xf32, #tpu.memory_space<vmem>> -> memref<128x128xf32, #tpu.memory_space<vmem>>
      %dma_start3A_108 = arith.constant 0 : i32
      %dma_start3A_109 = tpu.memref_slice %arg7[%add3A_33, %dma_start3A_108] : memref<10240x128xf32, #tpu.memory_space<vmem_shared>> -> memref<128x128xf32, #tpu.memory_space<vmem_shared>>
      %dma_start3A_110 = arith.constant 0 : i32
      %dma_start3A_111 = tpu.memref_slice %arg7[%add3A_33, %dma_start3A_110] : memref<10240x128xf32, #tpu.memory_space<vmem_shared>> -> memref<128x128xf32, #tpu.memory_space<vmem_shared>>
      %dma_start3A_112 = arith.constant 0 : i32
      %dma_start3A_113 = arith.constant 0 : i32
      %dma_start3A_114 = tpu.memref_slice %arg6[%run_scoped3A_34, %dma_start3A_112, %dma_start3A_113] : memref<2x128x128xf32, #tpu.memory_space<vmem>> -> memref<1x128x128xf32, #tpu.memory_space<vmem>>
      %dma_start3A_115 = tpu.memref_squeeze %dma_start3A_114 : memref<1x128x128xf32, #tpu.memory_space<vmem>> -> memref<128x128xf32, #tpu.memory_space<vmem>>
      tpu.enqueue_dma source(%dma_start3A_115 : memref<128x128xf32, #tpu.memory_space<vmem>>) target(%dma_start3A_111 : memref<128x128xf32, #tpu.memory_space<vmem_shared>>) target_semaphore(%run_scoped3A_103 : memref<!tpu.dma_semaphore, #tpu.memory_space<semaphore_mem>>)
      %dma_wait3A_116 = arith.constant 0 : i32
      %dma_wait3A_117 = arith.constant 0 : i32
      %dma_wait3A_118 = tpu.memref_slice %arg6[%run_scoped3A_34, %dma_wait3A_116, %dma_wait3A_117] : memref<2x128x128xf32, #tpu.memory_space<vmem>> -> memref<1x128x128xf32, #tpu.memory_space<vmem>>
      %dma_wait3A_119 = tpu.memref_squeeze %dma_wait3A_118 : memref<1x128x128xf32, #tpu.memory_space<vmem>> -> memref<128x128xf32, #tpu.memory_space<vmem>>
      %dma_wait3A_120 = arith.constant 0 : i32
      %dma_wait3A_121 = tpu.memref_slice %arg7[%add3A_33, %dma_wait3A_120] : memref<10240x128xf32, #tpu.memory_space<vmem_shared>> -> memref<128x128xf32, #tpu.memory_space<vmem_shared>>
      %dma_wait3A_122 = arith.constant 0 : i32
      %dma_wait3A_123 = tpu.memref_slice %arg7[%add3A_33, %dma_wait3A_122] : memref<10240x128xf32, #tpu.memory_space<vmem_shared>> -> memref<128x128xf32, #tpu.memory_space<vmem_shared>>
      %dma_wait3A_124 = arith.constant 0 : i32
      %dma_wait3A_125 = arith.constant 0 : i32
      %dma_wait3A_126 = tpu.memref_slice %arg6[%run_scoped3A_34, %dma_wait3A_124, %dma_wait3A_125] : memref<2x128x128xf32, #tpu.memory_space<vmem>> -> memref<1x128x128xf32, #tpu.memory_space<vmem>>
      %dma_wait3A_127 = tpu.memref_squeeze %dma_wait3A_126 : memref<1x128x128xf32, #tpu.memory_space<vmem>> -> memref<128x128xf32, #tpu.memory_space<vmem>>
      tpu.wait_dma2 semaphore(%run_scoped3A_103 : memref<!tpu.dma_semaphore, #tpu.memory_space<semaphore_mem>>) src(%dma_wait3A_127 : memref<128x128xf32, #tpu.memory_space<vmem>>) dst(%dma_wait3A_123 : memref<128x128xf32, #tpu.memory_space<vmem_shared>>)
      tpu.yield
    }) : () -> ()
    %mul3A_35 = arith.constant 640 : i32
    %mul3A_36 = arith.muli %arg1, %mul3A_35 : i32
    %add3A_37 = arith.constant 512 : i32
    %add3A_38 = arith.addi %mul3A_36, %add3A_37 : i32
    %run_scoped3A_39 = arith.constant 0 : i32
    "tpu.region"() ({
      %run_scoped3A_103 = tpu.sem_alloc : memref<!tpu.dma_semaphore, #tpu.memory_space<semaphore_mem>>
      %dma_start3A_104 = arith.constant 0 : i32
      %dma_start3A_105 = arith.constant 0 : i32
      %dma_start3A_106 = tpu.memref_slice %arg6[%run_scoped3A_39, %dma_start3A_104, %dma_start3A_105] : memref<2x128x128xf32, #tpu.memory_space<vmem>> -> memref<1x128x128xf32, #tpu.memory_space<vmem>>
      %dma_start3A_107 = tpu.memref_squeeze %dma_start3A_106 : memref<1x128x128xf32, #tpu.memory_space<vmem>> -> memref<128x128xf32, #tpu.memory_space<vmem>>
      %dma_start3A_108 = arith.constant 0 : i32
      %dma_start3A_109 = tpu.memref_slice %arg7[%add3A_38, %dma_start3A_108] : memref<10240x128xf32, #tpu.memory_space<vmem_shared>> -> memref<128x128xf32, #tpu.memory_space<vmem_shared>>
      %dma_start3A_110 = arith.constant 0 : i32
      %dma_start3A_111 = tpu.memref_slice %arg7[%add3A_38, %dma_start3A_110] : memref<10240x128xf32, #tpu.memory_space<vmem_shared>> -> memref<128x128xf32, #tpu.memory_space<vmem_shared>>
      %dma_start3A_112 = arith.constant 0 : i32
      %dma_start3A_113 = arith.constant 0 : i32
      %dma_start3A_114 = tpu.memref_slice %arg6[%run_scoped3A_39, %dma_start3A_112, %dma_start3A_113] : memref<2x128x128xf32, #tpu.memory_space<vmem>> -> memref<1x128x128xf32, #tpu.memory_space<vmem>>
      %dma_start3A_115 = tpu.memref_squeeze %dma_start3A_114 : memref<1x128x128xf32, #tpu.memory_space<vmem>> -> memref<128x128xf32, #tpu.memory_space<vmem>>
      tpu.enqueue_dma source(%dma_start3A_115 : memref<128x128xf32, #tpu.memory_space<vmem>>) target(%dma_start3A_111 : memref<128x128xf32, #tpu.memory_space<vmem_shared>>) target_semaphore(%run_scoped3A_103 : memref<!tpu.dma_semaphore, #tpu.memory_space<semaphore_mem>>)
      %dma_wait3A_116 = arith.constant 0 : i32
      %dma_wait3A_117 = arith.constant 0 : i32
      %dma_wait3A_118 = tpu.memref_slice %arg6[%run_scoped3A_39, %dma_wait3A_116, %dma_wait3A_117] : memref<2x128x128xf32, #tpu.memory_space<vmem>> -> memref<1x128x128xf32, #tpu.memory_space<vmem>>
      %dma_wait3A_119 = tpu.memref_squeeze %dma_wait3A_118 : memref<1x128x128xf32, #tpu.memory_space<vmem>> -> memref<128x128xf32, #tpu.memory_space<vmem>>
      %dma_wait3A_120 = arith.constant 0 : i32
      %dma_wait3A_121 = tpu.memref_slice %arg7[%add3A_38, %dma_wait3A_120] : memref<10240x128xf32, #tpu.memory_space<vmem_shared>> -> memref<128x128xf32, #tpu.memory_space<vmem_shared>>
      %dma_wait3A_122 = arith.constant 0 : i32
      %dma_wait3A_123 = tpu.memref_slice %arg7[%add3A_38, %dma_wait3A_122] : memref<10240x128xf32, #tpu.memory_space<vmem_shared>> -> memref<128x128xf32, #tpu.memory_space<vmem_shared>>
      %dma_wait3A_124 = arith.constant 0 : i32
      %dma_wait3A_125 = arith.constant 0 : i32
      %dma_wait3A_126 = tpu.memref_slice %arg6[%run_scoped3A_39, %dma_wait3A_124, %dma_wait3A_125] : memref<2x128x128xf32, #tpu.memory_space<vmem>> -> memref<1x128x128xf32, #tpu.memory_space<vmem>>
      %dma_wait3A_127 = tpu.memref_squeeze %dma_wait3A_126 : memref<1x128x128xf32, #tpu.memory_space<vmem>> -> memref<128x128xf32, #tpu.memory_space<vmem>>
      tpu.wait_dma2 semaphore(%run_scoped3A_103 : memref<!tpu.dma_semaphore, #tpu.memory_space<semaphore_mem>>) src(%dma_wait3A_127 : memref<128x128xf32, #tpu.memory_space<vmem>>) dst(%dma_wait3A_123 : memref<128x128xf32, #tpu.memory_space<vmem_shared>>)
      tpu.yield
    }) : () -> ()
    %barrier3A = arith.constant 0 : index
    tpu.barrier barrier_id(%barrier3A)
    %run_scoped3A_40 = arith.constant 0 : i32
    "tpu.region"() ({
      %run_scoped3A_103 = tpu.sem_alloc : memref<!tpu.dma_semaphore, #tpu.memory_space<semaphore_mem>>
      %dma_start3A_104 = arith.constant 0 : i32
      %dma_start3A_105 = arith.constant 0 : i32
      %dma_start3A_106 = tpu.memref_slice %arg5[%run_scoped3A_40, %dma_start3A_104, %dma_start3A_105] : memref<3x2x128xi32, #tpu.memory_space<vmem>> -> memref<1x2x128xi32, #tpu.memory_space<vmem>>
      %dma_start3A_107 = tpu.memref_squeeze %dma_start3A_106 : memref<1x2x128xi32, #tpu.memory_space<vmem>> -> memref<2x128xi32, #tpu.memory_space<vmem>>
      %dma_start3A_108 = arith.constant 0 : i32
      %dma_start3A_109 = arith.constant 0 : i32
      %dma_start3A_110 = tpu.memref_slice %arg3[%select_n3A_8, %dma_start3A_108, %dma_start3A_109] : memref<5024x2x128xi32, #tpu.memory_space<hbm>> -> memref<1x2x128xi32, #tpu.memory_space<hbm>>
      %dma_start3A_111 = tpu.memref_squeeze %dma_start3A_110 : memref<1x2x128xi32, #tpu.memory_space<hbm>> -> memref<2x128xi32, #tpu.memory_space<hbm>>
      %dma_start3A_112 = arith.constant 0 : i32
      %dma_start3A_113 = arith.constant 0 : i32
      %dma_start3A_114 = tpu.memref_slice %arg5[%run_scoped3A_40, %dma_start3A_112, %dma_start3A_113] : memref<3x2x128xi32, #tpu.memory_space<vmem>> -> memref<1x2x128xi32, #tpu.memory_space<vmem>>
      %dma_start3A_115 = tpu.memref_squeeze %dma_start3A_114 : memref<1x2x128xi32, #tpu.memory_space<vmem>> -> memref<2x128xi32, #tpu.memory_space<vmem>>
      %dma_start3A_116 = arith.constant 0 : i32
      %dma_start3A_117 = arith.constant 0 : i32
      %dma_start3A_118 = tpu.memref_slice %arg3[%select_n3A_8, %dma_start3A_116, %dma_start3A_117] : memref<5024x2x128xi32, #tpu.memory_space<hbm>> -> memref<1x2x128xi32, #tpu.memory_space<hbm>>
      %dma_start3A_119 = tpu.memref_squeeze %dma_start3A_118 : memref<1x2x128xi32, #tpu.memory_space<hbm>> -> memref<2x128xi32, #tpu.memory_space<hbm>>
      tpu.enqueue_dma source(%dma_start3A_119 : memref<2x128xi32, #tpu.memory_space<hbm>>) target(%dma_start3A_115 : memref<2x128xi32, #tpu.memory_space<vmem>>) target_semaphore(%run_scoped3A_103 : memref<!tpu.dma_semaphore, #tpu.memory_space<semaphore_mem>>)
      %dma_wait3A_120 = arith.constant 0 : i32
      %dma_wait3A_121 = arith.constant 0 : i32
      %dma_wait3A_122 = tpu.memref_slice %arg5[%run_scoped3A_40, %dma_wait3A_120, %dma_wait3A_121] : memref<3x2x128xi32, #tpu.memory_space<vmem>> -> memref<1x2x128xi32, #tpu.memory_space<vmem>>
      %dma_wait3A_123 = tpu.memref_squeeze %dma_wait3A_122 : memref<1x2x128xi32, #tpu.memory_space<vmem>> -> memref<2x128xi32, #tpu.memory_space<vmem>>
      %dma_wait3A_124 = arith.constant 0 : i32
      %dma_wait3A_125 = arith.constant 0 : i32
      %dma_wait3A_126 = tpu.memref_slice %arg3[%select_n3A_8, %dma_wait3A_124, %dma_wait3A_125] : memref<5024x2x128xi32, #tpu.memory_space<hbm>> -> memref<1x2x128xi32, #tpu.memory_space<hbm>>
      %dma_wait3A_127 = tpu.memref_squeeze %dma_wait3A_126 : memref<1x2x128xi32, #tpu.memory_space<hbm>> -> memref<2x128xi32, #tpu.memory_space<hbm>>
      %dma_wait3A_128 = arith.constant 0 : i32
      %dma_wait3A_129 = arith.constant 0 : i32
      %dma_wait3A_130 = tpu.memref_slice %arg5[%run_scoped3A_40, %dma_wait3A_128, %dma_wait3A_129] : memref<3x2x128xi32, #tpu.memory_space<vmem>> -> memref<1x2x128xi32, #tpu.memory_space<vmem>>
      %dma_wait3A_131 = tpu.memref_squeeze %dma_wait3A_130 : memref<1x2x128xi32, #tpu.memory_space<vmem>> -> memref<2x128xi32, #tpu.memory_space<vmem>>
      %dma_wait3A_132 = arith.constant 0 : i32
      %dma_wait3A_133 = arith.constant 0 : i32
      %dma_wait3A_134 = tpu.memref_slice %arg3[%select_n3A_8, %dma_wait3A_132, %dma_wait3A_133] : memref<5024x2x128xi32, #tpu.memory_space<hbm>> -> memref<1x2x128xi32, #tpu.memory_space<hbm>>
      %dma_wait3A_135 = tpu.memref_squeeze %dma_wait3A_134 : memref<1x2x128xi32, #tpu.memory_space<hbm>> -> memref<2x128xi32, #tpu.memory_space<hbm>>
      tpu.wait_dma2 semaphore(%run_scoped3A_103 : memref<!tpu.dma_semaphore, #tpu.memory_space<semaphore_mem>>) src(%dma_wait3A_135 : memref<2x128xi32, #tpu.memory_space<hbm>>) dst(%dma_wait3A_131 : memref<2x128xi32, #tpu.memory_space<vmem>>)
      tpu.yield
    }) : () -> ()
    %dma_start3A = arith.constant 0 : i32
    %dma_start3A_41 = arith.constant 0 : i32
    %dma_start3A_42 = arith.constant 0 : i32
    %dma_start3A_43 = arith.constant 0 : i32
    %dma_start3A_44 = arith.constant 0 : i32
    %dma_start3A_45 = arith.constant 0 : i32
    %dma_start3A_46 = tpu.memref_slice %arg6[%dma_start3A_42, %dma_start3A_44, %dma_start3A_45] : memref<2x128x128xf32, #tpu.memory_space<vmem>> -> memref<1x128x128xf32, #tpu.memory_space<vmem>>
    %dma_start3A_47 = tpu.memref_squeeze %dma_start3A_46 : memref<1x128x128xf32, #tpu.memory_space<vmem>> -> memref<128x128xf32, #tpu.memory_space<vmem>>
    %dma_start3A_48 = arith.constant 0 : i32
    %dma_start3A_49 = tpu.memref_slice %arg5[%dma_start3A, %dma_start3A_41, %dma_start3A_48] : memref<3x2x128xi32, #tpu.memory_space<vmem>> -> memref<1x1x128xi32, #tpu.memory_space<vmem>>
    %dma_start3A_50 = tpu.memref_squeeze %dma_start3A_49 : memref<1x1x128xi32, #tpu.memory_space<vmem>> -> memref<128xi32, #tpu.memory_space<vmem>>
    %dma_start3A_51 = arith.constant 0 : i32
    %dma_start3A_52 = arith.constant 0 : i32
    %dma_start3A_53 = tpu.memref_slice %arg2[%dma_start3A_51, %dma_start3A_52] : memref<10000x128xf32, #tpu.memory_space<hbm>> -> memref<10000x128xf32, #tpu.memory_space<hbm>>
    %dma_start3A_54 = tpu.memref_slice %arg8[%dma_start3A_43] : memref<2x!tpu.dma_semaphore, #tpu.memory_space<semaphore_mem>> -> memref<1x!tpu.dma_semaphore, #tpu.memory_space<semaphore_mem>>
    %dma_start3A_55 = tpu.memref_squeeze %dma_start3A_54 : memref<1x!tpu.dma_semaphore, #tpu.memory_space<semaphore_mem>> -> memref<!tpu.dma_semaphore, #tpu.memory_space<semaphore_mem>>
    tpu.enqueue_indirect_dma source(%dma_start3A_53 : memref<10000x128xf32, #tpu.memory_space<hbm>>) target(%dma_start3A_47 : memref<128x128xf32, #tpu.memory_space<vmem>>) offsets(%dma_start3A_50 : memref<128xi32, #tpu.memory_space<vmem>>) semaphore(%dma_start3A_55 : memref<!tpu.dma_semaphore, #tpu.memory_space<semaphore_mem>>)
    %gt3A = arith.constant 1 : i32
    %gt3A_56 = arith.cmpi sgt, %select_n3A, %gt3A : i32
    %convert_element_type3A = arith.extui %gt3A_56 : i1 to i32
    %cond3A = arith.constant 0 : i32
    %cond3A_57 = arith.cmpi ne, %convert_element_type3A, %cond3A : i32
    scf.if %cond3A_57 {
      %add3A_103 = arith.constant 1 : i32
      %add3A_104 = arith.addi %select_n3A_8, %add3A_103 : i32
      %dma_start3A_105 = arith.constant 1 : i32
      %dma_start3A_106 = arith.constant 1 : i32
      %dma_start3A_107 = arith.constant 0 : i32
      %dma_start3A_108 = arith.constant 0 : i32
      %dma_start3A_109 = tpu.memref_slice %arg5[%dma_start3A_105, %dma_start3A_107, %dma_start3A_108] : memref<3x2x128xi32, #tpu.memory_space<vmem>> -> memref<1x2x128xi32, #tpu.memory_space<vmem>>
      %dma_start3A_110 = tpu.memref_squeeze %dma_start3A_109 : memref<1x2x128xi32, #tpu.memory_space<vmem>> -> memref<2x128xi32, #tpu.memory_space<vmem>>
      %dma_start3A_111 = arith.constant 0 : i32
      %dma_start3A_112 = arith.constant 0 : i32
      %dma_start3A_113 = tpu.memref_slice %arg3[%add3A_104, %dma_start3A_111, %dma_start3A_112] : memref<5024x2x128xi32, #tpu.memory_space<hbm>> -> memref<1x2x128xi32, #tpu.memory_space<hbm>>
      %dma_start3A_114 = tpu.memref_squeeze %dma_start3A_113 : memref<1x2x128xi32, #tpu.memory_space<hbm>> -> memref<2x128xi32, #tpu.memory_space<hbm>>
      %dma_start3A_115 = tpu.memref_slice %arg10[%dma_start3A_106] : memref<3x!tpu.dma_semaphore, #tpu.memory_space<semaphore_mem>> -> memref<1x!tpu.dma_semaphore, #tpu.memory_space<semaphore_mem>>
      %dma_start3A_116 = tpu.memref_squeeze %dma_start3A_115 : memref<1x!tpu.dma_semaphore, #tpu.memory_space<semaphore_mem>> -> memref<!tpu.dma_semaphore, #tpu.memory_space<semaphore_mem>>
      %dma_start3A_117 = arith.constant 0 : i32
      %dma_start3A_118 = arith.constant 0 : i32
      %dma_start3A_119 = tpu.memref_slice %arg5[%dma_start3A_105, %dma_start3A_117, %dma_start3A_118] : memref<3x2x128xi32, #tpu.memory_space<vmem>> -> memref<1x2x128xi32, #tpu.memory_space<vmem>>
      %dma_start3A_120 = tpu.memref_squeeze %dma_start3A_119 : memref<1x2x128xi32, #tpu.memory_space<vmem>> -> memref<2x128xi32, #tpu.memory_space<vmem>>
      %dma_start3A_121 = arith.constant 0 : i32
      %dma_start3A_122 = arith.constant 0 : i32
      %dma_start3A_123 = tpu.memref_slice %arg3[%add3A_104, %dma_start3A_121, %dma_start3A_122] : memref<5024x2x128xi32, #tpu.memory_space<hbm>> -> memref<1x2x128xi32, #tpu.memory_space<hbm>>
      %dma_start3A_124 = tpu.memref_squeeze %dma_start3A_123 : memref<1x2x128xi32, #tpu.memory_space<hbm>> -> memref<2x128xi32, #tpu.memory_space<hbm>>
      tpu.enqueue_dma source(%dma_start3A_124 : memref<2x128xi32, #tpu.memory_space<hbm>>) target(%dma_start3A_120 : memref<2x128xi32, #tpu.memory_space<vmem>>) target_semaphore(%dma_start3A_116 : memref<!tpu.dma_semaphore, #tpu.memory_space<semaphore_mem>>)
    } else {
    }
    %while3A = arith.constant 0 : i32
    %while3A_58 = arith.constant 0 : i32
    %while3A_59 = arith.subi %select_n3A, %while3A_58 : i32
    %while3A_60 = arith.addi %while3A_58, %while3A_59 : i32
    %while3A_61 = arith.constant 1 : i32
    %while3A_62 = arith.divsi %while3A_59, %while3A_61 : i32
    %while3A_63 = arith.muli %while3A_62, %while3A_61 : i32
    %while3A_64 = arith.addi %while3A_58, %while3A_63 : i32
    %while3A_65 = arith.constant 1 : i32
    scf.for %while3A_103 = %while3A_58 to %while3A_64 step %while3A_65  : i32 {
      %rem3A = arith.constant 2 : i32
      %rem3A_104 = arith.remsi %while3A_103, %rem3A : i32
      %sub3A = arith.constant 1 : i32
      %sub3A_105 = arith.subi %sub3A, %rem3A_104 : i32
      %rem3A_106 = arith.constant 3 : i32
      %rem3A_107 = arith.remsi %while3A_103, %rem3A_106 : i32
      %dma_wait3A_108 = arith.constant 0 : i32
      %dma_wait3A_109 = arith.constant 0 : i32
      %dma_wait3A_110 = arith.constant 0 : i32
      %dma_wait3A_111 = tpu.memref_slice %arg6[%rem3A_104, %dma_wait3A_109, %dma_wait3A_110] : memref<2x128x128xf32, #tpu.memory_space<vmem>> -> memref<1x128x128xf32, #tpu.memory_space<vmem>>
      %dma_wait3A_112 = tpu.memref_squeeze %dma_wait3A_111 : memref<1x128x128xf32, #tpu.memory_space<vmem>> -> memref<128x128xf32, #tpu.memory_space<vmem>>
      %dma_wait3A_113 = arith.constant 0 : i32
      %dma_wait3A_114 = tpu.memref_slice %arg5[%rem3A_107, %dma_wait3A_108, %dma_wait3A_113] : memref<3x2x128xi32, #tpu.memory_space<vmem>> -> memref<1x1x128xi32, #tpu.memory_space<vmem>>
      %dma_wait3A_115 = tpu.memref_squeeze %dma_wait3A_114 : memref<1x1x128xi32, #tpu.memory_space<vmem>> -> memref<128xi32, #tpu.memory_space<vmem>>
      %dma_wait3A_116 = arith.constant 0 : i32
      %dma_wait3A_117 = arith.constant 0 : i32
      %dma_wait3A_118 = tpu.memref_slice %arg2[%dma_wait3A_116, %dma_wait3A_117] : memref<10000x128xf32, #tpu.memory_space<hbm>> -> memref<10000x128xf32, #tpu.memory_space<hbm>>
      %dma_wait3A_119 = tpu.memref_slice %arg8[%rem3A_104] : memref<2x!tpu.dma_semaphore, #tpu.memory_space<semaphore_mem>> -> memref<1x!tpu.dma_semaphore, #tpu.memory_space<semaphore_mem>>
      %dma_wait3A_120 = tpu.memref_squeeze %dma_wait3A_119 : memref<1x!tpu.dma_semaphore, #tpu.memory_space<semaphore_mem>> -> memref<!tpu.dma_semaphore, #tpu.memory_space<semaphore_mem>>
      tpu.wait_indirect_dma semaphore(%dma_wait3A_120 : memref<!tpu.dma_semaphore, #tpu.memory_space<semaphore_mem>>) src(%dma_wait3A_118 : memref<10000x128xf32, #tpu.memory_space<hbm>>) dst(%dma_wait3A_112 : memref<128x128xf32, #tpu.memory_space<vmem>>)
      %add3A_121 = arith.constant 1 : i32
      %add3A_122 = arith.addi %while3A_103, %add3A_121 : i32
      %lt3A = arith.cmpi slt, %add3A_122, %select_n3A : i32
      %convert_element_type3A_123 = arith.extui %lt3A : i1 to i32
      %cond3A_124 = arith.constant 0 : i32
      %cond3A_125 = arith.cmpi ne, %convert_element_type3A_123, %cond3A_124 : i32
      scf.if %cond3A_125 {
        %add3A_145 = arith.constant 1 : i32
        %add3A_146 = arith.addi %while3A_103, %add3A_145 : i32
        %rem3A_147 = arith.constant 3 : i32
        %rem3A_148 = arith.remsi %add3A_146, %rem3A_147 : i32
        %add3A_149 = arith.addi %select_n3A_8, %while3A_103 : i32
        %add3A_150 = arith.constant 1 : i32
        %add3A_151 = arith.addi %add3A_149, %add3A_150 : i32
        %dma_wait3A_152 = arith.constant 0 : i32
        %dma_wait3A_153 = arith.constant 0 : i32
        %dma_wait3A_154 = tpu.memref_slice %arg5[%rem3A_148, %dma_wait3A_152, %dma_wait3A_153] : memref<3x2x128xi32, #tpu.memory_space<vmem>> -> memref<1x2x128xi32, #tpu.memory_space<vmem>>
        %dma_wait3A_155 = tpu.memref_squeeze %dma_wait3A_154 : memref<1x2x128xi32, #tpu.memory_space<vmem>> -> memref<2x128xi32, #tpu.memory_space<vmem>>
        %dma_wait3A_156 = arith.constant 0 : i32
        %dma_wait3A_157 = arith.constant 0 : i32
        %dma_wait3A_158 = tpu.memref_slice %arg3[%add3A_151, %dma_wait3A_156, %dma_wait3A_157] : memref<5024x2x128xi32, #tpu.memory_space<hbm>> -> memref<1x2x128xi32, #tpu.memory_space<hbm>>
        %dma_wait3A_159 = tpu.memref_squeeze %dma_wait3A_158 : memref<1x2x128xi32, #tpu.memory_space<hbm>> -> memref<2x128xi32, #tpu.memory_space<hbm>>
        %dma_wait3A_160 = tpu.memref_slice %arg10[%rem3A_148] : memref<3x!tpu.dma_semaphore, #tpu.memory_space<semaphore_mem>> -> memref<1x!tpu.dma_semaphore, #tpu.memory_space<semaphore_mem>>
        %dma_wait3A_161 = tpu.memref_squeeze %dma_wait3A_160 : memref<1x!tpu.dma_semaphore, #tpu.memory_space<semaphore_mem>> -> memref<!tpu.dma_semaphore, #tpu.memory_space<semaphore_mem>>
        %dma_wait3A_162 = arith.constant 0 : i32
        %dma_wait3A_163 = arith.constant 0 : i32
        %dma_wait3A_164 = tpu.memref_slice %arg5[%rem3A_148, %dma_wait3A_162, %dma_wait3A_163] : memref<3x2x128xi32, #tpu.memory_space<vmem>> -> memref<1x2x128xi32, #tpu.memory_space<vmem>>
        %dma_wait3A_165 = tpu.memref_squeeze %dma_wait3A_164 : memref<1x2x128xi32, #tpu.memory_space<vmem>> -> memref<2x128xi32, #tpu.memory_space<vmem>>
        %dma_wait3A_166 = arith.constant 0 : i32
        %dma_wait3A_167 = arith.constant 0 : i32
        %dma_wait3A_168 = tpu.memref_slice %arg3[%add3A_151, %dma_wait3A_166, %dma_wait3A_167] : memref<5024x2x128xi32, #tpu.memory_space<hbm>> -> memref<1x2x128xi32, #tpu.memory_space<hbm>>
        %dma_wait3A_169 = tpu.memref_squeeze %dma_wait3A_168 : memref<1x2x128xi32, #tpu.memory_space<hbm>> -> memref<2x128xi32, #tpu.memory_space<hbm>>
        tpu.wait_dma2 semaphore(%dma_wait3A_161 : memref<!tpu.dma_semaphore, #tpu.memory_space<semaphore_mem>>) src(%dma_wait3A_169 : memref<2x128xi32, #tpu.memory_space<hbm>>) dst(%dma_wait3A_165 : memref<2x128xi32, #tpu.memory_space<vmem>>)
        %ge3A = arith.constant 1 : i32
        %ge3A_170 = arith.cmpi sge, %while3A_103, %ge3A : i32
        %convert_element_type3A_171 = arith.extui %ge3A_170 : i1 to i32
        %cond3A_172 = arith.constant 0 : i32
        %cond3A_173 = arith.cmpi ne, %convert_element_type3A_171, %cond3A_172 : i32
        scf.if %cond3A_173 {
          %dma_wait3A_187 = arith.constant 1 : i32
          %dma_wait3A_188 = arith.constant 0 : i32
          %dma_wait3A_189 = arith.constant 0 : i32
          %dma_wait3A_190 = tpu.memref_slice %arg6[%sub3A_105, %dma_wait3A_188, %dma_wait3A_189] : memref<2x128x128xf32, #tpu.memory_space<vmem>> -> memref<1x128x128xf32, #tpu.memory_space<vmem>>
          %dma_wait3A_191 = tpu.memref_squeeze %dma_wait3A_190 : memref<1x128x128xf32, #tpu.memory_space<vmem>> -> memref<128x128xf32, #tpu.memory_space<vmem>>
          %dma_wait3A_192 = arith.constant 0 : i32
          %dma_wait3A_193 = tpu.memref_slice %arg5[%rem3A_148, %dma_wait3A_187, %dma_wait3A_192] : memref<3x2x128xi32, #tpu.memory_space<vmem>> -> memref<1x1x128xi32, #tpu.memory_space<vmem>>
          %dma_wait3A_194 = tpu.memref_squeeze %dma_wait3A_193 : memref<1x1x128xi32, #tpu.memory_space<vmem>> -> memref<128xi32, #tpu.memory_space<vmem>>
          %dma_wait3A_195 = arith.constant 0 : i32
          %dma_wait3A_196 = arith.constant 0 : i32
          %dma_wait3A_197 = tpu.memref_slice %arg7[%dma_wait3A_195, %dma_wait3A_196] : memref<10240x128xf32, #tpu.memory_space<vmem_shared>> -> memref<10240x128xf32, #tpu.memory_space<vmem_shared>>
          %dma_wait3A_198 = tpu.memref_slice %arg9[%sub3A_105] : memref<2x!tpu.dma_semaphore, #tpu.memory_space<semaphore_mem>> -> memref<1x!tpu.dma_semaphore, #tpu.memory_space<semaphore_mem>>
          %dma_wait3A_199 = tpu.memref_squeeze %dma_wait3A_198 : memref<1x!tpu.dma_semaphore, #tpu.memory_space<semaphore_mem>> -> memref<!tpu.dma_semaphore, #tpu.memory_space<semaphore_mem>>
          tpu.wait_indirect_dma semaphore(%dma_wait3A_199 : memref<!tpu.dma_semaphore, #tpu.memory_space<semaphore_mem>>) src(%dma_wait3A_191 : memref<128x128xf32, #tpu.memory_space<vmem>>) dst(%dma_wait3A_197 : memref<10240x128xf32, #tpu.memory_space<vmem_shared>>)
        } else {
        }
        %dma_start3A_174 = arith.constant 0 : i32
        %dma_start3A_175 = arith.constant 0 : i32
        %dma_start3A_176 = arith.constant 0 : i32
        %dma_start3A_177 = tpu.memref_slice %arg6[%sub3A_105, %dma_start3A_175, %dma_start3A_176] : memref<2x128x128xf32, #tpu.memory_space<vmem>> -> memref<1x128x128xf32, #tpu.memory_space<vmem>>
        %dma_start3A_178 = tpu.memref_squeeze %dma_start3A_177 : memref<1x128x128xf32, #tpu.memory_space<vmem>> -> memref<128x128xf32, #tpu.memory_space<vmem>>
        %dma_start3A_179 = arith.constant 0 : i32
        %dma_start3A_180 = tpu.memref_slice %arg5[%rem3A_148, %dma_start3A_174, %dma_start3A_179] : memref<3x2x128xi32, #tpu.memory_space<vmem>> -> memref<1x1x128xi32, #tpu.memory_space<vmem>>
        %dma_start3A_181 = tpu.memref_squeeze %dma_start3A_180 : memref<1x1x128xi32, #tpu.memory_space<vmem>> -> memref<128xi32, #tpu.memory_space<vmem>>
        %dma_start3A_182 = arith.constant 0 : i32
        %dma_start3A_183 = arith.constant 0 : i32
        %dma_start3A_184 = tpu.memref_slice %arg2[%dma_start3A_182, %dma_start3A_183] : memref<10000x128xf32, #tpu.memory_space<hbm>> -> memref<10000x128xf32, #tpu.memory_space<hbm>>
        %dma_start3A_185 = tpu.memref_slice %arg8[%sub3A_105] : memref<2x!tpu.dma_semaphore, #tpu.memory_space<semaphore_mem>> -> memref<1x!tpu.dma_semaphore, #tpu.memory_space<semaphore_mem>>
        %dma_start3A_186 = tpu.memref_squeeze %dma_start3A_185 : memref<1x!tpu.dma_semaphore, #tpu.memory_space<semaphore_mem>> -> memref<!tpu.dma_semaphore, #tpu.memory_space<semaphore_mem>>
        tpu.enqueue_indirect_dma source(%dma_start3A_184 : memref<10000x128xf32, #tpu.memory_space<hbm>>) target(%dma_start3A_178 : memref<128x128xf32, #tpu.memory_space<vmem>>) offsets(%dma_start3A_181 : memref<128xi32, #tpu.memory_space<vmem>>) semaphore(%dma_start3A_186 : memref<!tpu.dma_semaphore, #tpu.memory_space<semaphore_mem>>)
      } else {
      }
      %add3A_126 = arith.constant 2 : i32
      %add3A_127 = arith.addi %while3A_103, %add3A_126 : i32
      %lt3A_128 = arith.cmpi slt, %add3A_127, %select_n3A : i32
      %convert_element_type3A_129 = arith.extui %lt3A_128 : i1 to i32
      %cond3A_130 = arith.constant 0 : i32
      %cond3A_131 = arith.cmpi ne, %convert_element_type3A_129, %cond3A_130 : i32
      scf.if %cond3A_131 {
        %add3A_145 = arith.constant 2 : i32
        %add3A_146 = arith.addi %while3A_103, %add3A_145 : i32
        %rem3A_147 = arith.constant 3 : i32
        %rem3A_148 = arith.remsi %add3A_146, %rem3A_147 : i32
        %add3A_149 = arith.addi %select_n3A_8, %while3A_103 : i32
        %add3A_150 = arith.constant 2 : i32
        %add3A_151 = arith.addi %add3A_149, %add3A_150 : i32
        %dma_start3A_152 = arith.constant 0 : i32
        %dma_start3A_153 = arith.constant 0 : i32
        %dma_start3A_154 = tpu.memref_slice %arg5[%rem3A_148, %dma_start3A_152, %dma_start3A_153] : memref<3x2x128xi32, #tpu.memory_space<vmem>> -> memref<1x2x128xi32, #tpu.memory_space<vmem>>
        %dma_start3A_155 = tpu.memref_squeeze %dma_start3A_154 : memref<1x2x128xi32, #tpu.memory_space<vmem>> -> memref<2x128xi32, #tpu.memory_space<vmem>>
        %dma_start3A_156 = arith.constant 0 : i32
        %dma_start3A_157 = arith.constant 0 : i32
        %dma_start3A_158 = tpu.memref_slice %arg3[%add3A_151, %dma_start3A_156, %dma_start3A_157] : memref<5024x2x128xi32, #tpu.memory_space<hbm>> -> memref<1x2x128xi32, #tpu.memory_space<hbm>>
        %dma_start3A_159 = tpu.memref_squeeze %dma_start3A_158 : memref<1x2x128xi32, #tpu.memory_space<hbm>> -> memref<2x128xi32, #tpu.memory_space<hbm>>
        %dma_start3A_160 = tpu.memref_slice %arg10[%rem3A_148] : memref<3x!tpu.dma_semaphore, #tpu.memory_space<semaphore_mem>> -> memref<1x!tpu.dma_semaphore, #tpu.memory_space<semaphore_mem>>
        %dma_start3A_161 = tpu.memref_squeeze %dma_start3A_160 : memref<1x!tpu.dma_semaphore, #tpu.memory_space<semaphore_mem>> -> memref<!tpu.dma_semaphore, #tpu.memory_space<semaphore_mem>>
        %dma_start3A_162 = arith.constant 0 : i32
        %dma_start3A_163 = arith.constant 0 : i32
        %dma_start3A_164 = tpu.memref_slice %arg5[%rem3A_148, %dma_start3A_162, %dma_start3A_163] : memref<3x2x128xi32, #tpu.memory_space<vmem>> -> memref<1x2x128xi32, #tpu.memory_space<vmem>>
        %dma_start3A_165 = tpu.memref_squeeze %dma_start3A_164 : memref<1x2x128xi32, #tpu.memory_space<vmem>> -> memref<2x128xi32, #tpu.memory_space<vmem>>
        %dma_start3A_166 = arith.constant 0 : i32
        %dma_start3A_167 = arith.constant 0 : i32
        %dma_start3A_168 = tpu.memref_slice %arg3[%add3A_151, %dma_start3A_166, %dma_start3A_167] : memref<5024x2x128xi32, #tpu.memory_space<hbm>> -> memref<1x2x128xi32, #tpu.memory_space<hbm>>
        %dma_start3A_169 = tpu.memref_squeeze %dma_start3A_168 : memref<1x2x128xi32, #tpu.memory_space<hbm>> -> memref<2x128xi32, #tpu.memory_space<hbm>>
        tpu.enqueue_dma source(%dma_start3A_169 : memref<2x128xi32, #tpu.memory_space<hbm>>) target(%dma_start3A_165 : memref<2x128xi32, #tpu.memory_space<vmem>>) target_semaphore(%dma_start3A_161 : memref<!tpu.dma_semaphore, #tpu.memory_space<semaphore_mem>>)
      } else {
      }
      %dma_start3A_132 = arith.constant 1 : i32
      %dma_start3A_133 = arith.constant 0 : i32
      %dma_start3A_134 = arith.constant 0 : i32
      %dma_start3A_135 = tpu.memref_slice %arg6[%rem3A_104, %dma_start3A_133, %dma_start3A_134] : memref<2x128x128xf32, #tpu.memory_space<vmem>> -> memref<1x128x128xf32, #tpu.memory_space<vmem>>
      %dma_start3A_136 = tpu.memref_squeeze %dma_start3A_135 : memref<1x128x128xf32, #tpu.memory_space<vmem>> -> memref<128x128xf32, #tpu.memory_space<vmem>>
      %dma_start3A_137 = arith.constant 0 : i32
      %dma_start3A_138 = tpu.memref_slice %arg5[%rem3A_107, %dma_start3A_132, %dma_start3A_137] : memref<3x2x128xi32, #tpu.memory_space<vmem>> -> memref<1x1x128xi32, #tpu.memory_space<vmem>>
      %dma_start3A_139 = tpu.memref_squeeze %dma_start3A_138 : memref<1x1x128xi32, #tpu.memory_space<vmem>> -> memref<128xi32, #tpu.memory_space<vmem>>
      %dma_start3A_140 = arith.constant 0 : i32
      %dma_start3A_141 = arith.constant 0 : i32
      %dma_start3A_142 = tpu.memref_slice %arg7[%dma_start3A_140, %dma_start3A_141] : memref<10240x128xf32, #tpu.memory_space<vmem_shared>> -> memref<10240x128xf32, #tpu.memory_space<vmem_shared>>
      %dma_start3A_143 = tpu.memref_slice %arg9[%rem3A_104] : memref<2x!tpu.dma_semaphore, #tpu.memory_space<semaphore_mem>> -> memref<1x!tpu.dma_semaphore, #tpu.memory_space<semaphore_mem>>
      %dma_start3A_144 = tpu.memref_squeeze %dma_start3A_143 : memref<1x!tpu.dma_semaphore, #tpu.memory_space<semaphore_mem>> -> memref<!tpu.dma_semaphore, #tpu.memory_space<semaphore_mem>>
      tpu.enqueue_indirect_dma source(%dma_start3A_136 : memref<128x128xf32, #tpu.memory_space<vmem>>) target(%dma_start3A_142 : memref<10240x128xf32, #tpu.memory_space<vmem_shared>>) offsets(%dma_start3A_139 : memref<128xi32, #tpu.memory_space<vmem>>) semaphore(%dma_start3A_144 : memref<!tpu.dma_semaphore, #tpu.memory_space<semaphore_mem>>) {add = true}
    }
    %while3A_66 = arith.constant 1 : i32
    scf.for %while3A_103 = %while3A_64 to %while3A_60 step %while3A_66  : i32 {
      %rem3A = arith.constant 2 : i32
      %rem3A_104 = arith.remsi %while3A_103, %rem3A : i32
      %sub3A = arith.constant 1 : i32
      %sub3A_105 = arith.subi %sub3A, %rem3A_104 : i32
      %rem3A_106 = arith.constant 3 : i32
      %rem3A_107 = arith.remsi %while3A_103, %rem3A_106 : i32
      %dma_wait3A_108 = arith.constant 0 : i32
      %dma_wait3A_109 = arith.constant 0 : i32
      %dma_wait3A_110 = arith.constant 0 : i32
      %dma_wait3A_111 = tpu.memref_slice %arg6[%rem3A_104, %dma_wait3A_109, %dma_wait3A_110] : memref<2x128x128xf32, #tpu.memory_space<vmem>> -> memref<1x128x128xf32, #tpu.memory_space<vmem>>
      %dma_wait3A_112 = tpu.memref_squeeze %dma_wait3A_111 : memref<1x128x128xf32, #tpu.memory_space<vmem>> -> memref<128x128xf32, #tpu.memory_space<vmem>>
      %dma_wait3A_113 = arith.constant 0 : i32
      %dma_wait3A_114 = tpu.memref_slice %arg5[%rem3A_107, %dma_wait3A_108, %dma_wait3A_113] : memref<3x2x128xi32, #tpu.memory_space<vmem>> -> memref<1x1x128xi32, #tpu.memory_space<vmem>>
      %dma_wait3A_115 = tpu.memref_squeeze %dma_wait3A_114 : memref<1x1x128xi32, #tpu.memory_space<vmem>> -> memref<128xi32, #tpu.memory_space<vmem>>
      %dma_wait3A_116 = arith.constant 0 : i32
      %dma_wait3A_117 = arith.constant 0 : i32
      %dma_wait3A_118 = tpu.memref_slice %arg2[%dma_wait3A_116, %dma_wait3A_117] : memref<10000x128xf32, #tpu.memory_space<hbm>> -> memref<10000x128xf32, #tpu.memory_space<hbm>>
      %dma_wait3A_119 = tpu.memref_slice %arg8[%rem3A_104] : memref<2x!tpu.dma_semaphore, #tpu.memory_space<semaphore_mem>> -> memref<1x!tpu.dma_semaphore, #tpu.memory_space<semaphore_mem>>
      %dma_wait3A_120 = tpu.memref_squeeze %dma_wait3A_119 : memref<1x!tpu.dma_semaphore, #tpu.memory_space<semaphore_mem>> -> memref<!tpu.dma_semaphore, #tpu.memory_space<semaphore_mem>>
      tpu.wait_indirect_dma semaphore(%dma_wait3A_120 : memref<!tpu.dma_semaphore, #tpu.memory_space<semaphore_mem>>) src(%dma_wait3A_118 : memref<10000x128xf32, #tpu.memory_space<hbm>>) dst(%dma_wait3A_112 : memref<128x128xf32, #tpu.memory_space<vmem>>)
      %add3A_121 = arith.constant 1 : i32
      %add3A_122 = arith.addi %while3A_103, %add3A_121 : i32
      %lt3A = arith.cmpi slt, %add3A_122, %select_n3A : i32
      %convert_element_type3A_123 = arith.extui %lt3A : i1 to i32
      %cond3A_124 = arith.constant 0 : i32
      %cond3A_125 = arith.cmpi ne, %convert_element_type3A_123, %cond3A_124 : i32
      scf.if %cond3A_125 {
        %add3A_145 = arith.constant 1 : i32
        %add3A_146 = arith.addi %while3A_103, %add3A_145 : i32
        %rem3A_147 = arith.constant 3 : i32
        %rem3A_148 = arith.remsi %add3A_146, %rem3A_147 : i32
        %add3A_149 = arith.addi %select_n3A_8, %while3A_103 : i32
        %add3A_150 = arith.constant 1 : i32
        %add3A_151 = arith.addi %add3A_149, %add3A_150 : i32
        %dma_wait3A_152 = arith.constant 0 : i32
        %dma_wait3A_153 = arith.constant 0 : i32
        %dma_wait3A_154 = tpu.memref_slice %arg5[%rem3A_148, %dma_wait3A_152, %dma_wait3A_153] : memref<3x2x128xi32, #tpu.memory_space<vmem>> -> memref<1x2x128xi32, #tpu.memory_space<vmem>>
        %dma_wait3A_155 = tpu.memref_squeeze %dma_wait3A_154 : memref<1x2x128xi32, #tpu.memory_space<vmem>> -> memref<2x128xi32, #tpu.memory_space<vmem>>
        %dma_wait3A_156 = arith.constant 0 : i32
        %dma_wait3A_157 = arith.constant 0 : i32
        %dma_wait3A_158 = tpu.memref_slice %arg3[%add3A_151, %dma_wait3A_156, %dma_wait3A_157] : memref<5024x2x128xi32, #tpu.memory_space<hbm>> -> memref<1x2x128xi32, #tpu.memory_space<hbm>>
        %dma_wait3A_159 = tpu.memref_squeeze %dma_wait3A_158 : memref<1x2x128xi32, #tpu.memory_space<hbm>> -> memref<2x128xi32, #tpu.memory_space<hbm>>
        %dma_wait3A_160 = tpu.memref_slice %arg10[%rem3A_148] : memref<3x!tpu.dma_semaphore, #tpu.memory_space<semaphore_mem>> -> memref<1x!tpu.dma_semaphore, #tpu.memory_space<semaphore_mem>>
        %dma_wait3A_161 = tpu.memref_squeeze %dma_wait3A_160 : memref<1x!tpu.dma_semaphore, #tpu.memory_space<semaphore_mem>> -> memref<!tpu.dma_semaphore, #tpu.memory_space<semaphore_mem>>
        %dma_wait3A_162 = arith.constant 0 : i32
        %dma_wait3A_163 = arith.constant 0 : i32
        %dma_wait3A_164 = tpu.memref_slice %arg5[%rem3A_148, %dma_wait3A_162, %dma_wait3A_163] : memref<3x2x128xi32, #tpu.memory_space<vmem>> -> memref<1x2x128xi32, #tpu.memory_space<vmem>>
        %dma_wait3A_165 = tpu.memref_squeeze %dma_wait3A_164 : memref<1x2x128xi32, #tpu.memory_space<vmem>> -> memref<2x128xi32, #tpu.memory_space<vmem>>
        %dma_wait3A_166 = arith.constant 0 : i32
        %dma_wait3A_167 = arith.constant 0 : i32
        %dma_wait3A_168 = tpu.memref_slice %arg3[%add3A_151, %dma_wait3A_166, %dma_wait3A_167] : memref<5024x2x128xi32, #tpu.memory_space<hbm>> -> memref<1x2x128xi32, #tpu.memory_space<hbm>>
        %dma_wait3A_169 = tpu.memref_squeeze %dma_wait3A_168 : memref<1x2x128xi32, #tpu.memory_space<hbm>> -> memref<2x128xi32, #tpu.memory_space<hbm>>
        tpu.wait_dma2 semaphore(%dma_wait3A_161 : memref<!tpu.dma_semaphore, #tpu.memory_space<semaphore_mem>>) src(%dma_wait3A_169 : memref<2x128xi32, #tpu.memory_space<hbm>>) dst(%dma_wait3A_165 : memref<2x128xi32, #tpu.memory_space<vmem>>)
        %ge3A = arith.constant 1 : i32
        %ge3A_170 = arith.cmpi sge, %while3A_103, %ge3A : i32
        %convert_element_type3A_171 = arith.extui %ge3A_170 : i1 to i32
        %cond3A_172 = arith.constant 0 : i32
        %cond3A_173 = arith.cmpi ne, %convert_element_type3A_171, %cond3A_172 : i32
        scf.if %cond3A_173 {
          %dma_wait3A_187 = arith.constant 1 : i32
          %dma_wait3A_188 = arith.constant 0 : i32
          %dma_wait3A_189 = arith.constant 0 : i32
          %dma_wait3A_190 = tpu.memref_slice %arg6[%sub3A_105, %dma_wait3A_188, %dma_wait3A_189] : memref<2x128x128xf32, #tpu.memory_space<vmem>> -> memref<1x128x128xf32, #tpu.memory_space<vmem>>
          %dma_wait3A_191 = tpu.memref_squeeze %dma_wait3A_190 : memref<1x128x128xf32, #tpu.memory_space<vmem>> -> memref<128x128xf32, #tpu.memory_space<vmem>>
          %dma_wait3A_192 = arith.constant 0 : i32
          %dma_wait3A_193 = tpu.memref_slice %arg5[%rem3A_148, %dma_wait3A_187, %dma_wait3A_192] : memref<3x2x128xi32, #tpu.memory_space<vmem>> -> memref<1x1x128xi32, #tpu.memory_space<vmem>>
          %dma_wait3A_194 = tpu.memref_squeeze %dma_wait3A_193 : memref<1x1x128xi32, #tpu.memory_space<vmem>> -> memref<128xi32, #tpu.memory_space<vmem>>
          %dma_wait3A_195 = arith.constant 0 : i32
          %dma_wait3A_196 = arith.constant 0 : i32
          %dma_wait3A_197 = tpu.memref_slice %arg7[%dma_wait3A_195, %dma_wait3A_196] : memref<10240x128xf32, #tpu.memory_space<vmem_shared>> -> memref<10240x128xf32, #tpu.memory_space<vmem_shared>>
          %dma_wait3A_198 = tpu.memref_slice %arg9[%sub3A_105] : memref<2x!tpu.dma_semaphore, #tpu.memory_space<semaphore_mem>> -> memref<1x!tpu.dma_semaphore, #tpu.memory_space<semaphore_mem>>
          %dma_wait3A_199 = tpu.memref_squeeze %dma_wait3A_198 : memref<1x!tpu.dma_semaphore, #tpu.memory_space<semaphore_mem>> -> memref<!tpu.dma_semaphore, #tpu.memory_space<semaphore_mem>>
          tpu.wait_indirect_dma semaphore(%dma_wait3A_199 : memref<!tpu.dma_semaphore, #tpu.memory_space<semaphore_mem>>) src(%dma_wait3A_191 : memref<128x128xf32, #tpu.memory_space<vmem>>) dst(%dma_wait3A_197 : memref<10240x128xf32, #tpu.memory_space<vmem_shared>>)
        } else {
        }
        %dma_start3A_174 = arith.constant 0 : i32
        %dma_start3A_175 = arith.constant 0 : i32
        %dma_start3A_176 = arith.constant 0 : i32
        %dma_start3A_177 = tpu.memref_slice %arg6[%sub3A_105, %dma_start3A_175, %dma_start3A_176] : memref<2x128x128xf32, #tpu.memory_space<vmem>> -> memref<1x128x128xf32, #tpu.memory_space<vmem>>
        %dma_start3A_178 = tpu.memref_squeeze %dma_start3A_177 : memref<1x128x128xf32, #tpu.memory_space<vmem>> -> memref<128x128xf32, #tpu.memory_space<vmem>>
        %dma_start3A_179 = arith.constant 0 : i32
        %dma_start3A_180 = tpu.memref_slice %arg5[%rem3A_148, %dma_start3A_174, %dma_start3A_179] : memref<3x2x128xi32, #tpu.memory_space<vmem>> -> memref<1x1x128xi32, #tpu.memory_space<vmem>>
        %dma_start3A_181 = tpu.memref_squeeze %dma_start3A_180 : memref<1x1x128xi32, #tpu.memory_space<vmem>> -> memref<128xi32, #tpu.memory_space<vmem>>
        %dma_start3A_182 = arith.constant 0 : i32
        %dma_start3A_183 = arith.constant 0 : i32
        %dma_start3A_184 = tpu.memref_slice %arg2[%dma_start3A_182, %dma_start3A_183] : memref<10000x128xf32, #tpu.memory_space<hbm>> -> memref<10000x128xf32, #tpu.memory_space<hbm>>
        %dma_start3A_185 = tpu.memref_slice %arg8[%sub3A_105] : memref<2x!tpu.dma_semaphore, #tpu.memory_space<semaphore_mem>> -> memref<1x!tpu.dma_semaphore, #tpu.memory_space<semaphore_mem>>
        %dma_start3A_186 = tpu.memref_squeeze %dma_start3A_185 : memref<1x!tpu.dma_semaphore, #tpu.memory_space<semaphore_mem>> -> memref<!tpu.dma_semaphore, #tpu.memory_space<semaphore_mem>>
        tpu.enqueue_indirect_dma source(%dma_start3A_184 : memref<10000x128xf32, #tpu.memory_space<hbm>>) target(%dma_start3A_178 : memref<128x128xf32, #tpu.memory_space<vmem>>) offsets(%dma_start3A_181 : memref<128xi32, #tpu.memory_space<vmem>>) semaphore(%dma_start3A_186 : memref<!tpu.dma_semaphore, #tpu.memory_space<semaphore_mem>>)
      } else {
      }
      %add3A_126 = arith.constant 2 : i32
      %add3A_127 = arith.addi %while3A_103, %add3A_126 : i32
      %lt3A_128 = arith.cmpi slt, %add3A_127, %select_n3A : i32
      %convert_element_type3A_129 = arith.extui %lt3A_128 : i1 to i32
      %cond3A_130 = arith.constant 0 : i32
      %cond3A_131 = arith.cmpi ne, %convert_element_type3A_129, %cond3A_130 : i32
      scf.if %cond3A_131 {
        %add3A_145 = arith.constant 2 : i32
        %add3A_146 = arith.addi %while3A_103, %add3A_145 : i32
        %rem3A_147 = arith.constant 3 : i32
        %rem3A_148 = arith.remsi %add3A_146, %rem3A_147 : i32
        %add3A_149 = arith.addi %select_n3A_8, %while3A_103 : i32
        %add3A_150 = arith.constant 2 : i32
        %add3A_151 = arith.addi %add3A_149, %add3A_150 : i32
        %dma_start3A_152 = arith.constant 0 : i32
        %dma_start3A_153 = arith.constant 0 : i32
        %dma_start3A_154 = tpu.memref_slice %arg5[%rem3A_148, %dma_start3A_152, %dma_start3A_153] : memref<3x2x128xi32, #tpu.memory_space<vmem>> -> memref<1x2x128xi32, #tpu.memory_space<vmem>>
        %dma_start3A_155 = tpu.memref_squeeze %dma_start3A_154 : memref<1x2x128xi32, #tpu.memory_space<vmem>> -> memref<2x128xi32, #tpu.memory_space<vmem>>
        %dma_start3A_156 = arith.constant 0 : i32
        %dma_start3A_157 = arith.constant 0 : i32
        %dma_start3A_158 = tpu.memref_slice %arg3[%add3A_151, %dma_start3A_156, %dma_start3A_157] : memref<5024x2x128xi32, #tpu.memory_space<hbm>> -> memref<1x2x128xi32, #tpu.memory_space<hbm>>
        %dma_start3A_159 = tpu.memref_squeeze %dma_start3A_158 : memref<1x2x128xi32, #tpu.memory_space<hbm>> -> memref<2x128xi32, #tpu.memory_space<hbm>>
        %dma_start3A_160 = tpu.memref_slice %arg10[%rem3A_148] : memref<3x!tpu.dma_semaphore, #tpu.memory_space<semaphore_mem>> -> memref<1x!tpu.dma_semaphore, #tpu.memory_space<semaphore_mem>>
        %dma_start3A_161 = tpu.memref_squeeze %dma_start3A_160 : memref<1x!tpu.dma_semaphore, #tpu.memory_space<semaphore_mem>> -> memref<!tpu.dma_semaphore, #tpu.memory_space<semaphore_mem>>
        %dma_start3A_162 = arith.constant 0 : i32
        %dma_start3A_163 = arith.constant 0 : i32
        %dma_start3A_164 = tpu.memref_slice %arg5[%rem3A_148, %dma_start3A_162, %dma_start3A_163] : memref<3x2x128xi32, #tpu.memory_space<vmem>> -> memref<1x2x128xi32, #tpu.memory_space<vmem>>
        %dma_start3A_165 = tpu.memref_squeeze %dma_start3A_164 : memref<1x2x128xi32, #tpu.memory_space<vmem>> -> memref<2x128xi32, #tpu.memory_space<vmem>>
        %dma_start3A_166 = arith.constant 0 : i32
        %dma_start3A_167 = arith.constant 0 : i32
        %dma_start3A_168 = tpu.memref_slice %arg3[%add3A_151, %dma_start3A_166, %dma_start3A_167] : memref<5024x2x128xi32, #tpu.memory_space<hbm>> -> memref<1x2x128xi32, #tpu.memory_space<hbm>>
        %dma_start3A_169 = tpu.memref_squeeze %dma_start3A_168 : memref<1x2x128xi32, #tpu.memory_space<hbm>> -> memref<2x128xi32, #tpu.memory_space<hbm>>
        tpu.enqueue_dma source(%dma_start3A_169 : memref<2x128xi32, #tpu.memory_space<hbm>>) target(%dma_start3A_165 : memref<2x128xi32, #tpu.memory_space<vmem>>) target_semaphore(%dma_start3A_161 : memref<!tpu.dma_semaphore, #tpu.memory_space<semaphore_mem>>)
      } else {
      }
      %dma_start3A_132 = arith.constant 1 : i32
      %dma_start3A_133 = arith.constant 0 : i32
      %dma_start3A_134 = arith.constant 0 : i32
      %dma_start3A_135 = tpu.memref_slice %arg6[%rem3A_104, %dma_start3A_133, %dma_start3A_134] : memref<2x128x128xf32, #tpu.memory_space<vmem>> -> memref<1x128x128xf32, #tpu.memory_space<vmem>>
      %dma_start3A_136 = tpu.memref_squeeze %dma_start3A_135 : memref<1x128x128xf32, #tpu.memory_space<vmem>> -> memref<128x128xf32, #tpu.memory_space<vmem>>
      %dma_start3A_137 = arith.constant 0 : i32
      %dma_start3A_138 = tpu.memref_slice %arg5[%rem3A_107, %dma_start3A_132, %dma_start3A_137] : memref<3x2x128xi32, #tpu.memory_space<vmem>> -> memref<1x1x128xi32, #tpu.memory_space<vmem>>
      %dma_start3A_139 = tpu.memref_squeeze %dma_start3A_138 : memref<1x1x128xi32, #tpu.memory_space<vmem>> -> memref<128xi32, #tpu.memory_space<vmem>>
      %dma_start3A_140 = arith.constant 0 : i32
      %dma_start3A_141 = arith.constant 0 : i32
      %dma_start3A_142 = tpu.memref_slice %arg7[%dma_start3A_140, %dma_start3A_141] : memref<10240x128xf32, #tpu.memory_space<vmem_shared>> -> memref<10240x128xf32, #tpu.memory_space<vmem_shared>>
      %dma_start3A_143 = tpu.memref_slice %arg9[%rem3A_104] : memref<2x!tpu.dma_semaphore, #tpu.memory_space<semaphore_mem>> -> memref<1x!tpu.dma_semaphore, #tpu.memory_space<semaphore_mem>>
      %dma_start3A_144 = tpu.memref_squeeze %dma_start3A_143 : memref<1x!tpu.dma_semaphore, #tpu.memory_space<semaphore_mem>> -> memref<!tpu.dma_semaphore, #tpu.memory_space<semaphore_mem>>
      tpu.enqueue_indirect_dma source(%dma_start3A_136 : memref<128x128xf32, #tpu.memory_space<vmem>>) target(%dma_start3A_142 : memref<10240x128xf32, #tpu.memory_space<vmem_shared>>) offsets(%dma_start3A_139 : memref<128xi32, #tpu.memory_space<vmem>>) semaphore(%dma_start3A_144 : memref<!tpu.dma_semaphore, #tpu.memory_space<semaphore_mem>>) {add = true}
    }
    %dma_wait3A = arith.constant 0 : i32
    %dma_wait3A_67 = arith.constant 0 : i32
    %dma_wait3A_68 = arith.constant 1 : i32
    %dma_wait3A_69 = arith.constant 0 : i32
    %dma_wait3A_70 = arith.constant 0 : i32
    %dma_wait3A_71 = arith.constant 0 : i32
    %dma_wait3A_72 = tpu.memref_slice %arg6[%dma_wait3A, %dma_wait3A_70, %dma_wait3A_71] : memref<2x128x128xf32, #tpu.memory_space<vmem>> -> memref<1x128x128xf32, #tpu.memory_space<vmem>>
    %dma_wait3A_73 = tpu.memref_squeeze %dma_wait3A_72 : memref<1x128x128xf32, #tpu.memory_space<vmem>> -> memref<128x128xf32, #tpu.memory_space<vmem>>
    %dma_wait3A_74 = arith.constant 0 : i32
    %dma_wait3A_75 = tpu.memref_slice %arg5[%dma_wait3A_67, %dma_wait3A_68, %dma_wait3A_74] : memref<3x2x128xi32, #tpu.memory_space<vmem>> -> memref<1x1x128xi32, #tpu.memory_space<vmem>>
    %dma_wait3A_76 = tpu.memref_squeeze %dma_wait3A_75 : memref<1x1x128xi32, #tpu.memory_space<vmem>> -> memref<128xi32, #tpu.memory_space<vmem>>
    %dma_wait3A_77 = arith.constant 0 : i32
    %dma_wait3A_78 = arith.constant 0 : i32
    %dma_wait3A_79 = tpu.memref_slice %arg7[%dma_wait3A_77, %dma_wait3A_78] : memref<10240x128xf32, #tpu.memory_space<vmem_shared>> -> memref<10240x128xf32, #tpu.memory_space<vmem_shared>>
    %dma_wait3A_80 = tpu.memref_slice %arg9[%dma_wait3A_69] : memref<2x!tpu.dma_semaphore, #tpu.memory_space<semaphore_mem>> -> memref<1x!tpu.dma_semaphore, #tpu.memory_space<semaphore_mem>>
    %dma_wait3A_81 = tpu.memref_squeeze %dma_wait3A_80 : memref<1x!tpu.dma_semaphore, #tpu.memory_space<semaphore_mem>> -> memref<!tpu.dma_semaphore, #tpu.memory_space<semaphore_mem>>
    tpu.wait_indirect_dma semaphore(%dma_wait3A_81 : memref<!tpu.dma_semaphore, #tpu.memory_space<semaphore_mem>>) src(%dma_wait3A_73 : memref<128x128xf32, #tpu.memory_space<vmem>>) dst(%dma_wait3A_79 : memref<10240x128xf32, #tpu.memory_space<vmem_shared>>)
    %dma_wait3A_82 = arith.constant 1 : i32
    %dma_wait3A_83 = arith.constant 0 : i32
    %dma_wait3A_84 = arith.constant 1 : i32
    %dma_wait3A_85 = arith.constant 1 : i32
    %dma_wait3A_86 = arith.constant 0 : i32
    %dma_wait3A_87 = arith.constant 0 : i32
    %dma_wait3A_88 = tpu.memref_slice %arg6[%dma_wait3A_82, %dma_wait3A_86, %dma_wait3A_87] : memref<2x128x128xf32, #tpu.memory_space<vmem>> -> memref<1x128x128xf32, #tpu.memory_space<vmem>>
    %dma_wait3A_89 = tpu.memref_squeeze %dma_wait3A_88 : memref<1x128x128xf32, #tpu.memory_space<vmem>> -> memref<128x128xf32, #tpu.memory_space<vmem>>
    %dma_wait3A_90 = arith.constant 0 : i32
    %dma_wait3A_91 = tpu.memref_slice %arg5[%dma_wait3A_83, %dma_wait3A_84, %dma_wait3A_90] : memref<3x2x128xi32, #tpu.memory_space<vmem>> -> memref<1x1x128xi32, #tpu.memory_space<vmem>>
    %dma_wait3A_92 = tpu.memref_squeeze %dma_wait3A_91 : memref<1x1x128xi32, #tpu.memory_space<vmem>> -> memref<128xi32, #tpu.memory_space<vmem>>
    %dma_wait3A_93 = arith.constant 0 : i32
    %dma_wait3A_94 = arith.constant 0 : i32
    %dma_wait3A_95 = tpu.memref_slice %arg7[%dma_wait3A_93, %dma_wait3A_94] : memref<10240x128xf32, #tpu.memory_space<vmem_shared>> -> memref<10240x128xf32, #tpu.memory_space<vmem_shared>>
    %dma_wait3A_96 = tpu.memref_slice %arg9[%dma_wait3A_85] : memref<2x!tpu.dma_semaphore, #tpu.memory_space<semaphore_mem>> -> memref<1x!tpu.dma_semaphore, #tpu.memory_space<semaphore_mem>>
    %dma_wait3A_97 = tpu.memref_squeeze %dma_wait3A_96 : memref<1x!tpu.dma_semaphore, #tpu.memory_space<semaphore_mem>> -> memref<!tpu.dma_semaphore, #tpu.memory_space<semaphore_mem>>
    tpu.wait_indirect_dma semaphore(%dma_wait3A_97 : memref<!tpu.dma_semaphore, #tpu.memory_space<semaphore_mem>>) src(%dma_wait3A_89 : memref<128x128xf32, #tpu.memory_space<vmem>>) dst(%dma_wait3A_95 : memref<10240x128xf32, #tpu.memory_space<vmem_shared>>)
    %barrier3A_98 = arith.constant 0 : index
    tpu.barrier barrier_id(%barrier3A_98)
    %mul3A_99 = arith.constant 640 : i32
    %mul3A_100 = arith.muli %arg1, %mul3A_99 : i32
    %mul3A_101 = arith.constant 640 : i32
    %mul3A_102 = arith.muli %arg1, %mul3A_101 : i32
    "tpu.region"() ({
      %run_scoped3A_103 = tpu.sem_alloc : memref<!tpu.dma_semaphore, #tpu.memory_space<semaphore_mem>>
      %dma_start3A_104 = arith.constant 0 : i32
      %dma_start3A_105 = tpu.memref_slice %arg4[%arg0, %mul3A_102, %dma_start3A_104] : memref<2x10240x128xf32, #tpu.memory_space<hbm>> -> memref<1x640x128xf32, #tpu.memory_space<hbm>>
      %dma_start3A_106 = tpu.memref_squeeze %dma_start3A_105 : memref<1x640x128xf32, #tpu.memory_space<hbm>> -> memref<640x128xf32, #tpu.memory_space<hbm>>
      %dma_start3A_107 = arith.constant 0 : i32
      %dma_start3A_108 = tpu.memref_slice %arg7[%mul3A_100, %dma_start3A_107] : memref<10240x128xf32, #tpu.memory_space<vmem_shared>> -> memref<640x128xf32, #tpu.memory_space<vmem_shared>>
      tpu.enqueue_dma source(%dma_start3A_108 : memref<640x128xf32, #tpu.memory_space<vmem_shared>>) target(%dma_start3A_106 : memref<640x128xf32, #tpu.memory_space<hbm>>) target_semaphore(%run_scoped3A_103 : memref<!tpu.dma_semaphore, #tpu.memory_space<semaphore_mem>>)
      %dma_wait3A_109 = arith.constant 0 : i32
      %dma_wait3A_110 = tpu.memref_slice %arg4[%arg0, %mul3A_102, %dma_wait3A_109] : memref<2x10240x128xf32, #tpu.memory_space<hbm>> -> memref<1x640x128xf32, #tpu.memory_space<hbm>>
      %dma_wait3A_111 = tpu.memref_squeeze %dma_wait3A_110 : memref<1x640x128xf32, #tpu.memory_space<hbm>> -> memref<640x128xf32, #tpu.memory_space<hbm>>
      %dma_wait3A_112 = arith.constant 0 : i32
      %dma_wait3A_113 = tpu.memref_slice %arg7[%mul3A_100, %dma_wait3A_112] : memref<10240x128xf32, #tpu.memory_space<vmem_shared>> -> memref<640x128xf32, #tpu.memory_space<vmem_shared>>
      tpu.wait_dma2 semaphore(%run_scoped3A_103 : memref<!tpu.dma_semaphore, #tpu.memory_space<semaphore_mem>>) src(%dma_wait3A_113 : memref<640x128xf32, #tpu.memory_space<vmem_shared>>) dst(%dma_wait3A_111 : memref<640x128xf32, #tpu.memory_space<hbm>>)
      tpu.yield
    }) : () -> ()
    return
  }
}

module attributes {stable_mosaic.version = 14 : i64} {
  func.func @_tc_pre_body(%arg0: i32, %arg1: memref<2000x128xf32, #tpu.memory_space<vmem>>, %arg2: memref<128x128xf32, #tpu.memory_space<vmem>>, %arg3: memref<2x2000x128xf32, #tpu.memory_space<vmem>>, %arg4: memref<2000x128xf32, #tpu.memory_space<vmem>>) attributes {dimension_semantics = [#tpu.dimension_semantics<arbitrary>], iteration_bounds = array<i64: 5>, scalar_prefetch = 0 : i64, scratch_operands = 0 : i64, tpu.core_type = #tpu.core_type<tc>, window_params = [{transform_indices = @transform_0, window_bounds = array<i64: 2000, 128>}, {pipeline_mode = #tpu.pipeline_mode<synchronous>, transform_indices = @transform_1, window_bounds = array<i64: 128, 128>}, {transform_indices = @transform_2, window_bounds = array<i64: 2, 2000, 128>}, {transform_indices = @transform_3, window_bounds = array<i64: 2000, 128>}]} {
    %get3A = arith.constant 0 : index
    %get3A_0 = arith.constant 0 : index
    %get3A_1 = arith.constant 0 : index
    %get3A_2 = vector.load %arg3[%get3A, %get3A_0, %get3A_1] : memref<2x2000x128xf32, #tpu.memory_space<vmem>>, vector<1x2000x128xf32>
    %get3A_3 = vector.shape_cast %get3A_2 : vector<1x2000x128xf32> to vector<2000x128xf32>
    %get3A_4 = arith.constant 1 : index
    %get3A_5 = arith.constant 0 : index
    %get3A_6 = arith.constant 0 : index
    %get3A_7 = vector.load %arg3[%get3A_4, %get3A_5, %get3A_6] : memref<2x2000x128xf32, #tpu.memory_space<vmem>>, vector<1x2000x128xf32>
    %get3A_8 = vector.shape_cast %get3A_7 : vector<1x2000x128xf32> to vector<2000x128xf32>
    %add3A = arith.addf %get3A_3, %get3A_8 : vector<2000x128xf32>
    %slice3A = vector.extract_strided_slice %add3A {offsets = [0, 0], sizes = [2000, 1], strides = [1, 1]} : vector<2000x128xf32> to vector<2000x1xf32>
    %add3A_9 = arith.constant 1.000000e+00 : f32
    %add3A_10 = vector.broadcast %add3A_9 : f32 to vector<2000x1xf32>
    %add3A_11 = arith.addf %slice3A, %add3A_10 : vector<2000x1xf32>
    %rsqrt3A = math.rsqrt %add3A_11 : vector<2000x1xf32>
    %get3A_12 = arith.constant 0 : index
    %get3A_13 = arith.constant 0 : index
    %get3A_14 = vector.load %arg1[%get3A_12, %get3A_13] : memref<2000x128xf32, #tpu.memory_space<vmem>>, vector<2000x128xf32>
    %get3A_15 = arith.constant 0 : index
    %get3A_16 = arith.constant 0 : index
    %get3A_17 = vector.load %arg2[%get3A_15, %get3A_16] : memref<128x128xf32, #tpu.memory_space<vmem>>, vector<128x128xf32>
    %dot_general3A = arith.constant dense<0.000000e+00> : vector<2000x128xf32>
    %dot_general3A_18 = tpu.matmul %get3A_14, %get3A_17, %dot_general3A {dimension_numbers = #tpu.dot_dimension_numbers<[1], [1], [0], [0], [0, 0, 1, 0], [], []>, transpose_lhs_hint = false} : vector<2000x128xf32>, vector<128x128xf32>, vector<2000x128xf32> -> vector<2000x128xf32>
    %mul3A = vector.broadcast %rsqrt3A : vector<2000x1xf32> to vector<2000x128xf32>
    %mul3A_19 = arith.mulf %dot_general3A_18, %mul3A : vector<2000x128xf32>
    %swap3A = arith.constant 0 : index
    %swap3A_20 = arith.constant 0 : index
    %swap3A_21 = vector.load %arg4[%swap3A, %swap3A_20] : memref<2000x128xf32, #tpu.memory_space<vmem>>, vector<2000x128xf32>
    tpu.vector_store %arg4[%swap3A, %swap3A_20], %mul3A_19 {strides = array<i32>} : memref<2000x128xf32, #tpu.memory_space<vmem>>, vector<2000x128xf32>,
    return
  }
  func.func @transform_0(%arg0: i32) -> (i32, i32) {
    %c0_i32 = arith.constant 0 : i32
    %c0_i32_0 = arith.constant 0 : i32
    return %arg0, %c0_i32 : i32, i32
  }
  func.func @transform_1(%arg0: i32) -> (i32, i32) {
    %c0_i32 = arith.constant 0 : i32
    %c0_i32_0 = arith.constant 0 : i32
    %c0_i32_1 = arith.constant 0 : i32
    return %c0_i32, %c0_i32_0 : i32, i32
  }
  func.func @transform_2(%arg0: i32) -> (i32, i32, i32) {
    %c0_i32 = arith.constant 0 : i32
    %c0_i32_0 = arith.constant 0 : i32
    %c0_i32_1 = arith.constant 0 : i32
    return %c0_i32, %arg0, %c0_i32_0 : i32, i32, i32
  }
  func.func @transform_3(%arg0: i32) -> (i32, i32) {
    %c0_i32 = arith.constant 0 : i32
    %c0_i32_0 = arith.constant 0 : i32
    return %arg0, %c0_i32 : i32, i32
  }
}

module attributes {stable_mosaic.version = 14 : i64} {
  func.func @_tc_mid_body(%arg0: i32, %arg1: memref<2x2000x128xf32, #tpu.memory_space<vmem>>, %arg2: memref<2x2000x128xf32, #tpu.memory_space<vmem>>, %arg3: memref<2000x128xf32, #tpu.memory_space<vmem>>, %arg4: memref<128x128xf32, #tpu.memory_space<vmem>>, %arg5: memref<1x128xf32, #tpu.memory_space<vmem>>, %arg6: memref<2000x128xf32, #tpu.memory_space<vmem>>, %arg7: memref<2000x128xf32, #tpu.memory_space<vmem>>) attributes {dimension_semantics = [#tpu.dimension_semantics<arbitrary>], iteration_bounds = array<i64: 5>, scalar_prefetch = 0 : i64, scratch_operands = 0 : i64, tpu.core_type = #tpu.core_type<tc>, window_params = [{transform_indices = @transform_0, window_bounds = array<i64: 2, 2000, 128>}, {transform_indices = @transform_1, window_bounds = array<i64: 2, 2000, 128>}, {transform_indices = @transform_2, window_bounds = array<i64: 2000, 128>}, {pipeline_mode = #tpu.pipeline_mode<synchronous>, transform_indices = @transform_3, window_bounds = array<i64: 128, 128>}, {pipeline_mode = #tpu.pipeline_mode<synchronous>, transform_indices = @transform_4, window_bounds = array<i64: 1, 128>}, {transform_indices = @transform_5, window_bounds = array<i64: 2000, 128>}, {transform_indices = @transform_6, window_bounds = array<i64: 2000, 128>}]} {
    %get3A = arith.constant 0 : index
    %get3A_0 = arith.constant 0 : index
    %get3A_1 = arith.constant 0 : index
    %get3A_2 = vector.load %arg1[%get3A, %get3A_0, %get3A_1] : memref<2x2000x128xf32, #tpu.memory_space<vmem>>, vector<1x2000x128xf32>
    %get3A_3 = vector.shape_cast %get3A_2 : vector<1x2000x128xf32> to vector<2000x128xf32>
    %get3A_4 = arith.constant 1 : index
    %get3A_5 = arith.constant 0 : index
    %get3A_6 = arith.constant 0 : index
    %get3A_7 = vector.load %arg1[%get3A_4, %get3A_5, %get3A_6] : memref<2x2000x128xf32, #tpu.memory_space<vmem>>, vector<1x2000x128xf32>
    %get3A_8 = vector.shape_cast %get3A_7 : vector<1x2000x128xf32> to vector<2000x128xf32>
    %add3A = arith.addf %get3A_3, %get3A_8 : vector<2000x128xf32>
    %slice3A = vector.extract_strided_slice %add3A {offsets = [0, 0], sizes = [2000, 1], strides = [1, 1]} : vector<2000x128xf32> to vector<2000x1xf32>
    %add3A_9 = arith.constant 1.000000e+00 : f32
    %add3A_10 = vector.broadcast %add3A_9 : f32 to vector<2000x1xf32>
    %add3A_11 = arith.addf %slice3A, %add3A_10 : vector<2000x1xf32>
    %rsqrt3A = math.rsqrt %add3A_11 : vector<2000x1xf32>
    %get3A_12 = arith.constant 0 : index
    %get3A_13 = arith.constant 0 : index
    %get3A_14 = arith.constant 0 : index
    %get3A_15 = vector.load %arg2[%get3A_12, %get3A_13, %get3A_14] : memref<2x2000x128xf32, #tpu.memory_space<vmem>>, vector<1x2000x128xf32>
    %get3A_16 = vector.shape_cast %get3A_15 : vector<1x2000x128xf32> to vector<2000x128xf32>
    %get3A_17 = arith.constant 1 : index
    %get3A_18 = arith.constant 0 : index
    %get3A_19 = arith.constant 0 : index
    %get3A_20 = vector.load %arg2[%get3A_17, %get3A_18, %get3A_19] : memref<2x2000x128xf32, #tpu.memory_space<vmem>>, vector<1x2000x128xf32>
    %get3A_21 = vector.shape_cast %get3A_20 : vector<1x2000x128xf32> to vector<2000x128xf32>
    %add3A_22 = arith.addf %get3A_16, %get3A_21 : vector<2000x128xf32>
    %get3A_23 = arith.constant 0 : index
    %get3A_24 = arith.constant 0 : index
    %get3A_25 = vector.load %arg3[%get3A_23, %get3A_24] : memref<2000x128xf32, #tpu.memory_space<vmem>>, vector<2000x128xf32>
    %add3A_26 = arith.addf %add3A_22, %get3A_25 : vector<2000x128xf32>
    %mul3A = vector.broadcast %rsqrt3A : vector<2000x1xf32> to vector<2000x128xf32>
    %mul3A_27 = arith.mulf %add3A_26, %mul3A : vector<2000x128xf32>
    %get3A_28 = arith.constant 0 : index
    %get3A_29 = arith.constant 0 : index
    %get3A_30 = vector.load %arg5[%get3A_28, %get3A_29] : memref<1x128xf32, #tpu.memory_space<vmem>>, vector<1x128xf32>
    %add3A_31 = vector.broadcast %get3A_30 : vector<1x128xf32> to vector<2000x128xf32>
    %add3A_32 = arith.addf %mul3A_27, %add3A_31 : vector<2000x128xf32>
    %max3A = arith.constant 0.000000e+00 : f32
    %max3A_33 = vector.broadcast %max3A : f32 to vector<2000x128xf32>
    %max3A_34 = arith.maximumf %add3A_32, %max3A_33 : vector<2000x128xf32>
    %swap3A = arith.constant 0 : index
    %swap3A_35 = arith.constant 0 : index
    %swap3A_36 = vector.load %arg6[%swap3A, %swap3A_35] : memref<2000x128xf32, #tpu.memory_space<vmem>>, vector<2000x128xf32>
    tpu.vector_store %arg6[%swap3A, %swap3A_35], %max3A_34 {strides = array<i32>} : memref<2000x128xf32, #tpu.memory_space<vmem>>, vector<2000x128xf32>,
    %get3A_37 = arith.constant 0 : index
    %get3A_38 = arith.constant 0 : index
    %get3A_39 = vector.load %arg4[%get3A_37, %get3A_38] : memref<128x128xf32, #tpu.memory_space<vmem>>, vector<128x128xf32>
    %dot_general3A = arith.constant dense<0.000000e+00> : vector<2000x128xf32>
    %dot_general3A_40 = tpu.matmul %max3A_34, %get3A_39, %dot_general3A {dimension_numbers = #tpu.dot_dimension_numbers<[1], [1], [0], [0], [0, 0, 1, 0], [], []>, transpose_lhs_hint = false} : vector<2000x128xf32>, vector<128x128xf32>, vector<2000x128xf32> -> vector<2000x128xf32>
    %mul3A_41 = vector.broadcast %rsqrt3A : vector<2000x1xf32> to vector<2000x128xf32>
    %mul3A_42 = arith.mulf %dot_general3A_40, %mul3A_41 : vector<2000x128xf32>
    %swap3A_43 = arith.constant 0 : index
    %swap3A_44 = arith.constant 0 : index
    %swap3A_45 = vector.load %arg7[%swap3A_43, %swap3A_44] : memref<2000x128xf32, #tpu.memory_space<vmem>>, vector<2000x128xf32>
    tpu.vector_store %arg7[%swap3A_43, %swap3A_44], %mul3A_42 {strides = array<i32>} : memref<2000x128xf32, #tpu.memory_space<vmem>>, vector<2000x128xf32>,
    return
  }
  func.func @transform_0(%arg0: i32) -> (i32, i32, i32) {
    %c0_i32 = arith.constant 0 : i32
    %c0_i32_0 = arith.constant 0 : i32
    %c0_i32_1 = arith.constant 0 : i32
    return %c0_i32, %arg0, %c0_i32_0 : i32, i32, i32
  }
  func.func @transform_1(%arg0: i32) -> (i32, i32, i32) {
    %c0_i32 = arith.constant 0 : i32
    %c0_i32_0 = arith.constant 0 : i32
    %c0_i32_1 = arith.constant 0 : i32
    return %c0_i32, %arg0, %c0_i32_0 : i32, i32, i32
  }
  func.func @transform_2(%arg0: i32) -> (i32, i32) {
    %c0_i32 = arith.constant 0 : i32
    %c0_i32_0 = arith.constant 0 : i32
    return %arg0, %c0_i32 : i32, i32
  }
  func.func @transform_3(%arg0: i32) -> (i32, i32) {
    %c0_i32 = arith.constant 0 : i32
    %c0_i32_0 = arith.constant 0 : i32
    %c0_i32_1 = arith.constant 0 : i32
    return %c0_i32, %c0_i32_0 : i32, i32
  }
  func.func @transform_4(%arg0: i32) -> (i32, i32) {
    %c0_i32 = arith.constant 0 : i32
    %c0_i32_0 = arith.constant 0 : i32
    %c0_i32_1 = arith.constant 0 : i32
    return %c0_i32, %c0_i32_0 : i32, i32
  }
  func.func @transform_5(%arg0: i32) -> (i32, i32) {
    %c0_i32 = arith.constant 0 : i32
    %c0_i32_0 = arith.constant 0 : i32
    return %arg0, %c0_i32 : i32, i32
  }
  func.func @transform_6(%arg0: i32) -> (i32, i32) {
    %c0_i32 = arith.constant 0 : i32
    %c0_i32_0 = arith.constant 0 : i32
    return %arg0, %c0_i32 : i32, i32
  }
}

module attributes {stable_mosaic.version = 14 : i64} {
  func.func @_tc_final_body(%arg0: i32, %arg1: memref<2x2000x128xf32, #tpu.memory_space<vmem>>, %arg2: memref<2x2000x128xf32, #tpu.memory_space<vmem>>, %arg3: memref<2000x128xf32, #tpu.memory_space<vmem>>, %arg4: memref<2000x128xf32, #tpu.memory_space<vmem>>, %arg5: memref<1x128xf32, #tpu.memory_space<vmem>>, %arg6: memref<1x1x2000xi32, #tpu.memory_space<vmem>>, %arg7: memref<128x128xf32, #tpu.memory_space<vmem>>, %arg8: memref<1x128xf32, #tpu.memory_space<vmem>>, %arg9: memref<64x16xi32, #tpu.memory_space<vmem>>, %arg10: memref<64x16xi32, #tpu.memory_space<vmem>>, %arg11: memref<64x16xi32, #tpu.memory_space<vmem>>, %arg12: memref<5x64xf32, #tpu.memory_space<vmem>>, %arg13: memref<6x64xf32, #tpu.memory_space<vmem>>, %arg14: memref<10x64xf32, #tpu.memory_space<vmem>>, %arg15: memref<128x192xf32, #tpu.memory_space<vmem>>, %arg16: memref<1x128xf32, #tpu.memory_space<vmem>>, %arg17: memref<64x1xi32, #tpu.memory_space<vmem>>, %arg18: memref<2x16xf32, #tpu.memory_space<vmem>>, %arg19: memref<64x8xf32, #tpu.memory_space<vmem>>, %arg20: memref<16x8xf32, #tpu.memory_space<vmem>>, %arg21: memref<1x16xf32, #tpu.memory_space<vmem>>, %arg22: memref<64x6xf32, #tpu.memory_space<vmem>>, %arg23: memref<16x6xf32, #tpu.memory_space<vmem>>, %arg24: memref<1x16xf32, #tpu.memory_space<vmem>>, %arg25: memref<128x304xf32, #tpu.memory_space<vmem>>, %arg26: memref<1x128xf32, #tpu.memory_space<vmem>>, %arg27: memref<3x128xf32, #tpu.memory_space<vmem>>, %arg28: memref<1x3xf32, #tpu.memory_space<vmem>>, %arg29: memref<64x3xf32, #tpu.memory_space<vmem>>, %arg30: memref<64x128xf32, #tpu.memory_space<vmem>>, %arg31: memref<64x128xf32, #tpu.memory_space<vmem>>) attributes {dimension_semantics = [#tpu.dimension_semantics<arbitrary>], iteration_bounds = array<i64: 5>, scalar_prefetch = 0 : i64, scratch_operands = 2 : i64, tpu.core_type = #tpu.core_type<tc>, window_params = [{transform_indices = @transform_0, window_bounds = array<i64: 2, 2000, 128>}, {transform_indices = @transform_1, window_bounds = array<i64: 2, 2000, 128>}, {transform_indices = @transform_2, window_bounds = array<i64: 2000, 128>}, {transform_indices = @transform_3, window_bounds = array<i64: 2000, 128>}, {pipeline_mode = #tpu.pipeline_mode<synchronous>, transform_indices = @transform_4, window_bounds = array<i64: 1, 128>}, {transform_indices = @transform_5, window_bounds = array<i64: 1, 1, 2000>}, {pipeline_mode = #tpu.pipeline_mode<synchronous>, transform_indices = @transform_6, window_bounds = array<i64: 128, 128>}, {pipeline_mode = #tpu.pipeline_mode<synchronous>, transform_indices = @transform_7, window_bounds = array<i64: 1, 128>}, {pipeline_mode = #tpu.pipeline_mode<synchronous>, transform_indices = @transform_8, window_bounds = array<i64: 64, 16>}, {pipeline_mode = #tpu.pipeline_mode<synchronous>, transform_indices = @transform_9, window_bounds = array<i64: 64, 16>}, {pipeline_mode = #tpu.pipeline_mode<synchronous>, transform_indices = @transform_10, window_bounds = array<i64: 64, 16>}, {pipeline_mode = #tpu.pipeline_mode<synchronous>, transform_indices = @transform_11, window_bounds = array<i64: 5, 64>}, {pipeline_mode = #tpu.pipeline_mode<synchronous>, transform_indices = @transform_12, window_bounds = array<i64: 6, 64>}, {pipeline_mode = #tpu.pipeline_mode<synchronous>, transform_indices = @transform_13, window_bounds = array<i64: 10, 64>}, {pipeline_mode = #tpu.pipeline_mode<synchronous>, transform_indices = @transform_14, window_bounds = array<i64: 128, 192>}, {pipeline_mode = #tpu.pipeline_mode<synchronous>, transform_indices = @transform_15, window_bounds = array<i64: 1, 128>}, {pipeline_mode = #tpu.pipeline_mode<synchronous>, transform_indices = @transform_16, window_bounds = array<i64: 64, 1>}, {pipeline_mode = #tpu.pipeline_mode<synchronous>, transform_indices = @transform_17, window_bounds = array<i64: 2, 16>}, {pipeline_mode = #tpu.pipeline_mode<synchronous>, transform_indices = @transform_18, window_bounds = array<i64: 64, 8>}, {pipeline_mode = #tpu.pipeline_mode<synchronous>, transform_indices = @transform_19, window_bounds = array<i64: 16, 8>}, {pipeline_mode = #tpu.pipeline_mode<synchronous>, transform_indices = @transform_20, window_bounds = array<i64: 1, 16>}, {pipeline_mode = #tpu.pipeline_mode<synchronous>, transform_indices = @transform_21, window_bounds = array<i64: 64, 6>}, {pipeline_mode = #tpu.pipeline_mode<synchronous>, transform_indices = @transform_22, window_bounds = array<i64: 16, 6>}, {pipeline_mode = #tpu.pipeline_mode<synchronous>, transform_indices = @transform_23, window_bounds = array<i64: 1, 16>}, {pipeline_mode = #tpu.pipeline_mode<synchronous>, transform_indices = @transform_24, window_bounds = array<i64: 128, 304>}, {pipeline_mode = #tpu.pipeline_mode<synchronous>, transform_indices = @transform_25, window_bounds = array<i64: 1, 128>}, {pipeline_mode = #tpu.pipeline_mode<synchronous>, transform_indices = @transform_26, window_bounds = array<i64: 3, 128>}, {pipeline_mode = #tpu.pipeline_mode<synchronous>, transform_indices = @transform_27, window_bounds = array<i64: 1, 3>}, {pipeline_mode = #tpu.pipeline_mode<synchronous>, transform_indices = @transform_28, window_bounds = array<i64: 64, 3>}]} {
    %eq3A = arith.constant 0 : i32
    %eq3A_0 = arith.cmpi eq, %arg0, %eq3A : i32
    %convert_element_type3A = arith.extui %eq3A_0 : i1 to i32
    %cond3A = arith.constant 0 : i32
    %cond3A_1 = arith.cmpi ne, %convert_element_type3A, %cond3A : i32
    scf.if %cond3A_1 {
      %broadcast_in_dim3A_70 = arith.constant 0.000000e+00 : f32
      %broadcast_in_dim3A_71 = vector.broadcast %broadcast_in_dim3A_70 : f32 to vector<64x128xf32>
      %swap3A_72 = arith.constant 0 : index
      %swap3A_73 = arith.constant 0 : index
      %swap3A_74 = vector.load %arg30[%swap3A_72, %swap3A_73] : memref<64x128xf32, #tpu.memory_space<vmem>>, vector<64x128xf32>
      tpu.vector_store %arg30[%swap3A_72, %swap3A_73], %broadcast_in_dim3A_71 {strides = array<i32>} : memref<64x128xf32, #tpu.memory_space<vmem>>, vector<64x128xf32>,
      %broadcast_in_dim3A_75 = arith.constant 0.000000e+00 : f32
      %broadcast_in_dim3A_76 = vector.broadcast %broadcast_in_dim3A_75 : f32 to vector<64x128xf32>
      %swap3A_77 = arith.constant 0 : index
      %swap3A_78 = arith.constant 0 : index
      %swap3A_79 = vector.load %arg31[%swap3A_77, %swap3A_78] : memref<64x128xf32, #tpu.memory_space<vmem>>, vector<64x128xf32>
      tpu.vector_store %arg31[%swap3A_77, %swap3A_78], %broadcast_in_dim3A_76 {strides = array<i32>} : memref<64x128xf32, #tpu.memory_space<vmem>>, vector<64x128xf32>,
    } else {
    }
    %get3A = arith.constant 0 : index
    %get3A_2 = arith.constant 0 : index
    %get3A_3 = arith.constant 0 : index
    %get3A_4 = vector.load %arg1[%get3A, %get3A_2, %get3A_3] : memref<2x2000x128xf32, #tpu.memory_space<vmem>>, vector<1x2000x128xf32>
    %get3A_5 = vector.shape_cast %get3A_4 : vector<1x2000x128xf32> to vector<2000x128xf32>
    %get3A_6 = arith.constant 1 : index
    %get3A_7 = arith.constant 0 : index
    %get3A_8 = arith.constant 0 : index
    %get3A_9 = vector.load %arg1[%get3A_6, %get3A_7, %get3A_8] : memref<2x2000x128xf32, #tpu.memory_space<vmem>>, vector<1x2000x128xf32>
    %get3A_10 = vector.shape_cast %get3A_9 : vector<1x2000x128xf32> to vector<2000x128xf32>
    %add3A = arith.addf %get3A_5, %get3A_10 : vector<2000x128xf32>
    %slice3A = vector.extract_strided_slice %add3A {offsets = [0, 0], sizes = [2000, 1], strides = [1, 1]} : vector<2000x128xf32> to vector<2000x1xf32>
    %add3A_11 = arith.constant 1.000000e+00 : f32
    %add3A_12 = vector.broadcast %add3A_11 : f32 to vector<2000x1xf32>
    %add3A_13 = arith.addf %slice3A, %add3A_12 : vector<2000x1xf32>
    %rsqrt3A = math.rsqrt %add3A_13 : vector<2000x1xf32>
    %get3A_14 = arith.constant 0 : index
    %get3A_15 = arith.constant 0 : index
    %get3A_16 = arith.constant 0 : index
    %get3A_17 = vector.load %arg2[%get3A_14, %get3A_15, %get3A_16] : memref<2x2000x128xf32, #tpu.memory_space<vmem>>, vector<1x2000x128xf32>
    %get3A_18 = vector.shape_cast %get3A_17 : vector<1x2000x128xf32> to vector<2000x128xf32>
    %get3A_19 = arith.constant 1 : index
    %get3A_20 = arith.constant 0 : index
    %get3A_21 = arith.constant 0 : index
    %get3A_22 = vector.load %arg2[%get3A_19, %get3A_20, %get3A_21] : memref<2x2000x128xf32, #tpu.memory_space<vmem>>, vector<1x2000x128xf32>
    %get3A_23 = vector.shape_cast %get3A_22 : vector<1x2000x128xf32> to vector<2000x128xf32>
    %add3A_24 = arith.addf %get3A_18, %get3A_23 : vector<2000x128xf32>
    %get3A_25 = arith.constant 0 : index
    %get3A_26 = arith.constant 0 : index
    %get3A_27 = vector.load %arg3[%get3A_25, %get3A_26] : memref<2000x128xf32, #tpu.memory_space<vmem>>, vector<2000x128xf32>
    %add3A_28 = arith.addf %add3A_24, %get3A_27 : vector<2000x128xf32>
    %mul3A = vector.broadcast %rsqrt3A : vector<2000x1xf32> to vector<2000x128xf32>
    %mul3A_29 = arith.mulf %add3A_28, %mul3A : vector<2000x128xf32>
    %get3A_30 = arith.constant 0 : index
    %get3A_31 = arith.constant 0 : index
    %get3A_32 = vector.load %arg5[%get3A_30, %get3A_31] : memref<1x128xf32, #tpu.memory_space<vmem>>, vector<1x128xf32>
    %add3A_33 = vector.broadcast %get3A_32 : vector<1x128xf32> to vector<2000x128xf32>
    %add3A_34 = arith.addf %mul3A_29, %add3A_33 : vector<2000x128xf32>
    %get3A_35 = arith.constant 0 : index
    %get3A_36 = arith.constant 0 : index
    %get3A_37 = vector.load %arg4[%get3A_35, %get3A_36] : memref<2000x128xf32, #tpu.memory_space<vmem>>, vector<2000x128xf32>
    %add3A_38 = arith.addf %add3A_34, %get3A_37 : vector<2000x128xf32>
    %get3A_39 = arith.constant 0 : index
    %get3A_40 = arith.constant 0 : index
    %get3A_41 = arith.constant 0 : index
    %get3A_42 = vector.load %arg6[%get3A_39, %get3A_40, %get3A_41] : memref<1x1x2000xi32, #tpu.memory_space<vmem>>, vector<1x1x2000xi32>
    %get3A_43 = vector.shape_cast %get3A_42 : vector<1x1x2000xi32> to vector<2000xi32>
    %broadcast_in_dim3A = vector.shape_cast %get3A_43 : vector<2000xi32> to vector<1x2000xi32>
    %iota3A = tpu.iota {dimensions = array<i32: 0>} : vector<64x2000xi32>
    %eq3A_44 = vector.broadcast %broadcast_in_dim3A : vector<1x2000xi32> to vector<64x2000xi32>
    %eq3A_45 = arith.cmpi eq, %eq3A_44, %iota3A : vector<64x2000xi32>
    %convert_element_type3A_46 = arith.extui %eq3A_45 : vector<64x2000xi1> to vector<64x2000xi32>
    %convert_element_type3A_47 = arith.sitofp %convert_element_type3A_46 : vector<64x2000xi32> to vector<64x2000xf32>
    %get3A_48 = arith.constant 0 : index
    %get3A_49 = arith.constant 0 : index
    %get3A_50 = vector.load %arg30[%get3A_48, %get3A_49] : memref<64x128xf32, #tpu.memory_space<vmem>>, vector<64x128xf32>
    %dot_general3A = arith.constant dense<0.000000e+00> : vector<64x128xf32>
    %dot_general3A_51 = tpu.matmul %convert_element_type3A_47, %add3A_38, %dot_general3A {dimension_numbers = #tpu.dot_dimension_numbers<[1], [0], [0], [1], [0, 0, 1, 1], [], []>, transpose_lhs_hint = false} : vector<64x2000xf32>, vector<2000x128xf32>, vector<64x128xf32> -> vector<64x128xf32>
    %add3A_52 = arith.addf %get3A_50, %dot_general3A_51 : vector<64x128xf32>
    %swap3A = arith.constant 0 : index
    %swap3A_53 = arith.constant 0 : index
    %swap3A_54 = vector.load %arg30[%swap3A, %swap3A_53] : memref<64x128xf32, #tpu.memory_space<vmem>>, vector<64x128xf32>
    tpu.vector_store %arg30[%swap3A, %swap3A_53], %add3A_52 {strides = array<i32>} : memref<64x128xf32, #tpu.memory_space<vmem>>, vector<64x128xf32>,
    %get3A_55 = arith.constant 0 : index
    %get3A_56 = arith.constant 0 : index
    %get3A_57 = vector.load %arg31[%get3A_55, %get3A_56] : memref<64x128xf32, #tpu.memory_space<vmem>>, vector<64x128xf32>
    %reduce_sum3A = arith.constant dense<0.000000e+00> : vector<64xf32>
    %reduce_sum3A_58 = vector.multi_reduction <add>, %convert_element_type3A_47, %reduce_sum3A [1] : vector<64x2000xf32> to vector<64xf32>
    %broadcast_in_dim3A_59 = vector.shape_cast %reduce_sum3A_58 : vector<64xf32> to vector<64x1xf32>
    %add3A_60 = vector.broadcast %broadcast_in_dim3A_59 : vector<64x1xf32> to vector<64x128xf32>
    %add3A_61 = arith.addf %get3A_57, %add3A_60 : vector<64x128xf32>
    %swap3A_62 = arith.constant 0 : index
    %swap3A_63 = arith.constant 0 : index
    %swap3A_64 = vector.load %arg31[%swap3A_62, %swap3A_63] : memref<64x128xf32, #tpu.memory_space<vmem>>, vector<64x128xf32>
    tpu.vector_store %arg31[%swap3A_62, %swap3A_63], %add3A_61 {strides = array<i32>} : memref<64x128xf32, #tpu.memory_space<vmem>>, vector<64x128xf32>,
    %eq3A_65 = arith.constant 4 : i32
    %eq3A_66 = arith.cmpi eq, %arg0, %eq3A_65 : i32
    %convert_element_type3A_67 = arith.extui %eq3A_66 : i1 to i32
    %cond3A_68 = arith.constant 0 : i32
    %cond3A_69 = arith.cmpi ne, %convert_element_type3A_67, %cond3A_68 : i32
    scf.if %cond3A_69 {
      %get3A_70 = arith.constant 0 : index
      %get3A_71 = arith.constant 0 : index
      %get3A_72 = vector.load %arg30[%get3A_70, %get3A_71] : memref<64x128xf32, #tpu.memory_space<vmem>>, vector<64x128xf32>
      %get3A_73 = arith.constant 0 : index
      %get3A_74 = arith.constant 0 : index
      %get3A_75 = vector.load %arg31[%get3A_73, %get3A_74] : memref<64x128xf32, #tpu.memory_space<vmem>>, vector<64x128xf32>
      %max3A = arith.constant 1.000000e+00 : f32
      %max3A_76 = vector.broadcast %max3A : f32 to vector<64x128xf32>
      %max3A_77 = arith.maximumf %get3A_75, %max3A_76 : vector<64x128xf32>
      %div3A = arith.divf %get3A_72, %max3A_77 : vector<64x128xf32>
      %get3A_78 = arith.constant 0 : index
      %get3A_79 = arith.constant 0 : index
      %get3A_80 = vector.load %arg7[%get3A_78, %get3A_79] : memref<128x128xf32, #tpu.memory_space<vmem>>, vector<128x128xf32>
      %dot_general3A_81 = arith.constant dense<0.000000e+00> : vector<64x128xf32>
      %dot_general3A_82 = tpu.matmul %div3A, %get3A_80, %dot_general3A_81 {dimension_numbers = #tpu.dot_dimension_numbers<[1], [1], [0], [0], [0, 0, 1, 0], [], []>, transpose_lhs_hint = false} : vector<64x128xf32>, vector<128x128xf32>, vector<64x128xf32> -> vector<64x128xf32>
      %get3A_83 = arith.constant 0 : index
      %get3A_84 = arith.constant 0 : index
      %get3A_85 = vector.load %arg8[%get3A_83, %get3A_84] : memref<1x128xf32, #tpu.memory_space<vmem>>, vector<1x128xf32>
      %add3A_86 = vector.broadcast %get3A_85 : vector<1x128xf32> to vector<64x128xf32>
      %add3A_87 = arith.addf %dot_general3A_82, %add3A_86 : vector<64x128xf32>
      %get3A_88 = arith.constant 0 : index
      %get3A_89 = arith.constant 0 : index
      %get3A_90 = vector.load %arg9[%get3A_88, %get3A_89] : memref<64x16xi32, #tpu.memory_space<vmem>>, vector<64x16xi32>
      %broadcast_in_dim3A_91 = vector.shape_cast %get3A_90 : vector<64x16xi32> to vector<64x16x1xi32>
      %iota3A_92 = tpu.iota {dimensions = array<i32: 2>} : vector<64x16x5xi32>
      %eq3A_93 = vector.broadcast %broadcast_in_dim3A_91 : vector<64x16x1xi32> to vector<64x16x5xi32>
      %eq3A_94 = arith.cmpi eq, %eq3A_93, %iota3A_92 : vector<64x16x5xi32>
      %convert_element_type3A_95 = arith.extui %eq3A_94 : vector<64x16x5xi1> to vector<64x16x5xi32>
      %convert_element_type3A_96 = arith.sitofp %convert_element_type3A_95 : vector<64x16x5xi32> to vector<64x16x5xf32>
      %reduce_sum3A_97 = arith.constant dense<0.000000e+00> : vector<64x5xf32>
      %reduce_sum3A_98 = vector.multi_reduction <add>, %convert_element_type3A_96, %reduce_sum3A_97 [1] : vector<64x16x5xf32> to vector<64x5xf32>
      %iota3A_99 = tpu.iota {dimensions = array<i32: 1>} : vector<1x5xi32>
      %gt3A = arith.constant 0 : i32
      %gt3A_100 = vector.broadcast %gt3A : i32 to vector<1x5xi32>
      %gt3A_101 = arith.cmpi sgt, %iota3A_99, %gt3A_100 : vector<1x5xi32>
      %convert_element_type3A_102 = arith.extui %gt3A_101 : vector<1x5xi1> to vector<1x5xi32>
      %convert_element_type3A_103 = arith.sitofp %convert_element_type3A_102 : vector<1x5xi32> to vector<1x5xf32>
      %mul3A_104 = vector.broadcast %convert_element_type3A_103 : vector<1x5xf32> to vector<64x5xf32>
      %mul3A_105 = arith.mulf %reduce_sum3A_98, %mul3A_104 : vector<64x5xf32>
      %get3A_106 = arith.constant 0 : index
      %get3A_107 = arith.constant 0 : index
      %get3A_108 = vector.load %arg12[%get3A_106, %get3A_107] : memref<5x64xf32, #tpu.memory_space<vmem>>, vector<5x64xf32>
      %dot_general3A_109 = arith.constant dense<0.000000e+00> : vector<64x64xf32>
      %dot_general3A_110 = tpu.matmul %mul3A_105, %get3A_108, %dot_general3A_109 {dimension_numbers = #tpu.dot_dimension_numbers<[1], [0], [0], [1], [0, 0, 1, 1], [], []>, transpose_lhs_hint = false} : vector<64x5xf32>, vector<5x64xf32>, vector<64x64xf32> -> vector<64x64xf32>
      %div3A_111 = arith.constant 1.600000e+01 : f32
      %div3A_112 = vector.broadcast %div3A_111 : f32 to vector<64x64xf32>
      %div3A_113 = arith.divf %dot_general3A_110, %div3A_112 : vector<64x64xf32>
      %get3A_114 = arith.constant 0 : index
      %get3A_115 = arith.constant 0 : index
      %get3A_116 = vector.load %arg10[%get3A_114, %get3A_115] : memref<64x16xi32, #tpu.memory_space<vmem>>, vector<64x16xi32>
      %broadcast_in_dim3A_117 = vector.shape_cast %get3A_116 : vector<64x16xi32> to vector<64x16x1xi32>
      %iota3A_118 = tpu.iota {dimensions = array<i32: 2>} : vector<64x16x6xi32>
      %eq3A_119 = vector.broadcast %broadcast_in_dim3A_117 : vector<64x16x1xi32> to vector<64x16x6xi32>
      %eq3A_120 = arith.cmpi eq, %eq3A_119, %iota3A_118 : vector<64x16x6xi32>
      %convert_element_type3A_121 = arith.extui %eq3A_120 : vector<64x16x6xi1> to vector<64x16x6xi32>
      %convert_element_type3A_122 = arith.sitofp %convert_element_type3A_121 : vector<64x16x6xi32> to vector<64x16x6xf32>
      %reduce_sum3A_123 = arith.constant dense<0.000000e+00> : vector<64x6xf32>
      %reduce_sum3A_124 = vector.multi_reduction <add>, %convert_element_type3A_122, %reduce_sum3A_123 [1] : vector<64x16x6xf32> to vector<64x6xf32>
      %iota3A_125 = tpu.iota {dimensions = array<i32: 1>} : vector<1x6xi32>
      %gt3A_126 = arith.constant 0 : i32
      %gt3A_127 = vector.broadcast %gt3A_126 : i32 to vector<1x6xi32>
      %gt3A_128 = arith.cmpi sgt, %iota3A_125, %gt3A_127 : vector<1x6xi32>
      %convert_element_type3A_129 = arith.extui %gt3A_128 : vector<1x6xi1> to vector<1x6xi32>
      %convert_element_type3A_130 = arith.sitofp %convert_element_type3A_129 : vector<1x6xi32> to vector<1x6xf32>
      %mul3A_131 = vector.broadcast %convert_element_type3A_130 : vector<1x6xf32> to vector<64x6xf32>
      %mul3A_132 = arith.mulf %reduce_sum3A_124, %mul3A_131 : vector<64x6xf32>
      %get3A_133 = arith.constant 0 : index
      %get3A_134 = arith.constant 0 : index
      %get3A_135 = vector.load %arg13[%get3A_133, %get3A_134] : memref<6x64xf32, #tpu.memory_space<vmem>>, vector<6x64xf32>
      %dot_general3A_136 = arith.constant dense<0.000000e+00> : vector<64x64xf32>
      %dot_general3A_137 = tpu.matmul %mul3A_132, %get3A_135, %dot_general3A_136 {dimension_numbers = #tpu.dot_dimension_numbers<[1], [0], [0], [1], [0, 0, 1, 1], [], []>, transpose_lhs_hint = false} : vector<64x6xf32>, vector<6x64xf32>, vector<64x64xf32> -> vector<64x64xf32>
      %div3A_138 = arith.constant 1.600000e+01 : f32
      %div3A_139 = vector.broadcast %div3A_138 : f32 to vector<64x64xf32>
      %div3A_140 = arith.divf %dot_general3A_137, %div3A_139 : vector<64x64xf32>
      %get3A_141 = arith.constant 0 : index
      %get3A_142 = arith.constant 0 : index
      %get3A_143 = vector.load %arg11[%get3A_141, %get3A_142] : memref<64x16xi32, #tpu.memory_space<vmem>>, vector<64x16xi32>
      %broadcast_in_dim3A_144 = vector.shape_cast %get3A_143 : vector<64x16xi32> to vector<64x16x1xi32>
      %iota3A_145 = tpu.iota {dimensions = array<i32: 2>} : vector<64x16x10xi32>
      %eq3A_146 = vector.broadcast %broadcast_in_dim3A_144 : vector<64x16x1xi32> to vector<64x16x10xi32>
      %eq3A_147 = arith.cmpi eq, %eq3A_146, %iota3A_145 : vector<64x16x10xi32>
      %convert_element_type3A_148 = arith.extui %eq3A_147 : vector<64x16x10xi1> to vector<64x16x10xi32>
      %convert_element_type3A_149 = arith.sitofp %convert_element_type3A_148 : vector<64x16x10xi32> to vector<64x16x10xf32>
      %reduce_sum3A_150 = arith.constant dense<0.000000e+00> : vector<64x10xf32>
      %reduce_sum3A_151 = vector.multi_reduction <add>, %convert_element_type3A_149, %reduce_sum3A_150 [1] : vector<64x16x10xf32> to vector<64x10xf32>
      %iota3A_152 = tpu.iota {dimensions = array<i32: 1>} : vector<1x10xi32>
      %gt3A_153 = arith.constant 0 : i32
      %gt3A_154 = vector.broadcast %gt3A_153 : i32 to vector<1x10xi32>
      %gt3A_155 = arith.cmpi sgt, %iota3A_152, %gt3A_154 : vector<1x10xi32>
      %convert_element_type3A_156 = arith.extui %gt3A_155 : vector<1x10xi1> to vector<1x10xi32>
      %convert_element_type3A_157 = arith.sitofp %convert_element_type3A_156 : vector<1x10xi32> to vector<1x10xf32>
      %mul3A_158 = vector.broadcast %convert_element_type3A_157 : vector<1x10xf32> to vector<64x10xf32>
      %mul3A_159 = arith.mulf %reduce_sum3A_151, %mul3A_158 : vector<64x10xf32>
      %get3A_160 = arith.constant 0 : index
      %get3A_161 = arith.constant 0 : index
      %get3A_162 = vector.load %arg14[%get3A_160, %get3A_161] : memref<10x64xf32, #tpu.memory_space<vmem>>, vector<10x64xf32>
      %dot_general3A_163 = arith.constant dense<0.000000e+00> : vector<64x64xf32>
      %dot_general3A_164 = tpu.matmul %mul3A_159, %get3A_162, %dot_general3A_163 {dimension_numbers = #tpu.dot_dimension_numbers<[1], [0], [0], [1], [0, 0, 1, 1], [], []>, transpose_lhs_hint = false} : vector<64x10xf32>, vector<10x64xf32>, vector<64x64xf32> -> vector<64x64xf32>
      %div3A_165 = arith.constant 1.600000e+01 : f32
      %div3A_166 = vector.broadcast %div3A_165 : f32 to vector<64x64xf32>
      %div3A_167 = arith.divf %dot_general3A_164, %div3A_166 : vector<64x64xf32>
      %concatenate3A = tpu.concatenate %div3A_113, %div3A_140, %div3A_167 in 1 : vector<64x64xf32>, vector<64x64xf32>, vector<64x64xf32> -> vector<64x192xf32>
      %get3A_168 = arith.constant 0 : index
      %get3A_169 = arith.constant 0 : index
      %get3A_170 = vector.load %arg15[%get3A_168, %get3A_169] : memref<128x192xf32, #tpu.memory_space<vmem>>, vector<128x192xf32>
      %dot_general3A_171 = arith.constant dense<0.000000e+00> : vector<64x128xf32>
      %dot_general3A_172 = tpu.matmul %concatenate3A, %get3A_170, %dot_general3A_171 {dimension_numbers = #tpu.dot_dimension_numbers<[1], [1], [0], [0], [0, 0, 1, 0], [], []>, transpose_lhs_hint = false} : vector<64x192xf32>, vector<128x192xf32>, vector<64x128xf32> -> vector<64x128xf32>
      %get3A_173 = arith.constant 0 : index
      %get3A_174 = arith.constant 0 : index
      %get3A_175 = vector.load %arg16[%get3A_173, %get3A_174] : memref<1x128xf32, #tpu.memory_space<vmem>>, vector<1x128xf32>
      %add3A_176 = vector.broadcast %get3A_175 : vector<1x128xf32> to vector<64x128xf32>
      %add3A_177 = arith.addf %dot_general3A_172, %add3A_176 : vector<64x128xf32>
      %max3A_178 = arith.constant 0.000000e+00 : f32
      %max3A_179 = vector.broadcast %max3A_178 : f32 to vector<64x128xf32>
      %max3A_180 = arith.maximumf %add3A_177, %max3A_179 : vector<64x128xf32>
      %get3A_181 = arith.constant 0 : index
      %get3A_182 = arith.constant 0 : index
      %get3A_183 = vector.load %arg17[%get3A_181, %get3A_182] : memref<64x1xi32, #tpu.memory_space<vmem>>, vector<64x1xi32>
      %squeeze3A = vector.shape_cast %get3A_183 : vector<64x1xi32> to vector<64xi32>
      %broadcast_in_dim3A_184 = vector.shape_cast %squeeze3A : vector<64xi32> to vector<64x1xi32>
      %iota3A_185 = tpu.iota {dimensions = array<i32: 1>} : vector<64x2xi32>
      %eq3A_186 = vector.broadcast %broadcast_in_dim3A_184 : vector<64x1xi32> to vector<64x2xi32>
      %eq3A_187 = arith.cmpi eq, %eq3A_186, %iota3A_185 : vector<64x2xi32>
      %convert_element_type3A_188 = arith.extui %eq3A_187 : vector<64x2xi1> to vector<64x2xi32>
      %convert_element_type3A_189 = arith.sitofp %convert_element_type3A_188 : vector<64x2xi32> to vector<64x2xf32>
      %get3A_190 = arith.constant 0 : index
      %get3A_191 = arith.constant 0 : index
      %get3A_192 = vector.load %arg18[%get3A_190, %get3A_191] : memref<2x16xf32, #tpu.memory_space<vmem>>, vector<2x16xf32>
      %dot_general3A_193 = arith.constant dense<0.000000e+00> : vector<64x16xf32>
      %dot_general3A_194 = tpu.matmul %convert_element_type3A_189, %get3A_192, %dot_general3A_193 {dimension_numbers = #tpu.dot_dimension_numbers<[1], [0], [0], [1], [0, 0, 1, 1], [], []>, transpose_lhs_hint = false} : vector<64x2xf32>, vector<2x16xf32>, vector<64x16xf32> -> vector<64x16xf32>
      %get3A_195 = arith.constant 0 : index
      %get3A_196 = arith.constant 0 : index
      %get3A_197 = vector.load %arg19[%get3A_195, %get3A_196] : memref<64x8xf32, #tpu.memory_space<vmem>>, vector<64x8xf32>
      %get3A_198 = arith.constant 0 : index
      %get3A_199 = arith.constant 0 : index
      %get3A_200 = vector.load %arg20[%get3A_198, %get3A_199] : memref<16x8xf32, #tpu.memory_space<vmem>>, vector<16x8xf32>
      %dot_general3A_201 = arith.constant dense<0.000000e+00> : vector<64x16xf32>
      %dot_general3A_202 = tpu.matmul %get3A_197, %get3A_200, %dot_general3A_201 {dimension_numbers = #tpu.dot_dimension_numbers<[1], [1], [0], [0], [0, 0, 1, 0], [], []>, transpose_lhs_hint = false} : vector<64x8xf32>, vector<16x8xf32>, vector<64x16xf32> -> vector<64x16xf32>
      %get3A_203 = arith.constant 0 : index
      %get3A_204 = arith.constant 0 : index
      %get3A_205 = vector.load %arg21[%get3A_203, %get3A_204] : memref<1x16xf32, #tpu.memory_space<vmem>>, vector<1x16xf32>
      %add3A_206 = vector.broadcast %get3A_205 : vector<1x16xf32> to vector<64x16xf32>
      %add3A_207 = arith.addf %dot_general3A_202, %add3A_206 : vector<64x16xf32>
      %max3A_208 = arith.constant 0.000000e+00 : f32
      %max3A_209 = vector.broadcast %max3A_208 : f32 to vector<64x16xf32>
      %max3A_210 = arith.maximumf %add3A_207, %max3A_209 : vector<64x16xf32>
      %get3A_211 = arith.constant 0 : index
      %get3A_212 = arith.constant 0 : index
      %get3A_213 = vector.load %arg22[%get3A_211, %get3A_212] : memref<64x6xf32, #tpu.memory_space<vmem>>, vector<64x6xf32>
      %get3A_214 = arith.constant 0 : index
      %get3A_215 = arith.constant 0 : index
      %get3A_216 = vector.load %arg23[%get3A_214, %get3A_215] : memref<16x6xf32, #tpu.memory_space<vmem>>, vector<16x6xf32>
      %dot_general3A_217 = arith.constant dense<0.000000e+00> : vector<64x16xf32>
      %dot_general3A_218 = tpu.matmul %get3A_213, %get3A_216, %dot_general3A_217 {dimension_numbers = #tpu.dot_dimension_numbers<[1], [1], [0], [0], [0, 0, 1, 0], [], []>, transpose_lhs_hint = false} : vector<64x6xf32>, vector<16x6xf32>, vector<64x16xf32> -> vector<64x16xf32>
      %get3A_219 = arith.constant 0 : index
      %get3A_220 = arith.constant 0 : index
      %get3A_221 = vector.load %arg24[%get3A_219, %get3A_220] : memref<1x16xf32, #tpu.memory_space<vmem>>, vector<1x16xf32>
      %add3A_222 = vector.broadcast %get3A_221 : vector<1x16xf32> to vector<64x16xf32>
      %add3A_223 = arith.addf %dot_general3A_218, %add3A_222 : vector<64x16xf32>
      %max3A_224 = arith.constant 0.000000e+00 : f32
      %max3A_225 = vector.broadcast %max3A_224 : f32 to vector<64x16xf32>
      %max3A_226 = arith.maximumf %add3A_223, %max3A_225 : vector<64x16xf32>
      %concatenate3A_227 = tpu.concatenate %add3A_87, %max3A_180, %dot_general3A_194, %max3A_210, %max3A_226 in 1 : vector<64x128xf32>, vector<64x128xf32>, vector<64x16xf32>, vector<64x16xf32>, vector<64x16xf32> -> vector<64x304xf32>
      %get3A_228 = arith.constant 0 : index
      %get3A_229 = arith.constant 0 : index
      %get3A_230 = vector.load %arg25[%get3A_228, %get3A_229] : memref<128x304xf32, #tpu.memory_space<vmem>>, vector<128x304xf32>
      %dot_general3A_231 = arith.constant dense<0.000000e+00> : vector<64x128xf32>
      %dot_general3A_232 = tpu.matmul %concatenate3A_227, %get3A_230, %dot_general3A_231 {dimension_numbers = #tpu.dot_dimension_numbers<[1], [1], [0], [0], [0, 0, 1, 0], [], []>, transpose_lhs_hint = false} : vector<64x304xf32>, vector<128x304xf32>, vector<64x128xf32> -> vector<64x128xf32>
      %get3A_233 = arith.constant 0 : index
      %get3A_234 = arith.constant 0 : index
      %get3A_235 = vector.load %arg26[%get3A_233, %get3A_234] : memref<1x128xf32, #tpu.memory_space<vmem>>, vector<1x128xf32>
      %add3A_236 = vector.broadcast %get3A_235 : vector<1x128xf32> to vector<64x128xf32>
      %add3A_237 = arith.addf %dot_general3A_232, %add3A_236 : vector<64x128xf32>
      %max3A_238 = arith.constant 0.000000e+00 : f32
      %max3A_239 = vector.broadcast %max3A_238 : f32 to vector<64x128xf32>
      %max3A_240 = arith.maximumf %add3A_237, %max3A_239 : vector<64x128xf32>
      %get3A_241 = arith.constant 0 : index
      %get3A_242 = arith.constant 0 : index
      %get3A_243 = vector.load %arg27[%get3A_241, %get3A_242] : memref<3x128xf32, #tpu.memory_space<vmem>>, vector<3x128xf32>
      %dot_general3A_244 = arith.constant dense<0.000000e+00> : vector<64x3xf32>
      %dot_general3A_245 = tpu.matmul %max3A_240, %get3A_243, %dot_general3A_244 {dimension_numbers = #tpu.dot_dimension_numbers<[1], [1], [0], [0], [0, 0, 1, 0], [], []>, transpose_lhs_hint = false} : vector<64x128xf32>, vector<3x128xf32>, vector<64x3xf32> -> vector<64x3xf32>
      %get3A_246 = arith.constant 0 : index
      %get3A_247 = arith.constant 0 : index
      %get3A_248 = vector.load %arg28[%get3A_246, %get3A_247] : memref<1x3xf32, #tpu.memory_space<vmem>>, vector<1x3xf32>
      %add3A_249 = vector.broadcast %get3A_248 : vector<1x3xf32> to vector<64x3xf32>
      %add3A_250 = arith.addf %dot_general3A_245, %add3A_249 : vector<64x3xf32>
      %swap3A_251 = arith.constant 0 : index
      %swap3A_252 = arith.constant 0 : index
      %swap3A_253 = vector.load %arg29[%swap3A_251, %swap3A_252] : memref<64x3xf32, #tpu.memory_space<vmem>>, vector<64x3xf32>
      tpu.vector_store %arg29[%swap3A_251, %swap3A_252], %add3A_250 {strides = array<i32>} : memref<64x3xf32, #tpu.memory_space<vmem>>, vector<64x3xf32>,
    } else {
    }
    return
  }
  func.func @transform_0(%arg0: i32) -> (i32, i32, i32) {
    %c0_i32 = arith.constant 0 : i32
    %c0_i32_0 = arith.constant 0 : i32
    %c0_i32_1 = arith.constant 0 : i32
    return %c0_i32, %arg0, %c0_i32_0 : i32, i32, i32
  }
  func.func @transform_1(%arg0: i32) -> (i32, i32, i32) {
    %c0_i32 = arith.constant 0 : i32
    %c0_i32_0 = arith.constant 0 : i32
    %c0_i32_1 = arith.constant 0 : i32
    return %c0_i32, %arg0, %c0_i32_0 : i32, i32, i32
  }
  func.func @transform_2(%arg0: i32) -> (i32, i32) {
    %c0_i32 = arith.constant 0 : i32
    %c0_i32_0 = arith.constant 0 : i32
    return %arg0, %c0_i32 : i32, i32
  }
  func.func @transform_3(%arg0: i32) -> (i32, i32) {
    %c0_i32 = arith.constant 0 : i32
    %c0_i32_0 = arith.constant 0 : i32
    return %arg0, %c0_i32 : i32, i32
  }
  func.func @transform_4(%arg0: i32) -> (i32, i32) {
    %c0_i32 = arith.constant 0 : i32
    %c0_i32_0 = arith.constant 0 : i32
    %c0_i32_1 = arith.constant 0 : i32
    return %c0_i32, %c0_i32_0 : i32, i32
  }
  func.func @transform_5(%arg0: i32) -> (i32, i32, i32) {
    %c0_i32 = arith.constant 0 : i32
    %c0_i32_0 = arith.constant 0 : i32
    %c0_i32_1 = arith.constant 0 : i32
    return %arg0, %c0_i32, %c0_i32_0 : i32, i32, i32
  }
  func.func @transform_6(%arg0: i32) -> (i32, i32) {
    %c0_i32 = arith.constant 0 : i32
    %c0_i32_0 = arith.constant 0 : i32
    %c0_i32_1 = arith.constant 0 : i32
    return %c0_i32, %c0_i32_0 : i32, i32
  }
  func.func @transform_7(%arg0: i32) -> (i32, i32) {
    %c0_i32 = arith.constant 0 : i32
    %c0_i32_0 = arith.constant 0 : i32
    %c0_i32_1 = arith.constant 0 : i32
    return %c0_i32, %c0_i32_0 : i32, i32
  }
  func.func @transform_8(%arg0: i32) -> (i32, i32) {
    %c0_i32 = arith.constant 0 : i32
    %c0_i32_0 = arith.constant 0 : i32
    %c0_i32_1 = arith.constant 0 : i32
    return %c0_i32, %c0_i32_0 : i32, i32
  }
  func.func @transform_9(%arg0: i32) -> (i32, i32) {
    %c0_i32 = arith.constant 0 : i32
    %c0_i32_0 = arith.constant 0 : i32
    %c0_i32_1 = arith.constant 0 : i32
    return %c0_i32, %c0_i32_0 : i32, i32
  }
  func.func @transform_10(%arg0: i32) -> (i32, i32) {
    %c0_i32 = arith.constant 0 : i32
    %c0_i32_0 = arith.constant 0 : i32
    %c0_i32_1 = arith.constant 0 : i32
    return %c0_i32, %c0_i32_0 : i32, i32
  }
  func.func @transform_11(%arg0: i32) -> (i32, i32) {
    %c0_i32 = arith.constant 0 : i32
    %c0_i32_0 = arith.constant 0 : i32
    %c0_i32_1 = arith.constant 0 : i32
    return %c0_i32, %c0_i32_0 : i32, i32
  }
  func.func @transform_12(%arg0: i32) -> (i32, i32) {
    %c0_i32 = arith.constant 0 : i32
    %c0_i32_0 = arith.constant 0 : i32
    %c0_i32_1 = arith.constant 0 : i32
    return %c0_i32, %c0_i32_0 : i32, i32
  }
  func.func @transform_13(%arg0: i32) -> (i32, i32) {
    %c0_i32 = arith.constant 0 : i32
    %c0_i32_0 = arith.constant 0 : i32
    %c0_i32_1 = arith.constant 0 : i32
    return %c0_i32, %c0_i32_0 : i32, i32
  }
  func.func @transform_14(%arg0: i32) -> (i32, i32) {
    %c0_i32 = arith.constant 0 : i32
    %c0_i32_0 = arith.constant 0 : i32
    %c0_i32_1 = arith.constant 0 : i32
    return %c0_i32, %c0_i32_0 : i32, i32
  }
  func.func @transform_15(%arg0: i32) -> (i32, i32) {
    %c0_i32 = arith.constant 0 : i32
    %c0_i32_0 = arith.constant 0 : i32
    %c0_i32_1 = arith.constant 0 : i32
    return %c0_i32, %c0_i32_0 : i32, i32
  }
  func.func @transform_16(%arg0: i32) -> (i32, i32) {
    %c0_i32 = arith.constant 0 : i32
    %c0_i32_0 = arith.constant 0 : i32
    %c0_i32_1 = arith.constant 0 : i32
    return %c0_i32, %c0_i32_0 : i32, i32
  }
  func.func @transform_17(%arg0: i32) -> (i32, i32) {
    %c0_i32 = arith.constant 0 : i32
    %c0_i32_0 = arith.constant 0 : i32
    %c0_i32_1 = arith.constant 0 : i32
    return %c0_i32, %c0_i32_0 : i32, i32
  }
  func.func @transform_18(%arg0: i32) -> (i32, i32) {
    %c0_i32 = arith.constant 0 : i32
    %c0_i32_0 = arith.constant 0 : i32
    %c0_i32_1 = arith.constant 0 : i32
    return %c0_i32, %c0_i32_0 : i32, i32
  }
  func.func @transform_19(%arg0: i32) -> (i32, i32) {
    %c0_i32 = arith.constant 0 : i32
    %c0_i32_0 = arith.constant 0 : i32
    %c0_i32_1 = arith.constant 0 : i32
    return %c0_i32, %c0_i32_0 : i32, i32
  }
  func.func @transform_20(%arg0: i32) -> (i32, i32) {
    %c0_i32 = arith.constant 0 : i32
    %c0_i32_0 = arith.constant 0 : i32
    %c0_i32_1 = arith.constant 0 : i32
    return %c0_i32, %c0_i32_0 : i32, i32
  }
  func.func @transform_21(%arg0: i32) -> (i32, i32) {
    %c0_i32 = arith.constant 0 : i32
    %c0_i32_0 = arith.constant 0 : i32
    %c0_i32_1 = arith.constant 0 : i32
    return %c0_i32, %c0_i32_0 : i32, i32
  }
  func.func @transform_22(%arg0: i32) -> (i32, i32) {
    %c0_i32 = arith.constant 0 : i32
    %c0_i32_0 = arith.constant 0 : i32
    %c0_i32_1 = arith.constant 0 : i32
    return %c0_i32, %c0_i32_0 : i32, i32
  }
  func.func @transform_23(%arg0: i32) -> (i32, i32) {
    %c0_i32 = arith.constant 0 : i32
    %c0_i32_0 = arith.constant 0 : i32
    %c0_i32_1 = arith.constant 0 : i32
    return %c0_i32, %c0_i32_0 : i32, i32
  }
  func.func @transform_24(%arg0: i32) -> (i32, i32) {
    %c0_i32 = arith.constant 0 : i32
    %c0_i32_0 = arith.constant 0 : i32
    %c0_i32_1 = arith.constant 0 : i32
    return %c0_i32, %c0_i32_0 : i32, i32
  }
  func.func @transform_25(%arg0: i32) -> (i32, i32) {
    %c0_i32 = arith.constant 0 : i32
    %c0_i32_0 = arith.constant 0 : i32
    %c0_i32_1 = arith.constant 0 : i32
    return %c0_i32, %c0_i32_0 : i32, i32
  }
  func.func @transform_26(%arg0: i32) -> (i32, i32) {
    %c0_i32 = arith.constant 0 : i32
    %c0_i32_0 = arith.constant 0 : i32
    %c0_i32_1 = arith.constant 0 : i32
    return %c0_i32, %c0_i32_0 : i32, i32
  }
  func.func @transform_27(%arg0: i32) -> (i32, i32) {
    %c0_i32 = arith.constant 0 : i32
    %c0_i32_0 = arith.constant 0 : i32
    %c0_i32_1 = arith.constant 0 : i32
    return %c0_i32, %c0_i32_0 : i32, i32
  }
  func.func @transform_28(%arg0: i32) -> (i32, i32) {
    %c0_i32 = arith.constant 0 : i32
    %c0_i32_0 = arith.constant 0 : i32
    %c0_i32_1 = arith.constant 0 : i32
    return %c0_i32, %c0_i32_0 : i32, i32
  }
}

</mosaic_0001>

<sc_bundles>
// kernel: kernel.11.cloned.1.call-start
scs
__scs_entry_jumppad:
0x0: {  	(pc) =	sbr.rel $0x88, $3  }
0x1: {  	(tag) =	ssettag $0x0;
	lr =	simm.s32 $0x1  }
0x2: {  	[smem:$0x3F84] =	sst lr;
	_ =	strace $0xD0000000  }
0x3: {  	_ = 	snop  }
0x4: {  	_ = 	snop  }
0x5: {  	_ = 	snop  }
0x6: {  	_ = 	snop  }
0x7: {  	_ = 	snop  }
__scs_overlays_trampoline_lowered:
0x8: {  	[smem:$0x3F93] =	sst s0  }
0x9: {  	[smem:$0x3F94] =	sst s1  }
0xa: {  	[smem:$0x3F95] =	sst s2  }
0xb: {  	[smem:$0x3F96] =	sst s3  }
0xc: {  	[smem:$0x3F97] =	sst s4  }
0xd: {  	[smem:$0x3F98] =	sst s5  }
0xe: {  	[smem:$0x3F99] =	sst s6  }
0xf: {  	[smem:$0x3F9A] =	sst s7  }
0x10: {  	[smem:$0x3F9B] =	sst s8  }
0x11: {  	[smem:$0x3F9C] =	sst s9;
	s0 =	simm.s32 @!p0 $0x0  }
0x12: {  	s1 =	sld [smem:$0x3F82];
	s0 =	simm.s32 @p0 $0x1  }
0x13: {  	[smem:$0x3F9D] =	sst s0;
	s0 =	simm.s32 @!p1 $0x0  }
0x14: {  	s2 =	sld [smem:$0x3F81];
	s0 =	simm.s32 @p1 $0x1  }
0x15: {  	[smem:$0x3F9E] =	sst s0;
	s0 =	simm.s32 @!p2 $0x0  }
0x16: {  	s3 =	sld [smem:$0x3FDB];
	s0 =	simm.s32 @p2 $0x1  }
0x17: {  	s4 =	simm.s32 $0x1BF5;
	[smem:$0x3FA0] =	sst s0  }
0x18: {  	s0 =	sld [smem:$0x3F83];
	_ =	swait.ge [sflag:s4], $0x0  }
0x19: {  	s7 =	sld [smem:$0x3F84]  }
0x1a: {  	s8 =	sadd.s32 $0xFFFFE003, lr  }
0x1b: {  	s9 =	sadd.s32 $0xFFFFFEF7, lr;
	s5 =	simm.s32 $0xFFFFFFFF;
	p2 =	slt.u32 s8, $0xFFFFF086  }
0x1c: {  	p1 =	slt.u32 s9, $0xF7A;
	s5 =	simm.s32 @!p2 $0x0  }
0x1d: {  	s5 =	simm.s32 @p1 $0x1;
	p0 =	seq.s32 s7, s2  }
0x1e: {  	s7 =	smul.u32 @!p0 $0xF7A, s2;
	p2 =	seq.s32 @!p0 s5, $0x0  }
0x1f: {  	s9 =	smul.u32 $0xF7A, s1;
	s8 =	simm.s32 @!p0 $0x1BF5;
	p2 =	por !p2, p0  }
0x20: {  	[sflag:s8] =	ssyncset.s32 @!p0 $0xFFFFF086;
	s6 =	sadd.s32 @!p0 s3, s7;
	s7 =	simm.s32 @!p0 $0x108  }
0x21: {  	s3 =	sadd.s32 s3, s9;
	s6 =	sadd.s32 @!p0 $0x88, s6;
	s7 =	simm.s32 @p2 $0x1082  }
0x22: {  	[simem:s7], [sflag:s8] =	dma.local @!p0 [hbm:s6], $0xF7A  }
0x23: {  	s9 =	sor.u32 $0xD0000000, s2;
	s6 =	simm.s32 $0x108;
	_ =	swait.ge @!p0 [sflag:s8], $0x0  }
0x24: {  	s3 =	sadd.s32 $0x88, s3;
	s6 =	simm.s32 @!p1 $0x1082;
	[sflag:s4] =	ssyncset.s32 $0xFFFFF086  }
0x25: {  	[simem:s6], [sflag:s4] =	dma.local [hbm:s3], $0xF7A  }
0x26: {  	[smem:$0x3F84] =	sst s1;
	(tag) =	ssettag s2;
	_ =	strace s9  }
0x27: {  	s1 =	sld [smem:$0x3F94]  }
0x28: {  	s2 =	sld [smem:$0x3F95]  }
0x29: {  	s4 =	sld [smem:$0x3F97]  }
0x2a: {  	p0 =	seq.s32 s5, $0x0;
	s5 =	sld [smem:$0x3F98]  }
0x2b: {  	s6 =	sld [smem:$0x3F99]  }
0x2c: {  	s7 =	sld [smem:$0x3F9A]  }
0x2d: {  	s3 =	simm.s32 $0x108;
	s8 =	sld [smem:$0x3F9B]  }
0x2e: {  	s3 =	simm.s32 @!p0 $0x1082;
	s9 =	sld [smem:$0x3F9C]  }
0x2f: {  	lr =	sadd.s32 s0, s3;
	s0 =	sld [smem:$0x3F93]  }
0x30: {  	s3 =	sld [smem:$0x3F96]  }
0x31: {  	[smem:$0x3F9F] =	sst s10  }
0x32: {  	s10 =	sld [smem:$0x3F9D];
	_ =	sdelay $0x3  }
0x33: {  	p0 =	seq.s32 s10, $0x1;
	s10 =	sld [smem:$0x3F9F];
	_ =	sdelay $0x3  }
0x34: {  	[smem:$0x3F9F] =	sst s10  }
0x35: {  	s10 =	sld [smem:$0x3F9E];
	_ =	sdelay $0x3  }
0x36: {  	p1 =	seq.s32 s10, $0x1;
	s10 =	sld [smem:$0x3F9F];
	_ =	sdelay $0x3  }
0x37: {  	[smem:$0x3F9F] =	sst s10  }
0x38: {  	s10 =	sld [smem:$0x3FA0]  }
0x39: {  	_ = 	snop;
	(pc) =	sbr.ind lr, $3  }
0x3a: {  	_ = 	snop  }
0x3b: {  	_ = 	snop  }
0x3c: {  	p2 =	seq.s32 s10, $0x1;
	s10 =	sld [smem:$0x3F9F]  }
0x3d: {  	_ =	shalt  }
0x3e: {  	_ =	shalt  }
0x3f: {  	_ =	shalt  }
0x40: {  	_ =	shalt  }
0x41: {  	_ =	shalt  }
0x42: {  	_ =	shalt  }
0x43: {  	_ =	shalt  }
0x44: {  	_ =	shalt  }
0x45: {  	_ =	shalt  }
0x46: {  	_ =	shalt  }
0x47: {  	_ =	shalt  }
0x48: {  	_ =	shalt  }
0x49: {  	_ =	shalt  }
0x4a: {  	_ =	shalt  }
0x4b: {  	_ =	shalt  }
0x4c: {  	_ =	shalt  }
0x4d: {  	_ =	shalt  }
0x4e: {  	_ =	shalt  }
0x4f: {  	_ =	shalt  }
0x50: {  	_ =	shalt  }
0x51: {  	_ =	shalt  }
0x52: {  	_ =	shalt  }
0x53: {  	_ =	shalt  }
0x54: {  	_ =	shalt  }
0x55: {  	_ =	shalt  }
0x56: {  	_ =	shalt  }
0x57: {  	_ =	shalt  }
0x58: {  	_ =	shalt  }
0x59: {  	_ =	shalt  }
0x5a: {  	_ =	shalt  }
0x5b: {  	_ =	shalt  }
0x5c: {  	_ =	shalt  }
0x5d: {  	_ =	shalt  }
0x5e: {  	_ =	shalt  }
0x5f: {  	_ =	shalt  }
0x60: {  	_ =	shalt  }
0x61: {  	_ =	shalt  }
0x62: {  	_ =	shalt  }
0x63: {  	_ =	shalt  }
0x64: {  	_ =	shalt  }
0x65: {  	_ =	shalt  }
0x66: {  	_ =	shalt  }
0x67: {  	_ =	shalt  }
0x68: {  	_ =	shalt  }
0x69: {  	_ =	shalt  }
0x6a: {  	_ =	shalt  }
0x6b: {  	_ =	shalt  }
0x6c: {  	_ =	shalt  }
0x6d: {  	_ =	shalt  }
0x6e: {  	_ =	shalt  }
0x6f: {  	_ =	shalt  }
0x70: {  	_ =	shalt  }
0x71: {  	_ =	shalt  }
0x72: {  	_ =	shalt  }
0x73: {  	_ =	shalt  }
0x74: {  	_ =	shalt  }
0x75: {  	_ =	shalt  }
0x76: {  	_ =	shalt  }
0x77: {  	_ =	shalt  }
0x78: {  	_ =	shalt  }
0x79: {  	_ =	shalt  }
0x7a: {  	_ =	shalt  }
0x7b: {  	_ =	shalt  }
0x7c: {  	_ =	shalt  }
0x7d: {  	_ =	shalt  }
0x7e: {  	_ =	shalt  }
0x7f: {  	_ =	shalt  }
0x80: {  	_ =	shalt  }
0x81: {  	_ =	shalt  }
0x82: {  	_ =	shalt  }
0x83: {  	_ =	shalt  }
0x84: {  	_ =	shalt  }
0x85: {  	_ =	shalt  }
0x86: {  	_ =	shalt  }
0x87: {  	_ =	shalt  }
.Lfunc_end0:
.L_simem_size_0:
called_computation.1_lowered:
.L_overlay_start_0:
0x88: {  	s2 =	sld [smem:$0x3FD9]  }
0x89: {  	s3 =	sld [smem:$0x3FFE];
	_ =	sdelay $0x1  }
0x8a: {  	s1 =	srdreg.scid  }
0x8b: {  	s0 =	sand.u32 $0x1, s1  }
0x8c: {  	s16 =	sshll.u32 s0, $0xA;
	s2 =	sadd.s32 s3, s2  }
0x8d: {  	s2 =	sadd.s32 s2, s16  }
0x8e: {  	[smem:$0x3FAB] =	sst s2  }
0x8f: {  	_ = 	snop  }
0x90: {  	(tm) =	ssettm $0x1  }
0x91: {  	s17 =	sld [smem:$0x3FFB];
	_ =	sdelay $0x3  }
0x92: {  	_ =	strace s17  }
0x93: {  	s2 =	sld [smem:$0x3FFC];
	_ =	sdelay $0x3  }
0x94: {  	_ =	strace s2  }
0x95: {  	s2 =	sld [smem:$0x3FFD];
	_ =	sdelay $0x3  }
0x96: {  	_ =	strace s2  }
0x97: {  	_ =	strace $0x8FFFFFFF  }
0x98: {  	s18 =	sld [smem:$0x3FDB];
	_ =	sdelay $0x1  }
0x99: {  	s19 =	simm.s32 $_scs_section_size  }
0x9a: {  	s4 =	simm.s32 $_size__tile_overlayer_lowered;
	s5 =	simm.s32 $_tile_overlayer_lowered  }
0x9b: {  	s22 =	simm.s32 $0x1BFF;
	s21 =	sshll.u32 s5, $0x1;
	s2 =	sadd.s32 s19, s18  }
0x9c: {  	s6 =	simm.s32 $0x0;
	s20 =	sshll.u32 s4, $0x1;
	s4 =	sadd.s32 s21, s2  }
0x9d: {  	[timem:s6], [sflag:s22] =	dma.local [hbm:s4], s20  }
0x9e: {  	_ =	swait.ge [sflag:s22], s20  }
0x9f: {  	s3 =	ssub.s32 $0x0, s20;
	[sflag:s22] =	ssyncset.done $0x0  }
0xa0: {  	[sflag:s22] =	ssyncadd.s32 s3;
	_ =	sdelay $0x1  }
0xa1: {  	s23 =	simm.s32 $0x1B8B  }
0xa2: {  	_ =	swait.ge [sflag:s23], $0x1  }
0xa3: {  	[sflag:s23] =	ssyncset.done $0x0  }
0xa4: {  	s25 =	simm.s32 $0x1B8E;
	s24 =	sld [smem:$0x3FFE];
	[sflag:s23] =	ssyncadd.s32 $0xFFFFFFFF  }
0xa5: {  	s26 =	simm.s32 $execute0_lowered;
	[smem:$0x3FD2] =	sst s25  }
0xa6: {  	s4 =	sshll.u32 s26, $0x1;
	_ =	strace $0x80000049;
	[dreg:$0x1] =	wrdreg $0xFFFFFFFF  }
0xa7: {  	s28 =	simm.s32 $_size_execute0_lowered;
	s2 =	sadd.s32 s2, s4;
	[dreg:$0x0] =	wrdreg $0x0  }
0xa8: {  	s4 =	sshll.u32 s28, $0x1;
	[dreg:$0x2] =	wrdreg s2  }
0xa9: {  	[dreg:$0x3] =	wrdreg s4  }
0xaa: {  	[dreg:$0x4] =	wrdreg $0xC0  }
0xab: {  	_ =	task [dreg:s6], $0x5FFFF  }
0xac: {  	[dreg:$0x1] =	wrdreg $0xFFFFFFFF  }
0xad: {  	[dreg:$0x0] =	wrdreg $0x60  }
0xae: {  	[dreg:$0x2] =	wrdreg s24  }
0xaf: {  	[dreg:$0x3] =	wrdreg $0x83000  }
0xb0: {  	[dreg:$0x4] =	wrdreg $0x9  }
0xb1: {  	_ =	task.clear_ibuf [dreg:s6], $0x5FFFF;
	_ =	strace $0x90000049  }
0xb2: {  	s29 =	simm.s32 $0x9;
	_ =	strace $0x8000004B  }
0xb3: {  	_ =	swait.ge [sflag:s29], $0x1  }
0xb4: {  	[sflag:s29] =	ssyncadd.s32 $0xFFFFFFFF  }
0xb5: {  	_ =	strace $0x9000004B  }
0xb6: {  	_ =	sfence  }
0xb7: {  	s30 =	sld [smem:$0x0];
	_ =	sdelay $0x2  }
0xb8: {  	s31 =	sshll.u32 s1, $0xD;
	s1 =	sshrl.u32 s1, $0x2  }
0xb9: {  	s3 =	sand.u32 $0x4000, s31;
	s1 =	sadd.s32 s1, s30  }
0xba: {  	s0 =	sor.u32 s3, s0;
	s1 =	sshll.u32 s1, $0x11  }
0xbb: {  	s0 =	sor.u32 s1, s0  }
0xbc: {  	s0 =	sadd.s32 $0x8F2B, s0  }
0xbd: {  	[sflag:s0] =	ssyncadd.remote.s32 $0x1  }
0xbe: {  	_ =	sfence.sel $0xFFFF  }
0xbf: {  	[dreg:$0x0] =	wrdreg $0xFFFFFFFF;
	(pc) =	sbr.abs _section_cstart, $3  }
0xc0: {  	[dreg:$0x1] =	wrdreg $0xFFFFFFFF  }
0xc1: {  	_ =	task.clear_ibuf [dreg:s6], $0x2FFFF;
	_ =	strace $0x9FFFFFFF  }
0xc2: {  	(tm) =	ssettm $0x7FFFFFFF  }
0xc3: {  	_ =	shalt  }
tec
execute0_lowered:
.L_overlay_start_1:
0x0: {  	(tag) =	ssettag $0x1  }
0x1: {  	s8 =	stileid.u32  }
0x2: {  	s0 =	rddreg [dreg:$0x0];
	s3 =	smul.u32 $0xC6, s8  }
0x3: {  	s1 =	srdreg.scid;
	s4 =	smul.u32 $0x74, s8  }
0x4: {  	s2 =	rddreg [dreg:$0x1];
	s6 =	simm.s32 $0x0;
	s16 =	smul.u32 $0x14000, s8  }
0x5: {  	s1 =	sand.u32 $0x1, s1;
	[smem:$0x7FF] =	sst s6;
	s19 =	smul.u32 $0x50000, s8  }
0x6: {  	s31 =	simm.s32 $0x80;
	s5 =	smul.u32 $0x140000, s1;
	_ =	strace $0x8000004A  }
0x7: {  	p0 =	seq.s32 s1, $0x0;
	s1 =	ssub.s32 $0x2, s1;
	[dreg:$0x3] =	wrdreg s31  }
0x8: {  	s7 =	sadd.s32 $0xC60, s4;
	s4 =	sadd.s32 $0x91800, s0;
	s6 =	sshrl.u32 s19, $0x2  }
0x9: {  	s20 =	sshrl.u32 s1, $0x1;
	s7 =	smov.u32 @p0 s3;
	s6 =	sadd.s32 s6, s2  }
0xa: {  	s17 =	sadd.s32 s16, s5;
	s21 =	sadd.s32 $0x4000, s6;
	[dreg:$0x5] =	wrdreg s6  }
0xb: {  	s5 =	simm.s32 $0xC6;
	s22 =	sadd.s32 $0x8000, s6;
	[dreg:$0x6] =	wrdreg s21  }
0xc: {  	s1 =	ssub.s32 s1, s20;
	s23 =	sadd.s32 $0xC000, s6;
	[dreg:$0x7] =	wrdreg s22  }
0xd: {  	s18 =	sshll.u32 s7, $0x5;
	s24 =	sadd.s32 $0x10000, s6;
	[dreg:$0x8] =	wrdreg s23  }
0xe: {  	s5 =	simm.s32 @!p0 $0x74;
	s28 =	smax.u32 s1, $0x1;
	[dreg:$0x9] =	wrdreg s24  }
0xf: {  	s7 =	sadd.s32 s18, s0;
	[dreg:$0xd] =	wrdreg s28;
	s29 =	ssub.s32 $0x0, s5  }
0x10: {  	s3 =	sshrl.u32 s17, $0x3;
	s25 =	sadd.s32 $0x6A400, s7;
	[dreg:$0x4] =	wrdreg s29  }
0x11: {  	s0 =	sadd.s32 s3, s0;
	s26 =	sadd.s32 $0x6A420, s7;
	[dreg:$0xa] =	wrdreg s25  }
0x12: {  	s0 =	sadd.s32 $0xB8A00, s0;
	[dreg:$0xb] =	wrdreg s26  }
0x13: {  	s16 =	simm.s32 $0x300;
	s30 =	sadd.s32 $0x6A440, s7;
	[dreg:$0xc] =	wrdreg s0  }
0x14: {  	v0 =	vimm.f32 $0.0e+00;
	s20 =	simm.s32 $0x0;
	s17 =	simm.s32 $0x8;
	[dreg:$0xe] =	wrdreg s30  }
.LBB2_1:
0x15: {  	s0 =	simm.s32 $0x0  }
0x16: {  	s1 =	sand.u32 $0xFFFFFF80, s0  }
0x17: {  	s1 =	ssub.s32 $0x0, s1  }
0x18: {  	s3 =	simm.s32 $0x0;
	s0 =	sand.u32 $0x3FFFFF80, s0;
	s1 =	sand.u32 $0xFFFFFF80, s1  }
0x19: {  	s7 =	sand.u32 $0x70, s3;
	s1 =	sadd.s32 s1, s0  }
0x1a: {  	s0 =	simm.s32 $0x1;
	s7 =	sor.u32 s7, s1;
	s1 =	simm.s32 $0x0  }
.LBB2_2:
0x1b: {  	s8 =	sshll.u32 s0, $0x4;
	p0 =	sne.s32 s0, $0x3FF;
	s0 =	sadd.s32 $0x1, s0;
	[tilespmem:s7+$0x300] =	vst v0  }
.Ltmp0:
0x1c: {  	s1 =	sadd.s32 $0x10, s1;
	s7 =	sand.u32 $0xFFFFFF80, s8;
	(pc) =	sbr.rel @p0 .LBB2_2-.Ltmp0, $4  }
0x1d: {  	s7 =	ssub.s32 s1, s7  }
0x1e: {  	s8 =	sand.u32 $0x3FFFFF80, s8;
	s7 =	sand.u32 $0xFFFFFF80, s7  }
0x1f: {  	s9 =	sand.u32 $0x70, s1;
	s7 =	sadd.s32 s7, s8  }
0x20: {  	s7 =	sor.u32 s9, s7  }
0x21: {  	[tilespmem:s7+$0x300] =	vst v0  }
0x22: {  	[spmem:s6] =	stream.linear.scatter [tilespmem:s16], [sflag:$0x8], $0x4000, $0x38;
	[tilespmem:$0x1C300] =	vst v63  }
0x23: {  	_ =	swait.ge [sflag:s17], $0x4000  }
0x24: {  	[sflag:s17] =	ssyncset.done $0x0  }
0x25: {  	s0 =	rddreg [dreg:$0x6];
	[sflag:s17] =	ssyncadd.s32 $0xFFFFC000  }
0x26: {  	[spmem:s0] =	stream.linear.scatter [tilespmem:s16], [sflag:$0x8], $0x4000, $0x38;
	[tilespmem:$0x1C300] =	vst v63  }
0x27: {  	_ =	swait.ge [sflag:s17], $0x4000  }
0x28: {  	[sflag:s17] =	ssyncset.done $0x0  }
0x29: {  	s3 =	rddreg [dreg:$0x7];
	[sflag:s17] =	ssyncadd.s32 $0xFFFFC000  }
0x2a: {  	[spmem:s3] =	stream.linear.scatter [tilespmem:s16], [sflag:$0x8], $0x4000, $0x38;
	[tilespmem:$0x1C300] =	vst v63  }
0x2b: {  	_ =	swait.ge [sflag:s17], $0x4000  }
0x2c: {  	[sflag:s17] =	ssyncset.done $0x0  }
0x2d: {  	s6 =	rddreg [dreg:$0x8];
	[sflag:s17] =	ssyncadd.s32 $0xFFFFC000  }
0x2e: {  	[spmem:s6] =	stream.linear.scatter [tilespmem:s16], [sflag:$0x8], $0x4000, $0x38;
	[tilespmem:$0x1C300] =	vst v63  }
0x2f: {  	_ =	swait.ge [sflag:s17], $0x4000  }
0x30: {  	[sflag:s17] =	ssyncset.done $0x0  }
0x31: {  	s7 =	rddreg [dreg:$0x9];
	[sflag:s17] =	ssyncadd.s32 $0xFFFFC000  }
0x32: {  	[spmem:s7] =	stream.linear.scatter [tilespmem:s16], [sflag:$0x8], $0x4000, $0x38;
	[tilespmem:$0x1C300] =	vst v63  }
0x33: {  	_ =	swait.ge [sflag:s17], $0x4000  }
0x34: {  	[sflag:s17] =	ssyncset.done $0x0  }
0x35: {  	[sflag:s17] =	ssyncadd.s32 $0xFFFFC000  }
0x36: {  	s8 =	simm.s32 $0x0;
	s9 =	simm.s32 $0x80;
	[bflag:$0x0] =	sbarrier.arrive $0xFFFF  }
0x37: {  	s10 =	simm.s32 $0x100;
	s21 =	simm.s32 $0x7;
	s1 =	rddreg [dreg:$0xa]  }
0x38: {  	[tilespmem:s8], [sflag:$0x8] =	stream.linear.gather [hbm4b:s1+s8], $0x100, $0x38;
	[tilespmem:$0x1C300] =	vst v63  }
0x39: {  	s11 =	simm.s32 $0x2;
	s29 =	simm.s32 $0x200;
	_ =	swait.ge [sflag:s17], $0x100  }
0x3a: {  	s12 =	simm.s32 $0x1;
	s22 =	simm.s32 $0x200;
	[sflag:s17] =	ssyncset.done $0x0  }
0x3b: {  	s23 =	simm.s32 $0x180;
	s24 =	simm.s32 $0x1;
	[sflag:s17] =	ssyncadd.s32 $0xFFFFFF00  }
0x3c: {  	[tilespmem:s16], [sflag:$0x1] =	stream.indirect.gather [hbm4b:s4+s9], $0x80, s8, s9, $0xb8;
	[tilespmem:$0x1C300] =	vst v63  }
0x3d: {  	s25 =	simm.s32 $0x300;
	s7 =	smulhi.u32 $0xAAAAAAAB, s12;
	s3 =	rddreg [dreg:$0xb]  }
0x3e: {  	[tilespmem:s10], [sflag:$0x6] =	stream.linear.gather [hbm4b:s3+s8], $0x100, $0x38;
	[tilespmem:$0x1C300] =	vst v63  }
0x3f: {  	s26 =	simm.s32 $0x7;
	s0 =	smulhi.u32 $0xAAAAAAAB, s8;
	s8 =	simm.s32 $0x0  }
0x40: {  	p1 =	sle.u32 s5, $0x1;
	s7 =	sshrl.u32 s7, $0x1;
	s31 =	sand.u32 $0x1, s8  }
0x41: {  	p2 =	por @!p1 $0x1, $0x1;
	s13 =	smul.u32 $0xFFFFFFF4, s7;
	s9 =	sadd.s32 $0x1, s31  }
0x42: {  	p2 =	por p2, p1;
	s0 =	sshrl.u32 s0, $0x1;
	_ =	swait.ge [sflag:s9], $0x4000  }
0x43: {  	s7 =	smul.u32 $0xFFFFF400, s7;
	s8 =	sshra.s32 s13, $0x2;
	[sflag:s9] =	ssyncset.done $0x0  }
0x44: {  	s1 =	smulhi.u32 $0xAAAAAAAB, s11;
	s8 =	sadd.s32 $0x6, s8;
	[sflag:s9] =	ssyncadd.s32 $0xFFFFC000  }
0x45: {  	s11 =	smul.u32 $0xFFFFF400, s0;
	s0 =	sxor.u32 $0x1, s31;
	_ =	swait.ge @!p1 [sflag:s8], $0x100  }
0x46: {  	s7 =	sshra.s32 s7, $0x2;
	s10 =	sadd.s32 @!p1 $0x1, s0;
	[sflag:s8] =	ssyncset.done @!p1 $0x0  }
0x47: {  	s9 =	sshll.u32 @!p1 s0, $0xE;
	s0 =	sadd.s32 @!p2 $0x3, s0;
	[sflag:s8] =	ssyncadd.s32 @!p1 $0xFFFFFF00  }
0x48: {  	s1 =	sshrl.u32 s1, $0x1;
	s8 =	sor.u32 @!p1 $0x300, s9;
	_ =	swait.ge @!p2 [sflag:s0], $0x4000  }
0x49: {  	s9 =	simm.s32 @!p1 $0x80;
	[sflag:s0] =	ssyncset.done @!p2 $0x0;
	s15 =	rddreg [dreg:$0x4]  }
0x4a: {  	[sflag:s0] =	ssyncadd.s32 @!p2 $0xFFFFC000;
	s0 =	sadd.s32 $0x100, s7;
	s19 =	sadd.s32 $0x3, s15  }
0x4b: {  	[tilespmem:s8], [sflag:s10] =	stream.indirect.gather @!p1 [hbm4b:s4+s9], $0x80, s0, s9, $0xb8;
	[tilespmem:$0x1C300] =	vst v63  }
0x4c: {  	s28 =	simm.s32 $0x2;
	s12 =	smul.u32 $0xFFFFFFF4, s1;
	p1 =	sne.s32 s19, $0x2  }
.Ltmp1:
0x4d: {  	p0 =	sle.u32 s5, $0x2;
	s30 =	simm.s32 $0x3;
	(pc) =	sbr.rel @!p1 .LBB2_5-.Ltmp1, $4  }
0x4e: {  	s11 =	sshra.s32 s11, $0x2;
	s1 =	smul.u32 $0xFFFFF400, s1;
	s14 =	sshll.u32 s31, $0xE  }
0x4f: {  	s11 =	sadd.s32 $0x80, s11;
	s18 =	sshra.s32 s12, $0x2;
	s12 =	sor.u32 $0x300, s14  }
0x50: {  	s0 =	simm.s32 @!p0 $0x0;
	s8 =	sshra.s32 s1, $0x2;
	s1 =	rddreg [dreg:$0xe]  }
0x51: {  	s9 =	rddreg [dreg:$0x3];
	s10 =	sadd.s32 $0x7, s18;
	s15 =	smov.u32 s1  }
.LBB2_4:
0x52: {  	s29 =	sadd.s32 s8, s29  }
0x53: {  	s15 =	sadd.s32 $0x20, s15;
	s21 =	sadd.s32 $0x1, s21;
	s8 =	smov.u32 s22  }
0x54: {  	s7 =	smov.u32 s23;
	s13 =	smov.u32 s24;
	s14 =	sadd.s32 $0x3, s31  }
0x55: {  	s18 =	smov.u32 s28;
	s22 =	sadd.s32 $0x100, s22;
	s23 =	sadd.s32 $0x100, s23  }
0x56: {  	[tilespmem:s29], [sflag:s10] =	stream.linear.gather @!p0 [hbm4b:s1+s0], $0x100, $0x38;
	[tilespmem:$0x1C300] =	vst v63  }
0x57: {  	s24 =	sadd.s32 $0x1, s24;
	s10 =	smov.u32 s30;
	s19 =	smulhi.u32 $0xAAAAAAAB, s13  }
0x58: {  	s30 =	sadd.s32 $0x1, s30;
	s3 =	smulhi.u32 $0xAAAAAAAB, s18;
	p0 =	sge.u32 s10, s5  }
0x59: {  	[spmem:s2] =	stream.indirect.scatter.add.f32 [tilespmem:s12], [sflag:s14], $0x80, s11, s9, $0xb8;
	[tilespmem:$0x1C300] =	vst v63  }
0x5a: {  	s6 =	sadd.s32 $0xFFFFFFFF, s10;
	s31 =	sadd.s32 $0xFFFFFFFE, s10;
	s9 =	smov.u32 s26  }
0x5b: {  	s14 =	smulhi.u32 $0xAAAAAAAB, s10;
	s12 =	sshrl.u32 s3, $0x1;
	s31 =	sand.u32 $0x1, s31  }
0x5c: {  	s11 =	sshrl.u32 s19, $0x1;
	s18 =	smul.u32 $0xFFFFFFF4, s12;
	s3 =	sadd.s32 $0x1, s31  }
0x5d: {  	p1 =	sge.u32 s6, s5;
	s11 =	smul.u32 $0xFFFFF400, s11;
	_ =	swait.ge [sflag:s3], $0x4000  }
0x5e: {  	s12 =	smul.u32 $0xFFFFF400, s12;
	s6 =	sshra.s32 s18, $0x2;
	[sflag:s3] =	ssyncset.done $0x0  }
0x5f: {  	p2 =	seq.s32 @!p1 s10, $0x2;
	s9 =	sadd.s32 s6, s9;
	[sflag:s3] =	ssyncadd.s32 $0xFFFFC000  }
0x60: {  	s19 =	sxor.u32 $0x1, s31;
	p2 =	por p2, p1;
	_ =	swait.ge @!p1 [sflag:s9], $0x100  }
0x61: {  	s14 =	sshrl.u32 s14, $0x1;
	s10 =	sshra.s32 s12, $0x2;
	[sflag:s9] =	ssyncset.done @!p1 $0x0  }
0x62: {  	s12 =	sadd.s32 @!p1 $0x1, s19;
	[sflag:s9] =	ssyncadd.s32 @!p1 $0xFFFFFF00;
	s9 =	sadd.s32 @!p2 $0x3, s19  }
0x63: {  	s18 =	simm.s32 @!p1 $0x80;
	s3 =	sshll.u32 @!p1 s19, $0xE;
	_ =	swait.ge @!p2 [sflag:s9], $0x4000  }
0x64: {  	s8 =	sadd.s32 s10, s8;
	[sflag:s9] =	ssyncset.done @!p2 $0x0;
	s6 =	rddreg [dreg:$0x4]  }
0x65: {  	s3 =	sor.u32 @!p1 $0x300, s3;
	[sflag:s9] =	ssyncadd.s32 @!p2 $0xFFFFC000;
	s6 =	sadd.s32 s30, s6  }
0x66: {  	[tilespmem:s3], [sflag:s12] =	stream.indirect.gather @!p1 [hbm4b:s4+s18], $0x80, s8, s18, $0xb8;
	[tilespmem:$0x1C300] =	vst v63  }
0x67: {  	s28 =	sadd.s32 $0x1, s28;
	s19 =	smul.u32 $0xFFFFFFF4, s14;
	p1 =	sne.s32 s6, $0x2  }
.Ltmp2:
0x68: {  	s1 =	smov.u32 s15;
	s29 =	smov.u32 s25;
	(pc) =	sbr.rel @p1 .LBB2_4-.Ltmp2, $4  }
0x69: {  	s25 =	sadd.s32 $0x100, s25;
	s26 =	sadd.s32 $0x1, s26;
	s14 =	smul.u32 $0xFFFFF400, s14  }
0x6a: {  	s0 =	simm.s32 @!p0 $0x0;
	s13 =	sshll.u32 s31, $0xE;
	s9 =	rddreg [dreg:$0x3]  }
0x6b: {  	s18 =	sshra.s32 s19, $0x2;
	s8 =	sshra.s32 s14, $0x2;
	s19 =	sshra.s32 s11, $0x2  }
0x6c: {  	s12 =	sor.u32 $0x300, s13;
	s10 =	sadd.s32 s18, s21;
	s11 =	sadd.s32 s19, s7  }
.LBB2_5:
0x6d: {  	s3 =	sadd.s32 s8, s29  }
0x6e: {  	[tilespmem:s3], [sflag:s10] =	stream.linear.gather @!p0 [hbm4b:s1+s0], $0x100, $0x38;
	[tilespmem:$0x1C300] =	vst v63  }
0x6f: {  	s24 =	sadd.s32 $0x3, s31;
	s25 =	simm.s32 $0x3  }
0x70: {  	[spmem:s2] =	stream.indirect.scatter.add.f32 [tilespmem:s12], [sflag:s24], $0x80, s11, s9, $0xb8;
	[tilespmem:$0x1C300] =	vst v63  }
0x71: {  	_ =	swait.ge [sflag:s25], $0x4000  }
0x72: {  	[sflag:s25] =	ssyncset.done $0x0  }
0x73: {  	s26 =	simm.s32 $0x4;
	[sflag:s25] =	ssyncadd.s32 $0xFFFFC000  }
0x74: {  	_ =	swait.ge [sflag:s26], $0x4000  }
0x75: {  	[sflag:s26] =	ssyncset.done $0x0  }
0x76: {  	[sflag:s26] =	ssyncadd.s32 $0xFFFFC000  }
0x77: {  	s28 =	stileid.u32;
	[bflag:$0x0] =	sbarrier.arrive $0xFFFF  }
0x78: {  	s0 =	sshll.u32 s28, $0x6;
	s6 =	rddreg [dreg:$0x5]  }
0x79: {  	s0 =	sor.u32 $0x1C08, s0;
	s30 =	rddreg [dreg:$0xc];
	s29 =	sshrl.u32 s6, $0x3  }
0x7a: {  	[hbm:s30], [sflag:s0] =	dma.local [spmem:s29], $0x2800  }
0x7b: {  	_ =	swait.ge [sflag:s17], $0x2800  }
0x7c: {  	s20 =	sadd.s32 $0x1, s20;
	s31 =	rddreg [dreg:$0xd]  }
0x7d: {  	p0 =	sne.s32 s20, s31  }
.Ltmp3:
0x7e: {  	_ = 	snop;
	(pc) =	sbr.rel @p0 .LBB2_1-.Ltmp3, $3  }
0x7f: {  	_ =	sdelay $0x1  }
0x80: {  	[sflag:s17] =	ssyncset.done $0x0  }
0x81: {  	[sflag:s17] =	ssyncadd.s32 $0xFFFFD800  }
0x82: {  	_ =	sfence.sel $0x180000  }
0x83: {  	[bflag:$0x0] =	sbarrier.arrive $0xFFFF  }
0x84: {  	_ =	strace $0x9000004A  }
0x85: {  	s0 =	stileid.u32;
	[bflag:$0x2] =	sbarrier.arrive $0xFFFF  }
0x86: {  	p0 =	sne.s32 s0, $0x0;
	s0 =	rddreg [dreg:$0x2]  }
0x87: {  	s0 =	sadd.s32 @!p0 $0x100000, s0  }
0x88: {  	[sflag:s0] =	ssyncadd.tile.s32 @!p0 $0x1;
	_ =	shalt  }
.Lfunc_end2:
_tile_overlayer_lowered:
.L_overlay_start_2:
0x89: {  	(tag) =	ssettag $0x2  }
0x8a: {  	s0 =	rddreg [dreg:$0x0];
	s2 =	stileid.u32  }
0x8b: {  	s1 =	rddreg [dreg:$0x1];
	p0 =	sne.s32 s2, $0x0  }
0x8c: {  	s3 =	rddreg [dreg:$0x2];
	[bflag:$0x3] =	sbarrier.arrive $0xFFFF;
	s2 =	simm.s32 @!p0 $0x1C08  }
0x8d: {  	[timem:s3], [sflag:s2] =	dma.local @!p0 [hbm:s0], s1  }
0x8e: {  	s0 =	simm.s32 @!p0 $0x8  }
0x8f: {  	_ =	swait.ge @!p0 [sflag:s0], s1  }
0x90: {  	s1 =	ssub.s32 @!p0 $0x0, s1;
	[sflag:s0] =	ssyncset.done @!p0 $0x0  }
0x91: {  	[sflag:s0] =	ssyncadd.s32 @!p0 s1  }
0x92: {  	[bflag:$0x3] =	sbarrier.arrive $0xFFFF  }
0x93: {  	_ =	shalt  }

// kernel: kernel.14.cloned.1.call-start
scs
__scs_entry_jumppad:
0x0: {  	(pc) =	sbr.rel $0x88, $3  }
0x1: {  	(tag) =	ssettag $0x0;
	lr =	simm.s32 $0x1  }
0x2: {  	[smem:$0x3F84] =	sst lr;
	_ =	strace $0xD0000000  }
0x3: {  	_ = 	snop  }
0x4: {  	_ = 	snop  }
0x5: {  	_ = 	snop  }
0x6: {  	_ = 	snop  }
0x7: {  	_ = 	snop  }
__scs_overlays_trampoline_lowered:
0x8: {  	[smem:$0x3F93] =	sst s0  }
0x9: {  	[smem:$0x3F94] =	sst s1  }
0xa: {  	[smem:$0x3F95] =	sst s2  }
0xb: {  	[smem:$0x3F96] =	sst s3  }
0xc: {  	[smem:$0x3F97] =	sst s4  }
0xd: {  	[smem:$0x3F98] =	sst s5  }
0xe: {  	[smem:$0x3F99] =	sst s6  }
0xf: {  	[smem:$0x3F9A] =	sst s7  }
0x10: {  	[smem:$0x3F9B] =	sst s8  }
0x11: {  	[smem:$0x3F9C] =	sst s9;
	s0 =	simm.s32 @!p0 $0x0  }
0x12: {  	s1 =	sld [smem:$0x3F82];
	s0 =	simm.s32 @p0 $0x1  }
0x13: {  	[smem:$0x3F9D] =	sst s0;
	s0 =	simm.s32 @!p1 $0x0  }
0x14: {  	s2 =	sld [smem:$0x3F81];
	s0 =	simm.s32 @p1 $0x1  }
0x15: {  	[smem:$0x3F9E] =	sst s0;
	s0 =	simm.s32 @!p2 $0x0  }
0x16: {  	s3 =	sld [smem:$0x3FDB];
	s0 =	simm.s32 @p2 $0x1  }
0x17: {  	s4 =	simm.s32 $0x1BF5;
	[smem:$0x3FA0] =	sst s0  }
0x18: {  	s0 =	sld [smem:$0x3F83];
	_ =	swait.ge [sflag:s4], $0x0  }
0x19: {  	s7 =	sld [smem:$0x3F84]  }
0x1a: {  	s8 =	sadd.s32 $0xFFFFE003, lr  }
0x1b: {  	s9 =	sadd.s32 $0xFFFFFEF7, lr;
	s5 =	simm.s32 $0xFFFFFFFF;
	p2 =	slt.u32 s8, $0xFFFFF086  }
0x1c: {  	p1 =	slt.u32 s9, $0xF7A;
	s5 =	simm.s32 @!p2 $0x0  }
0x1d: {  	s5 =	simm.s32 @p1 $0x1;
	p0 =	seq.s32 s7, s2  }
0x1e: {  	s7 =	smul.u32 @!p0 $0xF7A, s2;
	p2 =	seq.s32 @!p0 s5, $0x0  }
0x1f: {  	s9 =	smul.u32 $0xF7A, s1;
	s8 =	simm.s32 @!p0 $0x1BF5;
	p2 =	por !p2, p0  }
0x20: {  	[sflag:s8] =	ssyncset.s32 @!p0 $0xFFFFF086;
	s6 =	sadd.s32 @!p0 s3, s7;
	s7 =	simm.s32 @!p0 $0x108  }
0x21: {  	s3 =	sadd.s32 s3, s9;
	s6 =	sadd.s32 @!p0 $0x88, s6;
	s7 =	simm.s32 @p2 $0x1082  }
0x22: {  	[simem:s7], [sflag:s8] =	dma.local @!p0 [hbm:s6], $0xF7A  }
0x23: {  	s9 =	sor.u32 $0xD0000000, s2;
	s6 =	simm.s32 $0x108;
	_ =	swait.ge @!p0 [sflag:s8], $0x0  }
0x24: {  	s3 =	sadd.s32 $0x88, s3;
	s6 =	simm.s32 @!p1 $0x1082;
	[sflag:s4] =	ssyncset.s32 $0xFFFFF086  }
0x25: {  	[simem:s6], [sflag:s4] =	dma.local [hbm:s3], $0xF7A  }
0x26: {  	[smem:$0x3F84] =	sst s1;
	(tag) =	ssettag s2;
	_ =	strace s9  }
0x27: {  	s1 =	sld [smem:$0x3F94]  }
0x28: {  	s2 =	sld [smem:$0x3F95]  }
0x29: {  	s4 =	sld [smem:$0x3F97]  }
0x2a: {  	p0 =	seq.s32 s5, $0x0;
	s5 =	sld [smem:$0x3F98]  }
0x2b: {  	s6 =	sld [smem:$0x3F99]  }
0x2c: {  	s7 =	sld [smem:$0x3F9A]  }
0x2d: {  	s3 =	simm.s32 $0x108;
	s8 =	sld [smem:$0x3F9B]  }
0x2e: {  	s3 =	simm.s32 @!p0 $0x1082;
	s9 =	sld [smem:$0x3F9C]  }
0x2f: {  	lr =	sadd.s32 s0, s3;
	s0 =	sld [smem:$0x3F93]  }
0x30: {  	s3 =	sld [smem:$0x3F96]  }
0x31: {  	[smem:$0x3F9F] =	sst s10  }
0x32: {  	s10 =	sld [smem:$0x3F9D];
	_ =	sdelay $0x3  }
0x33: {  	p0 =	seq.s32 s10, $0x1;
	s10 =	sld [smem:$0x3F9F];
	_ =	sdelay $0x3  }
0x34: {  	[smem:$0x3F9F] =	sst s10  }
0x35: {  	s10 =	sld [smem:$0x3F9E];
	_ =	sdelay $0x3  }
0x36: {  	p1 =	seq.s32 s10, $0x1;
	s10 =	sld [smem:$0x3F9F];
	_ =	sdelay $0x3  }
0x37: {  	[smem:$0x3F9F] =	sst s10  }
0x38: {  	s10 =	sld [smem:$0x3FA0]  }
0x39: {  	_ = 	snop;
	(pc) =	sbr.ind lr, $3  }
0x3a: {  	_ = 	snop  }
0x3b: {  	_ = 	snop  }
0x3c: {  	p2 =	seq.s32 s10, $0x1;
	s10 =	sld [smem:$0x3F9F]  }
0x3d: {  	_ =	shalt  }
0x3e: {  	_ =	shalt  }
0x3f: {  	_ =	shalt  }
0x40: {  	_ =	shalt  }
0x41: {  	_ =	shalt  }
0x42: {  	_ =	shalt  }
0x43: {  	_ =	shalt  }
0x44: {  	_ =	shalt  }
0x45: {  	_ =	shalt  }
0x46: {  	_ =	shalt  }
0x47: {  	_ =	shalt  }
0x48: {  	_ =	shalt  }
0x49: {  	_ =	shalt  }
0x4a: {  	_ =	shalt  }
0x4b: {  	_ =	shalt  }
0x4c: {  	_ =	shalt  }
0x4d: {  	_ =	shalt  }
0x4e: {  	_ =	shalt  }
0x4f: {  	_ =	shalt  }
0x50: {  	_ =	shalt  }
0x51: {  	_ =	shalt  }
0x52: {  	_ =	shalt  }
0x53: {  	_ =	shalt  }
0x54: {  	_ =	shalt  }
0x55: {  	_ =	shalt  }
0x56: {  	_ =	shalt  }
0x57: {  	_ =	shalt  }
0x58: {  	_ =	shalt  }
0x59: {  	_ =	shalt  }
0x5a: {  	_ =	shalt  }
0x5b: {  	_ =	shalt  }
0x5c: {  	_ =	shalt  }
0x5d: {  	_ =	shalt  }
0x5e: {  	_ =	shalt  }
0x5f: {  	_ =	shalt  }
0x60: {  	_ =	shalt  }
0x61: {  	_ =	shalt  }
0x62: {  	_ =	shalt  }
0x63: {  	_ =	shalt  }
0x64: {  	_ =	shalt  }
0x65: {  	_ =	shalt  }
0x66: {  	_ =	shalt  }
0x67: {  	_ =	shalt  }
0x68: {  	_ =	shalt  }
0x69: {  	_ =	shalt  }
0x6a: {  	_ =	shalt  }
0x6b: {  	_ =	shalt  }
0x6c: {  	_ =	shalt  }
0x6d: {  	_ =	shalt  }
0x6e: {  	_ =	shalt  }
0x6f: {  	_ =	shalt  }
0x70: {  	_ =	shalt  }
0x71: {  	_ =	shalt  }
0x72: {  	_ =	shalt  }
0x73: {  	_ =	shalt  }
0x74: {  	_ =	shalt  }
0x75: {  	_ =	shalt  }
0x76: {  	_ =	shalt  }
0x77: {  	_ =	shalt  }
0x78: {  	_ =	shalt  }
0x79: {  	_ =	shalt  }
0x7a: {  	_ =	shalt  }
0x7b: {  	_ =	shalt  }
0x7c: {  	_ =	shalt  }
0x7d: {  	_ =	shalt  }
0x7e: {  	_ =	shalt  }
0x7f: {  	_ =	shalt  }
0x80: {  	_ =	shalt  }
0x81: {  	_ =	shalt  }
0x82: {  	_ =	shalt  }
0x83: {  	_ =	shalt  }
0x84: {  	_ =	shalt  }
0x85: {  	_ =	shalt  }
0x86: {  	_ =	shalt  }
0x87: {  	_ =	shalt  }
.Lfunc_end0:
.L_simem_size_0:
called_computation.2_lowered:
.L_overlay_start_0:
0x88: {  	s2 =	sld [smem:$0x3FD9]  }
0x89: {  	s3 =	sld [smem:$0x3FFE];
	_ =	sdelay $0x1  }
0x8a: {  	s1 =	srdreg.scid  }
0x8b: {  	s0 =	sand.u32 $0x1, s1  }
0x8c: {  	s16 =	sshll.u32 s0, $0xA;
	s2 =	sadd.s32 s3, s2  }
0x8d: {  	s2 =	sadd.s32 s2, s16  }
0x8e: {  	[smem:$0x3FAB] =	sst s2  }
0x8f: {  	_ = 	snop  }
0x90: {  	(tm) =	ssettm $0x1  }
0x91: {  	s17 =	sld [smem:$0x3FFB];
	_ =	sdelay $0x3  }
0x92: {  	_ =	strace s17  }
0x93: {  	s2 =	sld [smem:$0x3FFC];
	_ =	sdelay $0x3  }
0x94: {  	_ =	strace s2  }
0x95: {  	s2 =	sld [smem:$0x3FFD];
	_ =	sdelay $0x3  }
0x96: {  	_ =	strace s2  }
0x97: {  	_ =	strace $0x8FFFFFFF  }
0x98: {  	s18 =	sld [smem:$0x3FDB];
	_ =	sdelay $0x1  }
0x99: {  	s19 =	simm.s32 $_scs_section_size  }
0x9a: {  	s4 =	simm.s32 $_size__tile_overlayer_lowered;
	s5 =	simm.s32 $_tile_overlayer_lowered  }
0x9b: {  	s22 =	simm.s32 $0x1BFF;
	s21 =	sshll.u32 s5, $0x1;
	s2 =	sadd.s32 s19, s18  }
0x9c: {  	s6 =	simm.s32 $0x0;
	s20 =	sshll.u32 s4, $0x1;
	s4 =	sadd.s32 s21, s2  }
0x9d: {  	[timem:s6], [sflag:s22] =	dma.local [hbm:s4], s20  }
0x9e: {  	_ =	swait.ge [sflag:s22], s20  }
0x9f: {  	s3 =	ssub.s32 $0x0, s20;
	[sflag:s22] =	ssyncset.done $0x0  }
0xa0: {  	[sflag:s22] =	ssyncadd.s32 s3;
	_ =	sdelay $0x1  }
0xa1: {  	s23 =	simm.s32 $0x1B8B  }
0xa2: {  	_ =	swait.ge [sflag:s23], $0x1  }
0xa3: {  	[sflag:s23] =	ssyncset.done $0x0  }
0xa4: {  	s25 =	simm.s32 $0x1B8E;
	s24 =	sld [smem:$0x3FFE];
	[sflag:s23] =	ssyncadd.s32 $0xFFFFFFFF  }
0xa5: {  	s26 =	simm.s32 $execute0_lowered;
	[smem:$0x3FD2] =	sst s25  }
0xa6: {  	s4 =	sshll.u32 s26, $0x1;
	_ =	strace $0x8000004C;
	[dreg:$0x1] =	wrdreg $0xFFFFFFFF  }
0xa7: {  	s28 =	simm.s32 $_size_execute0_lowered;
	s2 =	sadd.s32 s2, s4;
	[dreg:$0x0] =	wrdreg $0x0  }
0xa8: {  	s4 =	sshll.u32 s28, $0x1;
	[dreg:$0x2] =	wrdreg s2  }
0xa9: {  	[dreg:$0x3] =	wrdreg s4  }
0xaa: {  	[dreg:$0x4] =	wrdreg $0xC0  }
0xab: {  	_ =	task [dreg:s6], $0x5FFFF  }
0xac: {  	[dreg:$0x1] =	wrdreg $0xFFFFFFFF  }
0xad: {  	[dreg:$0x0] =	wrdreg $0x60  }
0xae: {  	[dreg:$0x2] =	wrdreg s24  }
0xaf: {  	[dreg:$0x3] =	wrdreg $0x83000  }
0xb0: {  	[dreg:$0x4] =	wrdreg $0x9  }
0xb1: {  	_ =	task.clear_ibuf [dreg:s6], $0x5FFFF;
	_ =	strace $0x9000004C  }
0xb2: {  	s29 =	simm.s32 $0x9;
	_ =	strace $0x8000004E  }
0xb3: {  	_ =	swait.ge [sflag:s29], $0x1  }
0xb4: {  	[sflag:s29] =	ssyncadd.s32 $0xFFFFFFFF  }
0xb5: {  	_ =	strace $0x9000004E  }
0xb6: {  	_ =	sfence  }
0xb7: {  	s30 =	sld [smem:$0x0];
	_ =	sdelay $0x2  }
0xb8: {  	s31 =	sshll.u32 s1, $0xD;
	s1 =	sshrl.u32 s1, $0x2  }
0xb9: {  	s3 =	sand.u32 $0x4000, s31;
	s1 =	sadd.s32 s1, s30  }
0xba: {  	s0 =	sor.u32 s3, s0;
	s1 =	sshll.u32 s1, $0x11  }
0xbb: {  	s0 =	sor.u32 s1, s0  }
0xbc: {  	s0 =	sadd.s32 $0x8F2B, s0  }
0xbd: {  	[sflag:s0] =	ssyncadd.remote.s32 $0x1  }
0xbe: {  	_ =	sfence.sel $0xFFFF  }
0xbf: {  	[dreg:$0x0] =	wrdreg $0xFFFFFFFF;
	(pc) =	sbr.abs _section_cstart, $3  }
0xc0: {  	[dreg:$0x1] =	wrdreg $0xFFFFFFFF  }
0xc1: {  	_ =	task.clear_ibuf [dreg:s6], $0x2FFFF;
	_ =	strace $0x9FFFFFFF  }
0xc2: {  	(tm) =	ssettm $0x7FFFFFFF  }
0xc3: {  	_ =	shalt  }
tec
execute0_lowered:
.L_overlay_start_1:
0x0: {  	(tag) =	ssettag $0x1  }
0x1: {  	s8 =	stileid.u32  }
0x2: {  	s0 =	rddreg [dreg:$0x0];
	s3 =	smul.u32 $0xC6, s8  }
0x3: {  	s1 =	srdreg.scid;
	s4 =	smul.u32 $0x74, s8  }
0x4: {  	s2 =	rddreg [dreg:$0x1];
	s6 =	simm.s32 $0x0;
	s16 =	smul.u32 $0x14000, s8  }
0x5: {  	s1 =	sand.u32 $0x1, s1;
	[smem:$0x7FF] =	sst s6;
	s19 =	smul.u32 $0x50000, s8  }
0x6: {  	s31 =	simm.s32 $0x80;
	s5 =	smul.u32 $0x140000, s1;
	_ =	strace $0x8000004D  }
0x7: {  	p0 =	seq.s32 s1, $0x0;
	s1 =	ssub.s32 $0x2, s1;
	[dreg:$0x3] =	wrdreg s31  }
0x8: {  	s7 =	sadd.s32 $0xC60, s4;
	s4 =	sadd.s32 $0x91800, s0;
	s6 =	sshrl.u32 s19, $0x2  }
0x9: {  	s20 =	sshrl.u32 s1, $0x1;
	s7 =	smov.u32 @p0 s3;
	s6 =	sadd.s32 s6, s2  }
0xa: {  	s17 =	sadd.s32 s16, s5;
	s21 =	sadd.s32 $0x4000, s6;
	[dreg:$0x5] =	wrdreg s6  }
0xb: {  	s5 =	simm.s32 $0xC6;
	s22 =	sadd.s32 $0x8000, s6;
	[dreg:$0x6] =	wrdreg s21  }
0xc: {  	s1 =	ssub.s32 s1, s20;
	s23 =	sadd.s32 $0xC000, s6;
	[dreg:$0x7] =	wrdreg s22  }
0xd: {  	s18 =	sshll.u32 s7, $0x5;
	s24 =	sadd.s32 $0x10000, s6;
	[dreg:$0x8] =	wrdreg s23  }
0xe: {  	s5 =	simm.s32 @!p0 $0x74;
	s28 =	smax.u32 s1, $0x1;
	[dreg:$0x9] =	wrdreg s24  }
0xf: {  	s7 =	sadd.s32 s18, s0;
	[dreg:$0xd] =	wrdreg s28;
	s29 =	ssub.s32 $0x0, s5  }
0x10: {  	s3 =	sshrl.u32 s17, $0x3;
	s25 =	sadd.s32 $0x6A400, s7;
	[dreg:$0x4] =	wrdreg s29  }
0x11: {  	s0 =	sadd.s32 s3, s0;
	s26 =	sadd.s32 $0x6A420, s7;
	[dreg:$0xa] =	wrdreg s25  }
0x12: {  	s0 =	sadd.s32 $0xB8A00, s0;
	[dreg:$0xb] =	wrdreg s26  }
0x13: {  	s16 =	simm.s32 $0x300;
	s30 =	sadd.s32 $0x6A440, s7;
	[dreg:$0xc] =	wrdreg s0  }
0x14: {  	v0 =	vimm.f32 $0.0e+00;
	s20 =	simm.s32 $0x0;
	s17 =	simm.s32 $0x8;
	[dreg:$0xe] =	wrdreg s30  }
.LBB2_1:
0x15: {  	s0 =	simm.s32 $0x0  }
0x16: {  	s1 =	sand.u32 $0xFFFFFF80, s0  }
0x17: {  	s1 =	ssub.s32 $0x0, s1  }
0x18: {  	s3 =	simm.s32 $0x0;
	s0 =	sand.u32 $0x3FFFFF80, s0;
	s1 =	sand.u32 $0xFFFFFF80, s1  }
0x19: {  	s7 =	sand.u32 $0x70, s3;
	s1 =	sadd.s32 s1, s0  }
0x1a: {  	s0 =	simm.s32 $0x1;
	s7 =	sor.u32 s7, s1;
	s1 =	simm.s32 $0x0  }
.LBB2_2:
0x1b: {  	s8 =	sshll.u32 s0, $0x4;
	p0 =	sne.s32 s0, $0x3FF;
	s0 =	sadd.s32 $0x1, s0;
	[tilespmem:s7+$0x300] =	vst v0  }
.Ltmp0:
0x1c: {  	s1 =	sadd.s32 $0x10, s1;
	s7 =	sand.u32 $0xFFFFFF80, s8;
	(pc) =	sbr.rel @p0 .LBB2_2-.Ltmp0, $4  }
0x1d: {  	s7 =	ssub.s32 s1, s7  }
0x1e: {  	s8 =	sand.u32 $0x3FFFFF80, s8;
	s7 =	sand.u32 $0xFFFFFF80, s7  }
0x1f: {  	s9 =	sand.u32 $0x70, s1;
	s7 =	sadd.s32 s7, s8  }
0x20: {  	s7 =	sor.u32 s9, s7  }
0x21: {  	[tilespmem:s7+$0x300] =	vst v0  }
0x22: {  	[spmem:s6] =	stream.linear.scatter [tilespmem:s16], [sflag:$0x8], $0x4000, $0x38;
	[tilespmem:$0x1C300] =	vst v63  }
0x23: {  	_ =	swait.ge [sflag:s17], $0x4000  }
0x24: {  	[sflag:s17] =	ssyncset.done $0x0  }
0x25: {  	s0 =	rddreg [dreg:$0x6];
	[sflag:s17] =	ssyncadd.s32 $0xFFFFC000  }
0x26: {  	[spmem:s0] =	stream.linear.scatter [tilespmem:s16], [sflag:$0x8], $0x4000, $0x38;
	[tilespmem:$0x1C300] =	vst v63  }
0x27: {  	_ =	swait.ge [sflag:s17], $0x4000  }
0x28: {  	[sflag:s17] =	ssyncset.done $0x0  }
0x29: {  	s3 =	rddreg [dreg:$0x7];
	[sflag:s17] =	ssyncadd.s32 $0xFFFFC000  }
0x2a: {  	[spmem:s3] =	stream.linear.scatter [tilespmem:s16], [sflag:$0x8], $0x4000, $0x38;
	[tilespmem:$0x1C300] =	vst v63  }
0x2b: {  	_ =	swait.ge [sflag:s17], $0x4000  }
0x2c: {  	[sflag:s17] =	ssyncset.done $0x0  }
0x2d: {  	s6 =	rddreg [dreg:$0x8];
	[sflag:s17] =	ssyncadd.s32 $0xFFFFC000  }
0x2e: {  	[spmem:s6] =	stream.linear.scatter [tilespmem:s16], [sflag:$0x8], $0x4000, $0x38;
	[tilespmem:$0x1C300] =	vst v63  }
0x2f: {  	_ =	swait.ge [sflag:s17], $0x4000  }
0x30: {  	[sflag:s17] =	ssyncset.done $0x0  }
0x31: {  	s7 =	rddreg [dreg:$0x9];
	[sflag:s17] =	ssyncadd.s32 $0xFFFFC000  }
0x32: {  	[spmem:s7] =	stream.linear.scatter [tilespmem:s16], [sflag:$0x8], $0x4000, $0x38;
	[tilespmem:$0x1C300] =	vst v63  }
0x33: {  	_ =	swait.ge [sflag:s17], $0x4000  }
0x34: {  	[sflag:s17] =	ssyncset.done $0x0  }
0x35: {  	[sflag:s17] =	ssyncadd.s32 $0xFFFFC000  }
0x36: {  	s8 =	simm.s32 $0x0;
	s9 =	simm.s32 $0x80;
	[bflag:$0x0] =	sbarrier.arrive $0xFFFF  }
0x37: {  	s10 =	simm.s32 $0x100;
	s21 =	simm.s32 $0x7;
	s1 =	rddreg [dreg:$0xa]  }
0x38: {  	[tilespmem:s8], [sflag:$0x8] =	stream.linear.gather [hbm4b:s1+s8], $0x100, $0x38;
	[tilespmem:$0x1C300] =	vst v63  }
0x39: {  	s11 =	simm.s32 $0x2;
	s29 =	simm.s32 $0x200;
	_ =	swait.ge [sflag:s17], $0x100  }
0x3a: {  	s12 =	simm.s32 $0x1;
	s22 =	simm.s32 $0x200;
	[sflag:s17] =	ssyncset.done $0x0  }
0x3b: {  	s23 =	simm.s32 $0x180;
	s24 =	simm.s32 $0x1;
	[sflag:s17] =	ssyncadd.s32 $0xFFFFFF00  }
0x3c: {  	[tilespmem:s16], [sflag:$0x1] =	stream.indirect.gather [hbm4b:s4+s9], $0x80, s8, s9, $0xb8;
	[tilespmem:$0x1C300] =	vst v63  }
0x3d: {  	s25 =	simm.s32 $0x300;
	s7 =	smulhi.u32 $0xAAAAAAAB, s12;
	s3 =	rddreg [dreg:$0xb]  }
0x3e: {  	[tilespmem:s10], [sflag:$0x6] =	stream.linear.gather [hbm4b:s3+s8], $0x100, $0x38;
	[tilespmem:$0x1C300] =	vst v63  }
0x3f: {  	s26 =	simm.s32 $0x7;
	s0 =	smulhi.u32 $0xAAAAAAAB, s8;
	s8 =	simm.s32 $0x0  }
0x40: {  	p1 =	sle.u32 s5, $0x1;
	s7 =	sshrl.u32 s7, $0x1;
	s31 =	sand.u32 $0x1, s8  }
0x41: {  	p2 =	por @!p1 $0x1, $0x1;
	s13 =	smul.u32 $0xFFFFFFF4, s7;
	s9 =	sadd.s32 $0x1, s31  }
0x42: {  	p2 =	por p2, p1;
	s0 =	sshrl.u32 s0, $0x1;
	_ =	swait.ge [sflag:s9], $0x4000  }
0x43: {  	s7 =	smul.u32 $0xFFFFF400, s7;
	s8 =	sshra.s32 s13, $0x2;
	[sflag:s9] =	ssyncset.done $0x0  }
0x44: {  	s1 =	smulhi.u32 $0xAAAAAAAB, s11;
	s8 =	sadd.s32 $0x6, s8;
	[sflag:s9] =	ssyncadd.s32 $0xFFFFC000  }
0x45: {  	s11 =	smul.u32 $0xFFFFF400, s0;
	s0 =	sxor.u32 $0x1, s31;
	_ =	swait.ge @!p1 [sflag:s8], $0x100  }
0x46: {  	s7 =	sshra.s32 s7, $0x2;
	s10 =	sadd.s32 @!p1 $0x1, s0;
	[sflag:s8] =	ssyncset.done @!p1 $0x0  }
0x47: {  	s9 =	sshll.u32 @!p1 s0, $0xE;
	s0 =	sadd.s32 @!p2 $0x3, s0;
	[sflag:s8] =	ssyncadd.s32 @!p1 $0xFFFFFF00  }
0x48: {  	s1 =	sshrl.u32 s1, $0x1;
	s8 =	sor.u32 @!p1 $0x300, s9;
	_ =	swait.ge @!p2 [sflag:s0], $0x4000  }
0x49: {  	s9 =	simm.s32 @!p1 $0x80;
	[sflag:s0] =	ssyncset.done @!p2 $0x0;
	s15 =	rddreg [dreg:$0x4]  }
0x4a: {  	[sflag:s0] =	ssyncadd.s32 @!p2 $0xFFFFC000;
	s0 =	sadd.s32 $0x100, s7;
	s19 =	sadd.s32 $0x3, s15  }
0x4b: {  	[tilespmem:s8], [sflag:s10] =	stream.indirect.gather @!p1 [hbm4b:s4+s9], $0x80, s0, s9, $0xb8;
	[tilespmem:$0x1C300] =	vst v63  }
0x4c: {  	s28 =	simm.s32 $0x2;
	s12 =	smul.u32 $0xFFFFFFF4, s1;
	p1 =	sne.s32 s19, $0x2  }
.Ltmp1:
0x4d: {  	p0 =	sle.u32 s5, $0x2;
	s30 =	simm.s32 $0x3;
	(pc) =	sbr.rel @!p1 .LBB2_5-.Ltmp1, $4  }
0x4e: {  	s11 =	sshra.s32 s11, $0x2;
	s1 =	smul.u32 $0xFFFFF400, s1;
	s14 =	sshll.u32 s31, $0xE  }
0x4f: {  	s11 =	sadd.s32 $0x80, s11;
	s18 =	sshra.s32 s12, $0x2;
	s12 =	sor.u32 $0x300, s14  }
0x50: {  	s0 =	simm.s32 @!p0 $0x0;
	s8 =	sshra.s32 s1, $0x2;
	s1 =	rddreg [dreg:$0xe]  }
0x51: {  	s9 =	rddreg [dreg:$0x3];
	s10 =	sadd.s32 $0x7, s18;
	s15 =	smov.u32 s1  }
.LBB2_4:
0x52: {  	s29 =	sadd.s32 s8, s29  }
0x53: {  	s15 =	sadd.s32 $0x20, s15;
	s21 =	sadd.s32 $0x1, s21;
	s8 =	smov.u32 s22  }
0x54: {  	s7 =	smov.u32 s23;
	s13 =	smov.u32 s24;
	s14 =	sadd.s32 $0x3, s31  }
0x55: {  	s18 =	smov.u32 s28;
	s22 =	sadd.s32 $0x100, s22;
	s23 =	sadd.s32 $0x100, s23  }
0x56: {  	[tilespmem:s29], [sflag:s10] =	stream.linear.gather @!p0 [hbm4b:s1+s0], $0x100, $0x38;
	[tilespmem:$0x1C300] =	vst v63  }
0x57: {  	s24 =	sadd.s32 $0x1, s24;
	s10 =	smov.u32 s30;
	s19 =	smulhi.u32 $0xAAAAAAAB, s13  }
0x58: {  	s30 =	sadd.s32 $0x1, s30;
	s3 =	smulhi.u32 $0xAAAAAAAB, s18;
	p0 =	sge.u32 s10, s5  }
0x59: {  	[spmem:s2] =	stream.indirect.scatter.add.f32 [tilespmem:s12], [sflag:s14], $0x80, s11, s9, $0xb8;
	[tilespmem:$0x1C300] =	vst v63  }
0x5a: {  	s6 =	sadd.s32 $0xFFFFFFFF, s10;
	s31 =	sadd.s32 $0xFFFFFFFE, s10;
	s9 =	smov.u32 s26  }
0x5b: {  	s14 =	smulhi.u32 $0xAAAAAAAB, s10;
	s12 =	sshrl.u32 s3, $0x1;
	s31 =	sand.u32 $0x1, s31  }
0x5c: {  	s11 =	sshrl.u32 s19, $0x1;
	s18 =	smul.u32 $0xFFFFFFF4, s12;
	s3 =	sadd.s32 $0x1, s31  }
0x5d: {  	p1 =	sge.u32 s6, s5;
	s11 =	smul.u32 $0xFFFFF400, s11;
	_ =	swait.ge [sflag:s3], $0x4000  }
0x5e: {  	s12 =	smul.u32 $0xFFFFF400, s12;
	s6 =	sshra.s32 s18, $0x2;
	[sflag:s3] =	ssyncset.done $0x0  }
0x5f: {  	p2 =	seq.s32 @!p1 s10, $0x2;
	s9 =	sadd.s32 s6, s9;
	[sflag:s3] =	ssyncadd.s32 $0xFFFFC000  }
0x60: {  	s19 =	sxor.u32 $0x1, s31;
	p2 =	por p2, p1;
	_ =	swait.ge @!p1 [sflag:s9], $0x100  }
0x61: {  	s14 =	sshrl.u32 s14, $0x1;
	s10 =	sshra.s32 s12, $0x2;
	[sflag:s9] =	ssyncset.done @!p1 $0x0  }
0x62: {  	s12 =	sadd.s32 @!p1 $0x1, s19;
	[sflag:s9] =	ssyncadd.s32 @!p1 $0xFFFFFF00;
	s9 =	sadd.s32 @!p2 $0x3, s19  }
0x63: {  	s18 =	simm.s32 @!p1 $0x80;
	s3 =	sshll.u32 @!p1 s19, $0xE;
	_ =	swait.ge @!p2 [sflag:s9], $0x4000  }
0x64: {  	s8 =	sadd.s32 s10, s8;
	[sflag:s9] =	ssyncset.done @!p2 $0x0;
	s6 =	rddreg [dreg:$0x4]  }
0x65: {  	s3 =	sor.u32 @!p1 $0x300, s3;
	[sflag:s9] =	ssyncadd.s32 @!p2 $0xFFFFC000;
	s6 =	sadd.s32 s30, s6  }
0x66: {  	[tilespmem:s3], [sflag:s12] =	stream.indirect.gather @!p1 [hbm4b:s4+s18], $0x80, s8, s18, $0xb8;
	[tilespmem:$0x1C300] =	vst v63  }
0x67: {  	s28 =	sadd.s32 $0x1, s28;
	s19 =	smul.u32 $0xFFFFFFF4, s14;
	p1 =	sne.s32 s6, $0x2  }
.Ltmp2:
0x68: {  	s1 =	smov.u32 s15;
	s29 =	smov.u32 s25;
	(pc) =	sbr.rel @p1 .LBB2_4-.Ltmp2, $4  }
0x69: {  	s25 =	sadd.s32 $0x100, s25;
	s26 =	sadd.s32 $0x1, s26;
	s14 =	smul.u32 $0xFFFFF400, s14  }
0x6a: {  	s0 =	simm.s32 @!p0 $0x0;
	s13 =	sshll.u32 s31, $0xE;
	s9 =	rddreg [dreg:$0x3]  }
0x6b: {  	s18 =	sshra.s32 s19, $0x2;
	s8 =	sshra.s32 s14, $0x2;
	s19 =	sshra.s32 s11, $0x2  }
0x6c: {  	s12 =	sor.u32 $0x300, s13;
	s10 =	sadd.s32 s18, s21;
	s11 =	sadd.s32 s19, s7  }
.LBB2_5:
0x6d: {  	s3 =	sadd.s32 s8, s29  }
0x6e: {  	[tilespmem:s3], [sflag:s10] =	stream.linear.gather @!p0 [hbm4b:s1+s0], $0x100, $0x38;
	[tilespmem:$0x1C300] =	vst v63  }
0x6f: {  	s24 =	sadd.s32 $0x3, s31;
	s25 =	simm.s32 $0x3  }
0x70: {  	[spmem:s2] =	stream.indirect.scatter.add.f32 [tilespmem:s12], [sflag:s24], $0x80, s11, s9, $0xb8;
	[tilespmem:$0x1C300] =	vst v63  }
0x71: {  	_ =	swait.ge [sflag:s25], $0x4000  }
0x72: {  	[sflag:s25] =	ssyncset.done $0x0  }
0x73: {  	s26 =	simm.s32 $0x4;
	[sflag:s25] =	ssyncadd.s32 $0xFFFFC000  }
0x74: {  	_ =	swait.ge [sflag:s26], $0x4000  }
0x75: {  	[sflag:s26] =	ssyncset.done $0x0  }
0x76: {  	[sflag:s26] =	ssyncadd.s32 $0xFFFFC000  }
0x77: {  	s28 =	stileid.u32;
	[bflag:$0x0] =	sbarrier.arrive $0xFFFF  }
0x78: {  	s0 =	sshll.u32 s28, $0x6;
	s6 =	rddreg [dreg:$0x5]  }
0x79: {  	s0 =	sor.u32 $0x1C08, s0;
	s30 =	rddreg [dreg:$0xc];
	s29 =	sshrl.u32 s6, $0x3  }
0x7a: {  	[hbm:s30], [sflag:s0] =	dma.local [spmem:s29], $0x2800  }
0x7b: {  	_ =	swait.ge [sflag:s17], $0x2800  }
0x7c: {  	s20 =	sadd.s32 $0x1, s20;
	s31 =	rddreg [dreg:$0xd]  }
0x7d: {  	p0 =	sne.s32 s20, s31  }
.Ltmp3:
0x7e: {  	_ = 	snop;
	(pc) =	sbr.rel @p0 .LBB2_1-.Ltmp3, $3  }
0x7f: {  	_ =	sdelay $0x1  }
0x80: {  	[sflag:s17] =	ssyncset.done $0x0  }
0x81: {  	[sflag:s17] =	ssyncadd.s32 $0xFFFFD800  }
0x82: {  	_ =	sfence.sel $0x180000  }
0x83: {  	[bflag:$0x0] =	sbarrier.arrive $0xFFFF  }
0x84: {  	_ =	strace $0x9000004D  }
0x85: {  	s0 =	stileid.u32;
	[bflag:$0x2] =	sbarrier.arrive $0xFFFF  }
0x86: {  	p0 =	sne.s32 s0, $0x0;
	s0 =	rddreg [dreg:$0x2]  }
0x87: {  	s0 =	sadd.s32 @!p0 $0x100000, s0  }
0x88: {  	[sflag:s0] =	ssyncadd.tile.s32 @!p0 $0x1;
	_ =	shalt  }
.Lfunc_end2:
_tile_overlayer_lowered:
.L_overlay_start_2:
0x89: {  	(tag) =	ssettag $0x2  }
0x8a: {  	s0 =	rddreg [dreg:$0x0];
	s2 =	stileid.u32  }
0x8b: {  	s1 =	rddreg [dreg:$0x1];
	p0 =	sne.s32 s2, $0x0  }
0x8c: {  	s3 =	rddreg [dreg:$0x2];
	[bflag:$0x3] =	sbarrier.arrive $0xFFFF;
	s2 =	simm.s32 @!p0 $0x1C08  }
0x8d: {  	[timem:s3], [sflag:s2] =	dma.local @!p0 [hbm:s0], s1  }
0x8e: {  	s0 =	simm.s32 @!p0 $0x8  }
0x8f: {  	_ =	swait.ge @!p0 [sflag:s0], s1  }
0x90: {  	s1 =	ssub.s32 @!p0 $0x0, s1;
	[sflag:s0] =	ssyncset.done @!p0 $0x0  }
0x91: {  	[sflag:s0] =	ssyncadd.s32 @!p0 s1  }
0x92: {  	[bflag:$0x3] =	sbarrier.arrive $0xFFFF  }
0x93: {  	_ =	shalt  }

// kernel: kernel.8.cloned.1.call-start
scs
__scs_entry_jumppad:
0x0: {  	(pc) =	sbr.rel $0x88, $3  }
0x1: {  	(tag) =	ssettag $0x0;
	lr =	simm.s32 $0x1  }
0x2: {  	[smem:$0x3F84] =	sst lr;
	_ =	strace $0xD0000000  }
0x3: {  	_ = 	snop  }
0x4: {  	_ = 	snop  }
0x5: {  	_ = 	snop  }
0x6: {  	_ = 	snop  }
0x7: {  	_ = 	snop  }
__scs_overlays_trampoline_lowered:
0x8: {  	[smem:$0x3F93] =	sst s0  }
0x9: {  	[smem:$0x3F94] =	sst s1  }
0xa: {  	[smem:$0x3F95] =	sst s2  }
0xb: {  	[smem:$0x3F96] =	sst s3  }
0xc: {  	[smem:$0x3F97] =	sst s4  }
0xd: {  	[smem:$0x3F98] =	sst s5  }
0xe: {  	[smem:$0x3F99] =	sst s6  }
0xf: {  	[smem:$0x3F9A] =	sst s7  }
0x10: {  	[smem:$0x3F9B] =	sst s8  }
0x11: {  	[smem:$0x3F9C] =	sst s9;
	s0 =	simm.s32 @!p0 $0x0  }
0x12: {  	s1 =	sld [smem:$0x3F82];
	s0 =	simm.s32 @p0 $0x1  }
0x13: {  	[smem:$0x3F9D] =	sst s0;
	s0 =	simm.s32 @!p1 $0x0  }
0x14: {  	s2 =	sld [smem:$0x3F81];
	s0 =	simm.s32 @p1 $0x1  }
0x15: {  	[smem:$0x3F9E] =	sst s0;
	s0 =	simm.s32 @!p2 $0x0  }
0x16: {  	s3 =	sld [smem:$0x3FDB];
	s0 =	simm.s32 @p2 $0x1  }
0x17: {  	s4 =	simm.s32 $0x1BF5;
	[smem:$0x3FA0] =	sst s0  }
0x18: {  	s0 =	sld [smem:$0x3F83];
	_ =	swait.ge [sflag:s4], $0x0  }
0x19: {  	s7 =	sld [smem:$0x3F84]  }
0x1a: {  	s8 =	sadd.s32 $0xFFFFE003, lr  }
0x1b: {  	s9 =	sadd.s32 $0xFFFFFEF7, lr;
	s5 =	simm.s32 $0xFFFFFFFF;
	p2 =	slt.u32 s8, $0xFFFFF086  }
0x1c: {  	p1 =	slt.u32 s9, $0xF7A;
	s5 =	simm.s32 @!p2 $0x0  }
0x1d: {  	s5 =	simm.s32 @p1 $0x1;
	p0 =	seq.s32 s7, s2  }
0x1e: {  	s7 =	smul.u32 @!p0 $0xF7A, s2;
	p2 =	seq.s32 @!p0 s5, $0x0  }
0x1f: {  	s9 =	smul.u32 $0xF7A, s1;
	s8 =	simm.s32 @!p0 $0x1BF5;
	p2 =	por !p2, p0  }
0x20: {  	[sflag:s8] =	ssyncset.s32 @!p0 $0xFFFFF086;
	s6 =	sadd.s32 @!p0 s3, s7;
	s7 =	simm.s32 @!p0 $0x108  }
0x21: {  	s3 =	sadd.s32 s3, s9;
	s6 =	sadd.s32 @!p0 $0x88, s6;
	s7 =	simm.s32 @p2 $0x1082  }
0x22: {  	[simem:s7], [sflag:s8] =	dma.local @!p0 [hbm:s6], $0xF7A  }
0x23: {  	s9 =	sor.u32 $0xD0000000, s2;
	s6 =	simm.s32 $0x108;
	_ =	swait.ge @!p0 [sflag:s8], $0x0  }
0x24: {  	s3 =	sadd.s32 $0x88, s3;
	s6 =	simm.s32 @!p1 $0x1082;
	[sflag:s4] =	ssyncset.s32 $0xFFFFF086  }
0x25: {  	[simem:s6], [sflag:s4] =	dma.local [hbm:s3], $0xF7A  }
0x26: {  	[smem:$0x3F84] =	sst s1;
	(tag) =	ssettag s2;
	_ =	strace s9  }
0x27: {  	s1 =	sld [smem:$0x3F94]  }
0x28: {  	s2 =	sld [smem:$0x3F95]  }
0x29: {  	s4 =	sld [smem:$0x3F97]  }
0x2a: {  	p0 =	seq.s32 s5, $0x0;
	s5 =	sld [smem:$0x3F98]  }
0x2b: {  	s6 =	sld [smem:$0x3F99]  }
0x2c: {  	s7 =	sld [smem:$0x3F9A]  }
0x2d: {  	s3 =	simm.s32 $0x108;
	s8 =	sld [smem:$0x3F9B]  }
0x2e: {  	s3 =	simm.s32 @!p0 $0x1082;
	s9 =	sld [smem:$0x3F9C]  }
0x2f: {  	lr =	sadd.s32 s0, s3;
	s0 =	sld [smem:$0x3F93]  }
0x30: {  	s3 =	sld [smem:$0x3F96]  }
0x31: {  	[smem:$0x3F9F] =	sst s10  }
0x32: {  	s10 =	sld [smem:$0x3F9D];
	_ =	sdelay $0x3  }
0x33: {  	p0 =	seq.s32 s10, $0x1;
	s10 =	sld [smem:$0x3F9F];
	_ =	sdelay $0x3  }
0x34: {  	[smem:$0x3F9F] =	sst s10  }
0x35: {  	s10 =	sld [smem:$0x3F9E];
	_ =	sdelay $0x3  }
0x36: {  	p1 =	seq.s32 s10, $0x1;
	s10 =	sld [smem:$0x3F9F];
	_ =	sdelay $0x3  }
0x37: {  	[smem:$0x3F9F] =	sst s10  }
0x38: {  	s10 =	sld [smem:$0x3FA0]  }
0x39: {  	_ = 	snop;
	(pc) =	sbr.ind lr, $3  }
0x3a: {  	_ = 	snop  }
0x3b: {  	_ = 	snop  }
0x3c: {  	p2 =	seq.s32 s10, $0x1;
	s10 =	sld [smem:$0x3F9F]  }
0x3d: {  	_ =	shalt  }
0x3e: {  	_ =	shalt  }
0x3f: {  	_ =	shalt  }
0x40: {  	_ =	shalt  }
0x41: {  	_ =	shalt  }
0x42: {  	_ =	shalt  }
0x43: {  	_ =	shalt  }
0x44: {  	_ =	shalt  }
0x45: {  	_ =	shalt  }
0x46: {  	_ =	shalt  }
0x47: {  	_ =	shalt  }
0x48: {  	_ =	shalt  }
0x49: {  	_ =	shalt  }
0x4a: {  	_ =	shalt  }
0x4b: {  	_ =	shalt  }
0x4c: {  	_ =	shalt  }
0x4d: {  	_ =	shalt  }
0x4e: {  	_ =	shalt  }
0x4f: {  	_ =	shalt  }
0x50: {  	_ =	shalt  }
0x51: {  	_ =	shalt  }
0x52: {  	_ =	shalt  }
0x53: {  	_ =	shalt  }
0x54: {  	_ =	shalt  }
0x55: {  	_ =	shalt  }
0x56: {  	_ =	shalt  }
0x57: {  	_ =	shalt  }
0x58: {  	_ =	shalt  }
0x59: {  	_ =	shalt  }
0x5a: {  	_ =	shalt  }
0x5b: {  	_ =	shalt  }
0x5c: {  	_ =	shalt  }
0x5d: {  	_ =	shalt  }
0x5e: {  	_ =	shalt  }
0x5f: {  	_ =	shalt  }
0x60: {  	_ =	shalt  }
0x61: {  	_ =	shalt  }
0x62: {  	_ =	shalt  }
0x63: {  	_ =	shalt  }
0x64: {  	_ =	shalt  }
0x65: {  	_ =	shalt  }
0x66: {  	_ =	shalt  }
0x67: {  	_ =	shalt  }
0x68: {  	_ =	shalt  }
0x69: {  	_ =	shalt  }
0x6a: {  	_ =	shalt  }
0x6b: {  	_ =	shalt  }
0x6c: {  	_ =	shalt  }
0x6d: {  	_ =	shalt  }
0x6e: {  	_ =	shalt  }
0x6f: {  	_ =	shalt  }
0x70: {  	_ =	shalt  }
0x71: {  	_ =	shalt  }
0x72: {  	_ =	shalt  }
0x73: {  	_ =	shalt  }
0x74: {  	_ =	shalt  }
0x75: {  	_ =	shalt  }
0x76: {  	_ =	shalt  }
0x77: {  	_ =	shalt  }
0x78: {  	_ =	shalt  }
0x79: {  	_ =	shalt  }
0x7a: {  	_ =	shalt  }
0x7b: {  	_ =	shalt  }
0x7c: {  	_ =	shalt  }
0x7d: {  	_ =	shalt  }
0x7e: {  	_ =	shalt  }
0x7f: {  	_ =	shalt  }
0x80: {  	_ =	shalt  }
0x81: {  	_ =	shalt  }
0x82: {  	_ =	shalt  }
0x83: {  	_ =	shalt  }
0x84: {  	_ =	shalt  }
0x85: {  	_ =	shalt  }
0x86: {  	_ =	shalt  }
0x87: {  	_ =	shalt  }
.Lfunc_end0:
.L_simem_size_0:
called_computation_lowered:
.L_overlay_start_0:
0x88: {  	s2 =	sld [smem:$0x3FD9]  }
0x89: {  	s3 =	sld [smem:$0x3FFE];
	_ =	sdelay $0x1  }
0x8a: {  	s1 =	srdreg.scid  }
0x8b: {  	s0 =	sand.u32 $0x1, s1  }
0x8c: {  	s16 =	sshll.u32 s0, $0xA;
	s2 =	sadd.s32 s3, s2  }
0x8d: {  	s2 =	sadd.s32 s2, s16  }
0x8e: {  	[smem:$0x3FAB] =	sst s2  }
0x8f: {  	_ = 	snop  }
0x90: {  	(tm) =	ssettm $0x1  }
0x91: {  	s17 =	sld [smem:$0x3FFB];
	_ =	sdelay $0x3  }
0x92: {  	_ =	strace s17  }
0x93: {  	s2 =	sld [smem:$0x3FFC];
	_ =	sdelay $0x3  }
0x94: {  	_ =	strace s2  }
0x95: {  	s2 =	sld [smem:$0x3FFD];
	_ =	sdelay $0x3  }
0x96: {  	_ =	strace s2  }
0x97: {  	_ =	strace $0x8FFFFFFF  }
0x98: {  	s18 =	sld [smem:$0x3FDB];
	_ =	sdelay $0x1  }
0x99: {  	s19 =	simm.s32 $_scs_section_size  }
0x9a: {  	s4 =	simm.s32 $_size__tile_overlayer_lowered;
	s5 =	simm.s32 $_tile_overlayer_lowered  }
0x9b: {  	s22 =	simm.s32 $0x1BFF;
	s21 =	sshll.u32 s5, $0x1;
	s2 =	sadd.s32 s19, s18  }
0x9c: {  	s6 =	simm.s32 $0x0;
	s20 =	sshll.u32 s4, $0x1;
	s4 =	sadd.s32 s21, s2  }
0x9d: {  	[timem:s6], [sflag:s22] =	dma.local [hbm:s4], s20  }
0x9e: {  	_ =	swait.ge [sflag:s22], s20  }
0x9f: {  	s3 =	ssub.s32 $0x0, s20;
	[sflag:s22] =	ssyncset.done $0x0  }
0xa0: {  	[sflag:s22] =	ssyncadd.s32 s3;
	_ =	sdelay $0x1  }
0xa1: {  	s23 =	simm.s32 $0x1B8B  }
0xa2: {  	_ =	swait.ge [sflag:s23], $0x1  }
0xa3: {  	[sflag:s23] =	ssyncset.done $0x0  }
0xa4: {  	s25 =	simm.s32 $0x1B8E;
	s24 =	sld [smem:$0x3FFE];
	[sflag:s23] =	ssyncadd.s32 $0xFFFFFFFF  }
0xa5: {  	s26 =	simm.s32 $execute0_lowered;
	[smem:$0x3FD2] =	sst s25  }
0xa6: {  	s4 =	sshll.u32 s26, $0x1;
	_ =	strace $0x80000046;
	[dreg:$0x1] =	wrdreg $0xFFFFFFFF  }
0xa7: {  	s28 =	simm.s32 $_size_execute0_lowered;
	s2 =	sadd.s32 s2, s4;
	[dreg:$0x0] =	wrdreg $0x0  }
0xa8: {  	s4 =	sshll.u32 s28, $0x1;
	[dreg:$0x2] =	wrdreg s2  }
0xa9: {  	[dreg:$0x3] =	wrdreg s4  }
0xaa: {  	[dreg:$0x4] =	wrdreg $0xC0  }
0xab: {  	_ =	task [dreg:s6], $0x5FFFF  }
0xac: {  	[dreg:$0x1] =	wrdreg $0xFFFFFFFF  }
0xad: {  	[dreg:$0x0] =	wrdreg $0x60  }
0xae: {  	[dreg:$0x2] =	wrdreg s24  }
0xaf: {  	[dreg:$0x3] =	wrdreg $0x81000  }
0xb0: {  	[dreg:$0x4] =	wrdreg $0x9  }
0xb1: {  	_ =	task.clear_ibuf [dreg:s6], $0x5FFFF;
	_ =	strace $0x90000046  }
0xb2: {  	s29 =	simm.s32 $0x9;
	_ =	strace $0x80000048  }
0xb3: {  	_ =	swait.ge [sflag:s29], $0x1  }
0xb4: {  	[sflag:s29] =	ssyncadd.s32 $0xFFFFFFFF  }
0xb5: {  	_ =	strace $0x90000048  }
0xb6: {  	_ =	sfence  }
0xb7: {  	s30 =	sld [smem:$0x0];
	_ =	sdelay $0x2  }
0xb8: {  	s31 =	sshll.u32 s1, $0xD;
	s1 =	sshrl.u32 s1, $0x2  }
0xb9: {  	s3 =	sand.u32 $0x4000, s31;
	s1 =	sadd.s32 s1, s30  }
0xba: {  	s0 =	sor.u32 s3, s0;
	s1 =	sshll.u32 s1, $0x11  }
0xbb: {  	s0 =	sor.u32 s1, s0  }
0xbc: {  	s0 =	sadd.s32 $0x8F2B, s0  }
0xbd: {  	[sflag:s0] =	ssyncadd.remote.s32 $0x1  }
0xbe: {  	_ =	sfence.sel $0xFFFF  }
0xbf: {  	[dreg:$0x0] =	wrdreg $0xFFFFFFFF;
	(pc) =	sbr.abs _section_cstart, $3  }
0xc0: {  	[dreg:$0x1] =	wrdreg $0xFFFFFFFF  }
0xc1: {  	_ =	task.clear_ibuf [dreg:s6], $0x2FFFF;
	_ =	strace $0x9FFFFFFF  }
0xc2: {  	(tm) =	ssettm $0x7FFFFFFF  }
0xc3: {  	_ =	shalt  }
tec
execute0_lowered:
.L_overlay_start_1:
0x0: {  	(tag) =	ssettag $0x1  }
0x1: {  	s5 =	rddreg [dreg:$0x0];
	s0 =	srdreg.scid  }
0x2: {  	s2 =	rddreg [dreg:$0x1];
	s1 =	stileid.u32  }
0x3: {  	s3 =	simm.s32 $0x0;
	s14 =	simm.s32 $0x4100;
	s7 =	smul.u32 $0x14000, s1  }
0x4: {  	s15 =	simm.s32 $0x3;
	s16 =	simm.s32 $0x80;
	s8 =	smul.u32 $0x50000, s1  }
0x5: {  	s17 =	simm.s32 $0x100;
	s6 =	sand.u32 $0x1, s0;
	s10 =	smul.u32 $0x5000, s1  }
0x6: {  	s18 =	simm.s32 $0x0;
	[smem:$0x7FF] =	sst s3;
	s4 =	smul.u32 $0x140000, s6  }
0x7: {  	s0 =	rddreg [dreg:$0x2];
	_ =	strace $0x80000047;
	s9 =	smul.u32 $0x50000, s6  }
0x8: {  	s6 =	ssub.s32 $0x2, s6;
	s8 =	sshrl.u32 s8, $0x2;
	s7 =	sadd.s32 s7, s4  }
0x9: {  	s31 =	sshrl.u32 s6, $0x1;
	s4 =	sadd.s32 $0x6400, s5;
	s7 =	sshrl.u32 s7, $0x3  }
0xa: {  	s13 =	ssub.s32 s6, s31;
	s12 =	sadd.s32 s7, s5;
	s5 =	sadd.s32 s8, s2  }
0xb: {  	s13 =	smax.u32 s13, $0x1;
	s7 =	sadd.s32 s10, s9;
	s6 =	sadd.s32 $0x4000, s5  }
0xc: {  	s8 =	sadd.s32 $0x8000, s5;
	s9 =	sadd.s32 $0xC000, s5;
	s11 =	sshrl.u32 s7, $0x3  }
0xd: {  	v0 =	vimm.f32 $1.000000000e+00;
	v1 =	vimm.f32 $0.0e+00;
	s10 =	sadd.s32 $0x10000, s5;
	s12 =	sadd.s32 $0x1A400, s12;
	s11 =	sadd.s32 s4, s11  }
.LBB2_1:
0xe: {  	s19 =	simm.s32 $0x0  }
0xf: {  	s20 =	sand.u32 $0xFFFFFF80, s19  }
0x10: {  	s20 =	ssub.s32 $0x0, s20  }
0x11: {  	s19 =	sand.u32 $0x3FFFFF80, s19;
	s20 =	sand.u32 $0xFFFFFF80, s20  }
0x12: {  	s21 =	sand.u32 $0x70, s3;
	s20 =	sadd.s32 s20, s19  }
0x13: {  	s19 =	simm.s32 $0x1;
	s21 =	sor.u32 s21, s20;
	s20 =	simm.s32 $0x0  }
.LBB2_2:
0x14: {  	s22 =	sshll.u32 s19, $0x4;
	p0 =	sne.s32 s19, $0x3FF;
	s19 =	sadd.s32 $0x1, s19;
	[tilespmem:s21+$0x100] =	vst v0  }
.Ltmp0:
0x15: {  	s20 =	sadd.s32 $0x10, s20;
	s21 =	sand.u32 $0xFFFFFF80, s22;
	(pc) =	sbr.rel @p0 .LBB2_2-.Ltmp0, $4  }
0x16: {  	s21 =	ssub.s32 s20, s21  }
0x17: {  	s22 =	sand.u32 $0x3FFFFF80, s22;
	s21 =	sand.u32 $0xFFFFFF80, s21  }
0x18: {  	s23 =	sand.u32 $0x70, s20;
	s21 =	sadd.s32 s21, s22  }
0x19: {  	s21 =	sor.u32 s23, s21  }
0x1a: {  	s20 =	simm.s32 $0x0  }
0x1b: {  	s19 =	sand.u32 $0xFFFFFF80, s20  }
0x1c: {  	s22 =	ssub.s32 $0x0, s19  }
0x1d: {  	s20 =	sand.u32 $0x3FFFFF80, s20;
	s19 =	simm.s32 $0x0;
	s22 =	sand.u32 $0xFFFFFF80, s22  }
0x1e: {  	s23 =	sand.u32 $0x70, s19;
	s22 =	sadd.s32 s22, s20  }
0x1f: {  	[tilespmem:s21+$0x100] =	vst v0;
	s20 =	simm.s32 $0x1;
	s21 =	sor.u32 s23, s22  }
.LBB2_4:
0x20: {  	s22 =	sshll.u32 s20, $0x4;
	p0 =	sne.s32 s20, $0x3FF;
	s20 =	sadd.s32 $0x1, s20;
	[tilespmem:s21+$0x4100] =	vst v1  }
.Ltmp1:
0x21: {  	s19 =	sadd.s32 $0x10, s19;
	s21 =	sand.u32 $0xFFFFFF80, s22;
	(pc) =	sbr.rel @p0 .LBB2_4-.Ltmp1, $4  }
0x22: {  	s21 =	ssub.s32 s19, s21  }
0x23: {  	s22 =	sand.u32 $0x3FFFFF80, s22;
	s21 =	sand.u32 $0xFFFFFF80, s21  }
0x24: {  	s23 =	sand.u32 $0x70, s19;
	s21 =	sadd.s32 s21, s22  }
0x25: {  	s21 =	sor.u32 s23, s21  }
0x26: {  	[tilespmem:s21+$0x4100] =	vst v1  }
0x27: {  	[spmem:s5] =	stream.linear.scatter [tilespmem:s14], [sflag:$0x3], $0x4000, $0x38;
	[tilespmem:$0x1C100] =	vst v63  }
0x28: {  	_ =	swait.ge [sflag:s15], $0x4000  }
0x29: {  	[sflag:s15] =	ssyncset.done $0x0  }
0x2a: {  	[sflag:s15] =	ssyncadd.s32 $0xFFFFC000  }
0x2b: {  	[spmem:s6] =	stream.linear.scatter [tilespmem:s14], [sflag:$0x3], $0x4000, $0x38;
	[tilespmem:$0x1C100] =	vst v63  }
0x2c: {  	_ =	swait.ge [sflag:s15], $0x4000  }
0x2d: {  	[sflag:s15] =	ssyncset.done $0x0  }
0x2e: {  	[sflag:s15] =	ssyncadd.s32 $0xFFFFC000  }
0x2f: {  	[spmem:s8] =	stream.linear.scatter [tilespmem:s14], [sflag:$0x3], $0x4000, $0x38;
	[tilespmem:$0x1C100] =	vst v63  }
0x30: {  	_ =	swait.ge [sflag:s15], $0x4000  }
0x31: {  	[sflag:s15] =	ssyncset.done $0x0  }
0x32: {  	[sflag:s15] =	ssyncadd.s32 $0xFFFFC000  }
0x33: {  	[spmem:s9] =	stream.linear.scatter [tilespmem:s14], [sflag:$0x3], $0x4000, $0x38;
	[tilespmem:$0x1C100] =	vst v63  }
0x34: {  	_ =	swait.ge [sflag:s15], $0x4000  }
0x35: {  	[sflag:s15] =	ssyncset.done $0x0  }
0x36: {  	[sflag:s15] =	ssyncadd.s32 $0xFFFFC000  }
0x37: {  	[spmem:s10] =	stream.linear.scatter [tilespmem:s14], [sflag:$0x3], $0x4000, $0x38;
	[tilespmem:$0x1C100] =	vst v63  }
0x38: {  	_ =	swait.ge [sflag:s15], $0x4000  }
0x39: {  	s19 =	simm.s32 $0x0;
	s20 =	simm.s32 $0x80;
	[sflag:s15] =	ssyncset.done $0x0  }
0x3a: {  	s24 =	sand.u32 $0xFC00, s20;
	s20 =	sand.u32 $0x380, s20;
	[sflag:s15] =	ssyncadd.s32 $0xFFFFC000  }
0x3b: {  	s22 =	sand.u32 $0x1, s19;
	s21 =	sadd.s32 s7, s24;
	[bflag:$0x0] =	sbarrier.arrive $0xFFFF  }
0x3c: {  	[tilespmem:s19], [sflag:$0x3] =	stream.linear.gather [hbm4b:s11+s19], $0x80, $0x38;
	[tilespmem:$0x1C100] =	vst v63  }
0x3d: {  	s26 =	sxor.u32 $0x1, s22;
	s25 =	sor.u32 s20, s21;
	_ =	swait.ge [sflag:s15], $0x80  }
0x3e: {  	s23 =	sshll.u32 s26, $0x7;
	s21 =	sshrl.u32 s25, $0x3;
	[sflag:s15] =	ssyncset.done $0x0  }
0x3f: {  	s28 =	sadd.s32 s4, s21;
	s19 =	sadd.s32 $0x1, s26;
	[sflag:s15] =	ssyncadd.s32 $0xFFFFFF80  }
0x40: {  	[tilespmem:s23], [sflag:s19] =	stream.linear.gather [hbm4b:s28+s3], $0x80, $0x38;
	[tilespmem:$0x1C100] =	vst v63  }
0x41: {  	s29 =	sshll.u32 s22, $0x7  }
0x42: {  	[spmem:s2] =	stream.indirect.scatter.add.f32 [tilespmem:s17], [sflag:$0x3], $0x80, s29, s16, $0xb8;
	[tilespmem:$0x1C100] =	vst v63  }
0x43: {  	s30 =	simm.s32 $0x100;
	_ =	swait.ge [sflag:s15], $0x4000  }
0x44: {  	s31 =	sand.u32 $0xFC00, s30;
	[sflag:s15] =	ssyncset.done $0x0  }
0x45: {  	s24 =	sand.u32 $0x380, s30;
	s20 =	simm.s32 $0x180;
	[sflag:s15] =	ssyncadd.s32 $0xFFFFC000  }
0x46: {  	s21 =	simm.s32 $0x1;
	s23 =	sadd.s32 s7, s31;
	_ =	swait.ge [sflag:s19], $0x80  }
0x47: {  	s22 =	sand.u32 $0x1, s21;
	s23 =	sor.u32 s24, s23;
	[sflag:s19] =	ssyncset.done $0x0  }
.LBB2_6:
0x48: {  	s24 =	sxor.u32 $0x1, s22  }
0x49: {  	s23 =	sshrl.u32 s23, $0x3;
	[sflag:s19] =	ssyncadd.s32 $0xFFFFFF80;
	s25 =	smov.u32 s20  }
0x4a: {  	s26 =	sshll.u32 s24, $0x7;
	s19 =	sadd.s32 $0x1, s24;
	s23 =	sadd.s32 s4, s23  }
0x4b: {  	[tilespmem:s26], [sflag:s19] =	stream.linear.gather [hbm4b:s23+s3], $0x80, $0x38;
	[tilespmem:$0x1C100] =	vst v63  }
0x4c: {  	p0 =	sne.s32 s20, $0x4E00;
	s20 =	sadd.s32 $0x80, s20;
	s22 =	sshll.u32 s22, $0x7  }
0x4d: {  	[spmem:s2] =	stream.indirect.scatter.add.f32 [tilespmem:s17], [sflag:$0x3], $0x80, s22, s16, $0xb8;
	[tilespmem:$0x1C100] =	vst v63  }
.Ltmp2:
0x4e: {  	_ =	swait.ge [sflag:s15], $0x4000;
	(pc) =	sbr.rel @p0 .LBB2_6-.Ltmp2, $4  }
0x4f: {  	[sflag:s15] =	ssyncset.done $0x0  }
0x50: {  	s21 =	sadd.s32 $0x1, s21;
	s22 =	sand.u32 $0xFC00, s25;
	[sflag:s15] =	ssyncadd.s32 $0xFFFFC000  }
0x51: {  	s24 =	sand.u32 $0x380, s25;
	s23 =	sadd.s32 s7, s22;
	_ =	swait.ge [sflag:s19], $0x80  }
0x52: {  	s22 =	sand.u32 $0x1, s21;
	s23 =	sor.u32 s24, s23;
	[sflag:s19] =	ssyncset.done $0x0  }
0x53: {  	s20 =	sxor.u32 $0x1, s22;
	s21 =	sshrl.u32 s23, $0x3;
	[sflag:s19] =	ssyncadd.s32 $0xFFFFFF80  }
0x54: {  	s28 =	sshll.u32 s20, $0x7;
	s20 =	sadd.s32 $0x1, s20;
	s21 =	sadd.s32 s4, s21  }
0x55: {  	[tilespmem:s28], [sflag:s20] =	stream.linear.gather [hbm4b:s21+s3], $0x80, $0x38;
	[tilespmem:$0x1C100] =	vst v63  }
0x56: {  	s29 =	sshll.u32 s22, $0x7  }
0x57: {  	[spmem:s2] =	stream.indirect.scatter.add.f32 [tilespmem:s17], [sflag:$0x3], $0x80, s29, s16, $0xb8;
	[tilespmem:$0x1C100] =	vst v63  }
0x58: {  	_ =	swait.ge [sflag:s15], $0x4000  }
0x59: {  	[sflag:s15] =	ssyncset.done $0x0  }
0x5a: {  	[sflag:s15] =	ssyncadd.s32 $0xFFFFC000  }
0x5b: {  	_ =	swait.ge [sflag:s20], $0x80  }
0x5c: {  	[sflag:s20] =	ssyncset.done $0x0  }
0x5d: {  	[sflag:s20] =	ssyncadd.s32 $0xFFFFFF80  }
0x5e: {  	[spmem:s2] =	stream.indirect.scatter.add.f32 [tilespmem:s17], [sflag:$0x3], $0x80, s3, s16, $0xb8;
	[tilespmem:$0x1C100] =	vst v63  }
0x5f: {  	_ =	swait.ge [sflag:s15], $0x4000  }
0x60: {  	s30 =	sshll.u32 s1, $0x6;
	s18 =	sadd.s32 $0x1, s18;
	[sflag:s15] =	ssyncset.done $0x0  }
0x61: {  	s31 =	sshrl.u32 s5, $0x3;
	p0 =	sne.s32 s18, s13;
	[sflag:s15] =	ssyncadd.s32 $0xFFFFC000  }
.Ltmp3:
0x62: {  	s19 =	sor.u32 $0x1C03, s30;
	[bflag:$0x0] =	sbarrier.arrive $0xFFFF;
	(pc) =	sbr.rel @p0 .LBB2_1-.Ltmp3, $4  }
0x63: {  	[hbm:s12], [sflag:s19] =	dma.local [spmem:s31], $0x2800  }
0x64: {  	_ =	swait.ge [sflag:s15], $0x2800  }
0x65: {  	[sflag:s15] =	ssyncset.done $0x0  }
0x66: {  	[sflag:s15] =	ssyncadd.s32 $0xFFFFD800  }
0x67: {  	_ =	sfence.sel $0x180000  }
0x68: {  	[bflag:$0x0] =	sbarrier.arrive $0xFFFF  }
0x69: {  	p0 =	sne.s32 s1, $0x0;
	_ =	strace $0x90000047  }
0x6a: {  	s0 =	sadd.s32 @!p0 $0x100000, s0;
	[bflag:$0x2] =	sbarrier.arrive $0xFFFF  }
0x6b: {  	[sflag:s0] =	ssyncadd.tile.s32 @!p0 $0x1;
	_ =	shalt  }
.Lfunc_end2:
_tile_overlayer_lowered:
.L_overlay_start_2:
0x6c: {  	(tag) =	ssettag $0x2  }
0x6d: {  	s0 =	rddreg [dreg:$0x0];
	s2 =	stileid.u32  }
0x6e: {  	s1 =	rddreg [dreg:$0x1];
	p0 =	sne.s32 s2, $0x0  }
0x6f: {  	s3 =	rddreg [dreg:$0x2];
	[bflag:$0x3] =	sbarrier.arrive $0xFFFF;
	s2 =	simm.s32 @!p0 $0x1C03  }
0x70: {  	[timem:s3], [sflag:s2] =	dma.local @!p0 [hbm:s0], s1  }
0x71: {  	s0 =	simm.s32 @!p0 $0x3  }
0x72: {  	_ =	swait.ge @!p0 [sflag:s0], s1  }
0x73: {  	s1 =	ssub.s32 @!p0 $0x0, s1;
	[sflag:s0] =	ssyncset.done @!p0 $0x0  }
0x74: {  	[sflag:s0] =	ssyncadd.s32 @!p0 s1  }
0x75: {  	[bflag:$0x3] =	sbarrier.arrive $0xFFFF  }
0x76: {  	_ =	shalt  }

</sc_bundles>
